<compile_context>
chip_gen: v7x
topology: tpu7x:2x2x1
jax: 0.10.2.dev20260603
libtpu: 0.0.44.dev20260713+nightly
codegen_flags: <defaults>
</compile_context>

<pallas_src>
import functools

import jax
import jax.numpy as jnp
from jax import lax
from jax.experimental import pallas as pl
from jax.experimental.pallas import tpu as pltpu
from jax.experimental.pallas import tpu_sc as plsc

N = 2048
D = 768
F = 1536
E = 8
TB = 256
G = 23
P = G * TB
NW = 32
CHUNK = N // NW


def _gate_body(x_ref, wg1_ref, bg1_ref, wg2_ref, bg2_ref,
               pos1_ref, pos2_ref, w1b_ref, w2b_ref, eid_ref):
    xb = x_ref[...]
    g1 = jnp.maximum(
        jnp.dot(xb, wg1_ref[...], preferred_element_type=jnp.float32)
        + bg1_ref[...], 0.0)
    logits = (jnp.dot(g1, wg2_ref[...], preferred_element_type=jnp.float32)
              + bg2_ref[...])
    m = jnp.max(logits, axis=-1, keepdims=True)
    ex = jnp.exp(logits - m)
    p = ex / jnp.sum(ex, axis=-1, keepdims=True)
    iota_e = jax.lax.broadcasted_iota(jnp.int32, (N, E), 1)
    w1 = jnp.max(p, axis=-1, keepdims=True)
    i1 = jnp.min(jnp.where(p >= w1, iota_e, E + 1), axis=-1, keepdims=True)
    pm = jnp.where(iota_e == i1, -jnp.inf, p)
    w2 = jnp.max(pm, axis=-1, keepdims=True)
    i2 = jnp.min(jnp.where(pm >= w2, iota_e, E + 1), axis=-1, keepdims=True)
    a = jnp.exp(w2 - w1)
    c1 = 1.0 / (1.0 + a)
    c2 = a * c1

    oh1 = (iota_e == i1).astype(jnp.float32)
    oh2 = (iota_e == i2).astype(jnp.float32)
    slot = oh1 + oh2
    rr = jax.lax.broadcasted_iota(jnp.int32, (N, N), 0)
    cc = jax.lax.broadcasted_iota(jnp.int32, (N, N), 1)
    lt = (cc < rr).astype(jnp.float32)
    rank = jnp.dot(lt, slot, preferred_element_type=jnp.float32)
    counts = jnp.sum(slot, axis=0, keepdims=True)
    cblk = jnp.floor((counts + (TB - 1.0)) * (1.0 / TB))
    ei = jax.lax.broadcasted_iota(jnp.int32, (E, E), 0)
    ej = jax.lax.broadcasted_iota(jnp.int32, (E, E), 1)
    ltE = (ei < ej).astype(jnp.float32)
    off_al = jnp.dot(cblk, ltE, preferred_element_type=jnp.float32) * TB
    dest = off_al + rank
    pos1_ref[...] = jnp.sum(oh1 * dest, axis=-1, keepdims=True).astype(jnp.int32)
    pos2_ref[...] = jnp.sum(oh2 * dest, axis=-1, keepdims=True).astype(jnp.int32)
    w1b_ref[...] = jnp.broadcast_to(c1, (N, 16))
    w2b_ref[...] = jnp.broadcast_to(c2, (N, 16))
    gi = jax.lax.broadcasted_iota(jnp.int32, (G, E), 0).astype(jnp.float32) * TB
    started = (jnp.broadcast_to(off_al, (G, E)) <= gi).astype(jnp.float32)
    eid_ref[...] = (jnp.sum(started, axis=-1, keepdims=True) - 1.0).astype(jnp.int32)


def _gate(x_flat, Wg1, bg1, Wg2, bg2):
    return pl.pallas_call(
        _gate_body,
        in_specs=[
            pl.BlockSpec((N, D), lambda: (0, 0)),
            pl.BlockSpec((D, D // 2), lambda: (0, 0)),
            pl.BlockSpec((1, D // 2), lambda: (0, 0)),
            pl.BlockSpec((D // 2, E), lambda: (0, 0)),
            pl.BlockSpec((1, E), lambda: (0, 0)),
        ],
        out_specs=[
            pl.BlockSpec((N, 1), lambda: (0, 0)),
            pl.BlockSpec((N, 1), lambda: (0, 0)),
            pl.BlockSpec((N, 16), lambda: (0, 0)),
            pl.BlockSpec((N, 16), lambda: (0, 0)),
            pl.BlockSpec((G, 1), lambda: (0, 0)),
        ],
        out_shape=[
            jax.ShapeDtypeStruct((N, 1), jnp.int32),
            jax.ShapeDtypeStruct((N, 1), jnp.int32),
            jax.ShapeDtypeStruct((N, 16), jnp.float32),
            jax.ShapeDtypeStruct((N, 16), jnp.float32),
            jax.ShapeDtypeStruct((G, 1), jnp.int32),
        ],
    )(x_flat, Wg1, bg1.reshape(1, -1), Wg2, bg2.reshape(1, -1))


_SC_MESH = plsc.VectorSubcoreMesh(core_axis_name="c", subcore_axis_name="s")


@functools.partial(
    pl.kernel,
    out_type=jax.ShapeDtypeStruct((P, D), jnp.float32),
    mesh=_SC_MESH,
    scratch_types=[
        pltpu.VMEM((CHUNK, D), jnp.float32),
        pltpu.VMEM((CHUNK,), jnp.int32),
        pltpu.VMEM((CHUNK,), jnp.int32),
        pltpu.SemaphoreType.DMA,
        pltpu.SemaphoreType.DMA,
    ],
)
def _sc_scatter(x_hbm, pos1_hbm, pos2_hbm, xs_hbm, xbuf, i1v, i2v, sem, xsem):
    wid = lax.axis_index("s") * 2 + lax.axis_index("c")
    base = wid * CHUNK
    cx = pltpu.async_copy(x_hbm.at[pl.ds(base, CHUNK)], xbuf, xsem)
    pltpu.sync_copy(pos1_hbm.at[pl.ds(base, CHUNK)], i1v)
    pltpu.sync_copy(pos2_hbm.at[pl.ds(base, CHUNK)], i2v)
    cx.wait()
    c1 = pltpu.async_copy(xbuf, xs_hbm.at[i1v], sem)
    c2 = pltpu.async_copy(xbuf, xs_hbm.at[i2v], sem)
    c1.wait()
    c2.wait()


def _ffn_body(eid_ref, x_ref, w1_ref, b1_ref, w2_ref, b2_ref, o_ref):
    del eid_ref
    xb = x_ref[...]
    h = (jnp.dot(xb, w1_ref[0], preferred_element_type=jnp.float32)
         + b1_ref[0])
    h = 0.5 * h * (1.0 + jax.lax.erf(h * (2.0 ** -0.5)))
    o_ref[...] = (jnp.dot(h, w2_ref[0], preferred_element_type=jnp.float32)
                  + b2_ref[0])


def _ffn(eid, xs, W1, b1, W2, b2):
    grid_spec = pltpu.PrefetchScalarGridSpec(
        num_scalar_prefetch=1,
        grid=(G,),
        in_specs=[
            pl.BlockSpec((TB, D), lambda g, eid: (g, 0)),
            pl.BlockSpec((1, D, F), lambda g, eid: (eid[g], 0, 0)),
            pl.BlockSpec((1, 1, F), lambda g, eid: (eid[g], 0, 0)),
            pl.BlockSpec((1, F, D), lambda g, eid: (eid[g], 0, 0)),
            pl.BlockSpec((1, 1, D), lambda g, eid: (eid[g], 0, 0)),
        ],
        out_specs=pl.BlockSpec((TB, D), lambda g, eid: (g, 0)),
    )
    return pl.pallas_call(
        _ffn_body,
        grid_spec=grid_spec,
        out_shape=jax.ShapeDtypeStruct((P, D), jnp.float32),
    )(eid, xs, W1, b1.reshape(E, 1, F), W2, b2.reshape(E, 1, D))


@functools.partial(
    pl.kernel,
    out_type=jax.ShapeDtypeStruct((N, D), jnp.float32),
    mesh=_SC_MESH,
    scratch_types=[
        pltpu.VMEM((CHUNK, D), jnp.float32),
        pltpu.VMEM((CHUNK, D), jnp.float32),
        pltpu.VMEM((CHUNK,), jnp.int32),
        pltpu.VMEM((CHUNK,), jnp.int32),
        pltpu.VMEM((CHUNK, 16), jnp.float32),
        pltpu.VMEM((CHUNK, 16), jnp.float32),
        pltpu.SemaphoreType.DMA,
        pltpu.SemaphoreType.DMA,
    ],
)
def _sc_combine(y_hbm, pos1_hbm, pos2_hbm, w1b_hbm, w2b_hbm, out_hbm,
                y1, y2, i1v, i2v, w1v, w2v, sem, wsem):
    wid = lax.axis_index("s") * 2 + lax.axis_index("c")
    base = wid * CHUNK
    pltpu.sync_copy(pos1_hbm.at[pl.ds(base, CHUNK)], i1v)
    pltpu.sync_copy(pos2_hbm.at[pl.ds(base, CHUNK)], i2v)
    c1 = pltpu.async_copy(y_hbm.at[i1v], y1, sem)
    c2 = pltpu.async_copy(y_hbm.at[i2v], y2, sem)
    cw1 = pltpu.async_copy(w1b_hbm.at[pl.ds(base, CHUNK)], w1v, wsem)
    cw2 = pltpu.async_copy(w2b_hbm.at[pl.ds(base, CHUNK)], w2v, wsem)
    c1.wait()
    c2.wait()
    cw1.wait()
    cw2.wait()

    def row(i, _):
        w1 = w1v[i, :]
        w2 = w2v[i, :]
        for j in range(D // 16):
            sl = pl.ds(j * 16, 16)
            y1[i, sl] = y1[i, sl] * w1 + y2[i, sl] * w2
        return 0

    lax.fori_loop(0, CHUNK, row, 0)
    pltpu.sync_copy(y1, out_hbm.at[pl.ds(base, CHUNK)])


def kernel(x, Wg1, bg1, Wg2, bg2, W1, b1, W2, b2):
    B, S, _ = x.shape
    x_flat = x.reshape(-1, D)
    pos1, pos2, w1b, w2b, eid = _gate(x_flat, Wg1, bg1, Wg2, bg2)
    pos1f = pos1.reshape(N)
    pos2f = pos2.reshape(N)
    xs = _sc_scatter(x_flat, pos1f, pos2f)
    y = _ffn(eid.reshape(G), xs, W1, b1, W2, b2)
    out = _sc_combine(y, pos1f, pos2f, w1b, w2b)
    return out.reshape(B, S, D)

# --- scband reference (transcript-rebuilt; emitter-appended) ---
"""Pipeline reference for scband-mixture-of-experts-layer-86990267613688 (READ-ONLY COPY).

The authoritative reference and input builder live on the scoring server;
editing this copy changes nothing except your own understanding.
"""

import jax, jax.numpy as jnp
import numpy as np

EMBED_DIM = 768
NUM_EXPERTS = 8
EXPERT_DIM = 1536
TOP_K = 2
BATCH = 1
SEQ = 2048


def setup_inputs(seed: int = 0) -> dict:
    key = jax.random.key(seed)
    ks = jax.random.split(key, 10)
    x = jax.random.normal(ks[0], (BATCH, SEQ, EMBED_DIM), dtype=jnp.float32)
    Wg1 = jax.random.normal(ks[1], (EMBED_DIM, EMBED_DIM // 2), dtype=jnp.float32) * 0.02
    bg1 = jnp.zeros((EMBED_DIM // 2,), dtype=jnp.float32)
    Wg2 = jax.random.normal(ks[2], (EMBED_DIM // 2, NUM_EXPERTS), dtype=jnp.float32) * 0.02
    bg2 = jnp.zeros((NUM_EXPERTS,), dtype=jnp.float32)
    W1 = jax.random.normal(ks[3], (NUM_EXPERTS, EMBED_DIM, EXPERT_DIM), dtype=jnp.float32) * 0.02
    b1 = jnp.zeros((NUM_EXPERTS, EXPERT_DIM), dtype=jnp.float32)
    W2 = jax.random.normal(ks[4], (NUM_EXPERTS, EXPERT_DIM, EMBED_DIM), dtype=jnp.float32) * 0.02
    b2 = jnp.zeros((NUM_EXPERTS, EMBED_DIM), dtype=jnp.float32)
    return {"x": x, "Wg1": Wg1, "bg1": bg1, "Wg2": Wg2, "bg2": bg2,
            "W1": W1, "b1": b1, "W2": W2, "b2": b2}


def reference(x, Wg1, bg1, Wg2, bg2, W1, b1, W2, b2):
    B, S, D = x.shape
    x_flat = x.reshape(-1, D)                                  # [N, D]
    # gate: Linear -> ReLU -> Linear -> softmax
    gate_logits = jnp.maximum(x_flat @ Wg1 + bg1, 0.0) @ Wg2 + bg2  # [N, E]
    gate_weights = jax.nn.softmax(gate_logits, axis=-1)
    top_k_weights, top_k_indices = jax.lax.top_k(gate_weights, TOP_K)  # [N, k]
    top_k_weights = jax.nn.softmax(top_k_weights, axis=-1)
    # expert networks: Linear -> GELU (exact) -> Linear (dropout = identity in eval)
    h = jnp.einsum('nd,edf->enf', x_flat, W1) + b1[:, None, :]      # [E, N, F]
    h = jax.nn.gelu(h, approximate=False)
    expert_out = jnp.einsum('enf,efd->end', h, W2) + b2[:, None, :]  # [E, N, D]
    # combine: per-token weight for each expert = sum over selected slots
    onehot = jax.nn.one_hot(top_k_indices, NUM_EXPERTS, dtype=x.dtype)  # [N, k, E]
    comb = jnp.einsum('nk,nke->ne', top_k_weights, onehot)              # [N, E]
    out_flat = jnp.einsum('ne,end->nd', comb, expert_out)               # [N, D]
    return out_flat.reshape(B, S, D)

if __name__ == "__main__":
    import jax
    _d = setup_inputs()
    print(jax.jit(kernel)(*tuple(_d.values())))

</pallas_src>

<mosaic_0001>
#map = affine_map<(d0, d1) -> (0, 0)>
#map1 = affine_map<(d0, d1) -> (0)>
module attributes {stable_mosaic.version = 14 : i64} {
  func.func @_sc_scatter(%arg0: i32, %arg1: i32, %arg2: memref<2048x768xf32, #tpu.memory_space<hbm>>, %arg3: memref<2048xi32, #tpu.memory_space<hbm>>, %arg4: memref<2048xi32, #tpu.memory_space<hbm>>, %arg5: memref<5888x768xf32, #tpu.memory_space<hbm>>, %arg6: memref<64x768xf32, #tpu.memory_space<vmem>>, %arg7: memref<64xi32, #tpu.memory_space<vmem>>, %arg8: memref<64xi32, #tpu.memory_space<vmem>>, %arg9: memref<!tpu.dma_semaphore, #tpu.memory_space<semaphore_mem>>, %arg10: memref<!tpu.dma_semaphore, #tpu.memory_space<semaphore_mem>>) attributes {dimension_semantics = [#tpu.dimension_semantics<core_parallel>, #tpu.dimension_semantics<subcore_parallel>], iteration_bounds = array<i64: 2, 16>, scalar_prefetch = 0 : i64, scratch_operands = 5 : i64, tpu.core_type = #tpu.core_type<sc_vector_subcore>, window_params = [{transform_indices = #map}, {transform_indices = #map1}, {transform_indices = #map1}, {transform_indices = #map}]} {
    %mul3A = arith.constant 2 : i32
    %mul3A_0 = arith.muli %arg1, %mul3A : i32
    %add3A = arith.addi %mul3A_0, %arg0 : i32
    %mul3A_1 = arith.constant 64 : i32
    %mul3A_2 = arith.muli %add3A, %mul3A_1 : i32
    %dma_start3A = arith.constant 0 : i32
    %dma_start3A_3 = tpu.memref_slice %arg2[%mul3A_2, %dma_start3A] : memref<2048x768xf32, #tpu.memory_space<hbm>> -> memref<64x768xf32, #tpu.memory_space<hbm>>
    %dma_start3A_4 = arith.constant 0 : i32
    %dma_start3A_5 = tpu.memref_slice %arg2[%mul3A_2, %dma_start3A_4] : memref<2048x768xf32, #tpu.memory_space<hbm>> -> memref<64x768xf32, #tpu.memory_space<hbm>>
    tpu.enqueue_dma source(%dma_start3A_5 : memref<64x768xf32, #tpu.memory_space<hbm>>) target(%arg6 : memref<64x768xf32, #tpu.memory_space<vmem>>) target_semaphore(%arg10 : memref<!tpu.dma_semaphore, #tpu.memory_space<semaphore_mem>>)
    "tpu.region"() ({
      %run_scoped3A = tpu.sem_alloc : memref<!tpu.dma_semaphore, #tpu.memory_space<semaphore_mem>>
      %dma_start3A_21 = tpu.memref_slice %arg3[%mul3A_2] : memref<2048xi32, #tpu.memory_space<hbm>> -> memref<64xi32, #tpu.memory_space<hbm>>
      %dma_start3A_22 = tpu.memref_slice %arg3[%mul3A_2] : memref<2048xi32, #tpu.memory_space<hbm>> -> memref<64xi32, #tpu.memory_space<hbm>>
      tpu.enqueue_dma source(%dma_start3A_22 : memref<64xi32, #tpu.memory_space<hbm>>) target(%arg7 : memref<64xi32, #tpu.memory_space<vmem>>) target_semaphore(%run_scoped3A : memref<!tpu.dma_semaphore, #tpu.memory_space<semaphore_mem>>)
      %dma_wait3A_23 = tpu.memref_slice %arg3[%mul3A_2] : memref<2048xi32, #tpu.memory_space<hbm>> -> memref<64xi32, #tpu.memory_space<hbm>>
      %dma_wait3A_24 = tpu.memref_slice %arg3[%mul3A_2] : memref<2048xi32, #tpu.memory_space<hbm>> -> memref<64xi32, #tpu.memory_space<hbm>>
      tpu.wait_dma2 semaphore(%run_scoped3A : memref<!tpu.dma_semaphore, #tpu.memory_space<semaphore_mem>>) src(%dma_wait3A_24 : memref<64xi32, #tpu.memory_space<hbm>>) dst(%arg7 : memref<64xi32, #tpu.memory_space<vmem>>)
      tpu.yield
    }) : () -> ()
    "tpu.region"() ({
      %run_scoped3A = tpu.sem_alloc : memref<!tpu.dma_semaphore, #tpu.memory_space<semaphore_mem>>
      %dma_start3A_21 = tpu.memref_slice %arg4[%mul3A_2] : memref<2048xi32, #tpu.memory_space<hbm>> -> memref<64xi32, #tpu.memory_space<hbm>>
      %dma_start3A_22 = tpu.memref_slice %arg4[%mul3A_2] : memref<2048xi32, #tpu.memory_space<hbm>> -> memref<64xi32, #tpu.memory_space<hbm>>
      tpu.enqueue_dma source(%dma_start3A_22 : memref<64xi32, #tpu.memory_space<hbm>>) target(%arg8 : memref<64xi32, #tpu.memory_space<vmem>>) target_semaphore(%run_scoped3A : memref<!tpu.dma_semaphore, #tpu.memory_space<semaphore_mem>>)
      %dma_wait3A_23 = tpu.memref_slice %arg4[%mul3A_2] : memref<2048xi32, #tpu.memory_space<hbm>> -> memref<64xi32, #tpu.memory_space<hbm>>
      %dma_wait3A_24 = tpu.memref_slice %arg4[%mul3A_2] : memref<2048xi32, #tpu.memory_space<hbm>> -> memref<64xi32, #tpu.memory_space<hbm>>
      tpu.wait_dma2 semaphore(%run_scoped3A : memref<!tpu.dma_semaphore, #tpu.memory_space<semaphore_mem>>) src(%dma_wait3A_24 : memref<64xi32, #tpu.memory_space<hbm>>) dst(%arg8 : memref<64xi32, #tpu.memory_space<vmem>>)
      tpu.yield
    }) : () -> ()
    %dma_wait3A = arith.constant 0 : i32
    %dma_wait3A_6 = tpu.memref_slice %arg2[%mul3A_2, %dma_wait3A] : memref<2048x768xf32, #tpu.memory_space<hbm>> -> memref<64x768xf32, #tpu.memory_space<hbm>>
    %dma_wait3A_7 = arith.constant 0 : i32
    %dma_wait3A_8 = tpu.memref_slice %arg2[%mul3A_2, %dma_wait3A_7] : memref<2048x768xf32, #tpu.memory_space<hbm>> -> memref<64x768xf32, #tpu.memory_space<hbm>>
    tpu.wait_dma2 semaphore(%arg10 : memref<!tpu.dma_semaphore, #tpu.memory_space<semaphore_mem>>) src(%dma_wait3A_8 : memref<64x768xf32, #tpu.memory_space<hbm>>) dst(%arg6 : memref<64x768xf32, #tpu.memory_space<vmem>>)
    %dma_start3A_9 = arith.constant 0 : i32
    %dma_start3A_10 = arith.constant 0 : i32
    %dma_start3A_11 = tpu.memref_slice %arg5[%dma_start3A_9, %dma_start3A_10] : memref<5888x768xf32, #tpu.memory_space<hbm>> -> memref<5888x768xf32, #tpu.memory_space<hbm>>
    tpu.enqueue_indirect_dma source(%arg6 : memref<64x768xf32, #tpu.memory_space<vmem>>) target(%dma_start3A_11 : memref<5888x768xf32, #tpu.memory_space<hbm>>) offsets(%arg7 : memref<64xi32, #tpu.memory_space<vmem>>) semaphore(%arg9 : memref<!tpu.dma_semaphore, #tpu.memory_space<semaphore_mem>>)
    %dma_start3A_12 = arith.constant 0 : i32
    %dma_start3A_13 = arith.constant 0 : i32
    %dma_start3A_14 = tpu.memref_slice %arg5[%dma_start3A_12, %dma_start3A_13] : memref<5888x768xf32, #tpu.memory_space<hbm>> -> memref<5888x768xf32, #tpu.memory_space<hbm>>
    tpu.enqueue_indirect_dma source(%arg6 : memref<64x768xf32, #tpu.memory_space<vmem>>) target(%dma_start3A_14 : memref<5888x768xf32, #tpu.memory_space<hbm>>) offsets(%arg8 : memref<64xi32, #tpu.memory_space<vmem>>) semaphore(%arg9 : memref<!tpu.dma_semaphore, #tpu.memory_space<semaphore_mem>>)
    %dma_wait3A_15 = arith.constant 0 : i32
    %dma_wait3A_16 = arith.constant 0 : i32
    %dma_wait3A_17 = tpu.memref_slice %arg5[%dma_wait3A_15, %dma_wait3A_16] : memref<5888x768xf32, #tpu.memory_space<hbm>> -> memref<5888x768xf32, #tpu.memory_space<hbm>>
    tpu.wait_indirect_dma semaphore(%arg9 : memref<!tpu.dma_semaphore, #tpu.memory_space<semaphore_mem>>) src(%arg6 : memref<64x768xf32, #tpu.memory_space<vmem>>) dst(%dma_wait3A_17 : memref<5888x768xf32, #tpu.memory_space<hbm>>)
    %dma_wait3A_18 = arith.constant 0 : i32
    %dma_wait3A_19 = arith.constant 0 : i32
    %dma_wait3A_20 = tpu.memref_slice %arg5[%dma_wait3A_18, %dma_wait3A_19] : memref<5888x768xf32, #tpu.memory_space<hbm>> -> memref<5888x768xf32, #tpu.memory_space<hbm>>
    tpu.wait_indirect_dma semaphore(%arg9 : memref<!tpu.dma_semaphore, #tpu.memory_space<semaphore_mem>>) src(%arg6 : memref<64x768xf32, #tpu.memory_space<vmem>>) dst(%dma_wait3A_20 : memref<5888x768xf32, #tpu.memory_space<hbm>>)
    return
  }
}

#map = affine_map<(d0, d1) -> (0, 0)>
#map1 = affine_map<(d0, d1) -> (0)>
module attributes {stable_mosaic.version = 14 : i64} {
  func.func @_sc_combine(%arg0: i32, %arg1: i32, %arg2: memref<5888x768xf32, #tpu.memory_space<hbm>>, %arg3: memref<2048xi32, #tpu.memory_space<hbm>>, %arg4: memref<2048xi32, #tpu.memory_space<hbm>>, %arg5: memref<2048x16xf32, #tpu.memory_space<hbm>>, %arg6: memref<2048x16xf32, #tpu.memory_space<hbm>>, %arg7: memref<2048x768xf32, #tpu.memory_space<hbm>>, %arg8: memref<64x768xf32, #tpu.memory_space<vmem>>, %arg9: memref<64x768xf32, #tpu.memory_space<vmem>>, %arg10: memref<64xi32, #tpu.memory_space<vmem>>, %arg11: memref<64xi32, #tpu.memory_space<vmem>>, %arg12: memref<64x16xf32, #tpu.memory_space<vmem>>, %arg13: memref<64x16xf32, #tpu.memory_space<vmem>>, %arg14: memref<!tpu.dma_semaphore, #tpu.memory_space<semaphore_mem>>, %arg15: memref<!tpu.dma_semaphore, #tpu.memory_space<semaphore_mem>>) attributes {dimension_semantics = [#tpu.dimension_semantics<core_parallel>, #tpu.dimension_semantics<subcore_parallel>], iteration_bounds = array<i64: 2, 16>, scalar_prefetch = 0 : i64, scratch_operands = 8 : i64, tpu.core_type = #tpu.core_type<sc_vector_subcore>, window_params = [{transform_indices = #map}, {transform_indices = #map1}, {transform_indices = #map1}, {transform_indices = #map}, {transform_indices = #map}, {transform_indices = #map}]} {
    %mul3A = arith.constant 2 : i32
    %mul3A_0 = arith.muli %arg1, %mul3A : i32
    %add3A = arith.addi %mul3A_0, %arg0 : i32
    %mul3A_1 = arith.constant 64 : i32
    %mul3A_2 = arith.muli %add3A, %mul3A_1 : i32
    "tpu.region"() ({
      %run_scoped3A = tpu.sem_alloc : memref<!tpu.dma_semaphore, #tpu.memory_space<semaphore_mem>>
      %dma_start3A_35 = tpu.memref_slice %arg3[%mul3A_2] : memref<2048xi32, #tpu.memory_space<hbm>> -> memref<64xi32, #tpu.memory_space<hbm>>
      %dma_start3A_36 = tpu.memref_slice %arg3[%mul3A_2] : memref<2048xi32, #tpu.memory_space<hbm>> -> memref<64xi32, #tpu.memory_space<hbm>>
      tpu.enqueue_dma source(%dma_start3A_36 : memref<64xi32, #tpu.memory_space<hbm>>) target(%arg10 : memref<64xi32, #tpu.memory_space<vmem>>) target_semaphore(%run_scoped3A : memref<!tpu.dma_semaphore, #tpu.memory_space<semaphore_mem>>)
      %dma_wait3A_37 = tpu.memref_slice %arg3[%mul3A_2] : memref<2048xi32, #tpu.memory_space<hbm>> -> memref<64xi32, #tpu.memory_space<hbm>>
      %dma_wait3A_38 = tpu.memref_slice %arg3[%mul3A_2] : memref<2048xi32, #tpu.memory_space<hbm>> -> memref<64xi32, #tpu.memory_space<hbm>>
      tpu.wait_dma2 semaphore(%run_scoped3A : memref<!tpu.dma_semaphore, #tpu.memory_space<semaphore_mem>>) src(%dma_wait3A_38 : memref<64xi32, #tpu.memory_space<hbm>>) dst(%arg10 : memref<64xi32, #tpu.memory_space<vmem>>)
      tpu.yield
    }) : () -> ()
    "tpu.region"() ({
      %run_scoped3A = tpu.sem_alloc : memref<!tpu.dma_semaphore, #tpu.memory_space<semaphore_mem>>
      %dma_start3A_35 = tpu.memref_slice %arg4[%mul3A_2] : memref<2048xi32, #tpu.memory_space<hbm>> -> memref<64xi32, #tpu.memory_space<hbm>>
      %dma_start3A_36 = tpu.memref_slice %arg4[%mul3A_2] : memref<2048xi32, #tpu.memory_space<hbm>> -> memref<64xi32, #tpu.memory_space<hbm>>
      tpu.enqueue_dma source(%dma_start3A_36 : memref<64xi32, #tpu.memory_space<hbm>>) target(%arg11 : memref<64xi32, #tpu.memory_space<vmem>>) target_semaphore(%run_scoped3A : memref<!tpu.dma_semaphore, #tpu.memory_space<semaphore_mem>>)
      %dma_wait3A_37 = tpu.memref_slice %arg4[%mul3A_2] : memref<2048xi32, #tpu.memory_space<hbm>> -> memref<64xi32, #tpu.memory_space<hbm>>
      %dma_wait3A_38 = tpu.memref_slice %arg4[%mul3A_2] : memref<2048xi32, #tpu.memory_space<hbm>> -> memref<64xi32, #tpu.memory_space<hbm>>
      tpu.wait_dma2 semaphore(%run_scoped3A : memref<!tpu.dma_semaphore, #tpu.memory_space<semaphore_mem>>) src(%dma_wait3A_38 : memref<64xi32, #tpu.memory_space<hbm>>) dst(%arg11 : memref<64xi32, #tpu.memory_space<vmem>>)
      tpu.yield
    }) : () -> ()
    %dma_start3A = arith.constant 0 : i32
    %dma_start3A_3 = arith.constant 0 : i32
    %dma_start3A_4 = tpu.memref_slice %arg2[%dma_start3A, %dma_start3A_3] : memref<5888x768xf32, #tpu.memory_space<hbm>> -> memref<5888x768xf32, #tpu.memory_space<hbm>>
    tpu.enqueue_indirect_dma source(%dma_start3A_4 : memref<5888x768xf32, #tpu.memory_space<hbm>>) target(%arg8 : memref<64x768xf32, #tpu.memory_space<vmem>>) offsets(%arg10 : memref<64xi32, #tpu.memory_space<vmem>>) semaphore(%arg14 : memref<!tpu.dma_semaphore, #tpu.memory_space<semaphore_mem>>)
    %dma_start3A_5 = arith.constant 0 : i32
    %dma_start3A_6 = arith.constant 0 : i32
    %dma_start3A_7 = tpu.memref_slice %arg2[%dma_start3A_5, %dma_start3A_6] : memref<5888x768xf32, #tpu.memory_space<hbm>> -> memref<5888x768xf32, #tpu.memory_space<hbm>>
    tpu.enqueue_indirect_dma source(%dma_start3A_7 : memref<5888x768xf32, #tpu.memory_space<hbm>>) target(%arg9 : memref<64x768xf32, #tpu.memory_space<vmem>>) offsets(%arg11 : memref<64xi32, #tpu.memory_space<vmem>>) semaphore(%arg14 : memref<!tpu.dma_semaphore, #tpu.memory_space<semaphore_mem>>)
    %dma_start3A_8 = arith.constant 0 : i32
    %dma_start3A_9 = tpu.memref_slice %arg5[%mul3A_2, %dma_start3A_8] : memref<2048x16xf32, #tpu.memory_space<hbm>> -> memref<64x16xf32, #tpu.memory_space<hbm>>
    %dma_start3A_10 = arith.constant 0 : i32
    %dma_start3A_11 = tpu.memref_slice %arg5[%mul3A_2, %dma_start3A_10] : memref<2048x16xf32, #tpu.memory_space<hbm>> -> memref<64x16xf32, #tpu.memory_space<hbm>>
    tpu.enqueue_dma source(%dma_start3A_11 : memref<64x16xf32, #tpu.memory_space<hbm>>) target(%arg12 : memref<64x16xf32, #tpu.memory_space<vmem>>) target_semaphore(%arg15 : memref<!tpu.dma_semaphore, #tpu.memory_space<semaphore_mem>>)
    %dma_start3A_12 = arith.constant 0 : i32
    %dma_start3A_13 = tpu.memref_slice %arg6[%mul3A_2, %dma_start3A_12] : memref<2048x16xf32, #tpu.memory_space<hbm>> -> memref<64x16xf32, #tpu.memory_space<hbm>>
    %dma_start3A_14 = arith.constant 0 : i32
    %dma_start3A_15 = tpu.memref_slice %arg6[%mul3A_2, %dma_start3A_14] : memref<2048x16xf32, #tpu.memory_space<hbm>> -> memref<64x16xf32, #tpu.memory_space<hbm>>
    tpu.enqueue_dma source(%dma_start3A_15 : memref<64x16xf32, #tpu.memory_space<hbm>>) target(%arg13 : memref<64x16xf32, #tpu.memory_space<vmem>>) target_semaphore(%arg15 : memref<!tpu.dma_semaphore, #tpu.memory_space<semaphore_mem>>)
    %dma_wait3A = arith.constant 0 : i32
    %dma_wait3A_16 = arith.constant 0 : i32
    %dma_wait3A_17 = tpu.memref_slice %arg2[%dma_wait3A, %dma_wait3A_16] : memref<5888x768xf32, #tpu.memory_space<hbm>> -> memref<5888x768xf32, #tpu.memory_space<hbm>>
    tpu.wait_indirect_dma semaphore(%arg14 : memref<!tpu.dma_semaphore, #tpu.memory_space<semaphore_mem>>) src(%dma_wait3A_17 : memref<5888x768xf32, #tpu.memory_space<hbm>>) dst(%arg8 : memref<64x768xf32, #tpu.memory_space<vmem>>)
    %dma_wait3A_18 = arith.constant 0 : i32
    %dma_wait3A_19 = arith.constant 0 : i32
    %dma_wait3A_20 = tpu.memref_slice %arg2[%dma_wait3A_18, %dma_wait3A_19] : memref<5888x768xf32, #tpu.memory_space<hbm>> -> memref<5888x768xf32, #tpu.memory_space<hbm>>
    tpu.wait_indirect_dma semaphore(%arg14 : memref<!tpu.dma_semaphore, #tpu.memory_space<semaphore_mem>>) src(%dma_wait3A_20 : memref<5888x768xf32, #tpu.memory_space<hbm>>) dst(%arg9 : memref<64x768xf32, #tpu.memory_space<vmem>>)
    %dma_wait3A_21 = arith.constant 0 : i32
    %dma_wait3A_22 = tpu.memref_slice %arg5[%mul3A_2, %dma_wait3A_21] : memref<2048x16xf32, #tpu.memory_space<hbm>> -> memref<64x16xf32, #tpu.memory_space<hbm>>
    %dma_wait3A_23 = arith.constant 0 : i32
    %dma_wait3A_24 = tpu.memref_slice %arg5[%mul3A_2, %dma_wait3A_23] : memref<2048x16xf32, #tpu.memory_space<hbm>> -> memref<64x16xf32, #tpu.memory_space<hbm>>
    tpu.wait_dma2 semaphore(%arg15 : memref<!tpu.dma_semaphore, #tpu.memory_space<semaphore_mem>>) src(%dma_wait3A_24 : memref<64x16xf32, #tpu.memory_space<hbm>>) dst(%arg12 : memref<64x16xf32, #tpu.memory_space<vmem>>)
    %dma_wait3A_25 = arith.constant 0 : i32
    %dma_wait3A_26 = tpu.memref_slice %arg6[%mul3A_2, %dma_wait3A_25] : memref<2048x16xf32, #tpu.memory_space<hbm>> -> memref<64x16xf32, #tpu.memory_space<hbm>>
    %dma_wait3A_27 = arith.constant 0 : i32
    %dma_wait3A_28 = tpu.memref_slice %arg6[%mul3A_2, %dma_wait3A_27] : memref<2048x16xf32, #tpu.memory_space<hbm>> -> memref<64x16xf32, #tpu.memory_space<hbm>>
    tpu.wait_dma2 semaphore(%arg15 : memref<!tpu.dma_semaphore, #tpu.memory_space<semaphore_mem>>) src(%dma_wait3A_28 : memref<64x16xf32, #tpu.memory_space<hbm>>) dst(%arg13 : memref<64x16xf32, #tpu.memory_space<vmem>>)
    %scan3A = arith.constant 0 : i32
    %scan3A_29 = arith.constant 0 : i32
    %scan3A_30 = arith.constant 64 : i32
    %scan3A_31 = arith.addi %scan3A_29, %scan3A_30 : i32
    %scan3A_32 = arith.constant 1 : i32
    %scan3A_33 = scf.for %scan3A_35 = %scan3A_29 to %scan3A_31 step %scan3A_32 iter_args(%scan3A_36 = %scan3A) -> (i32)  : i32 {
      %get3A = arith.index_cast %scan3A_35 : i32 to index
      %get3A_37 = arith.constant 0 : index
      %get3A_38 = tpu.vector_load %arg12[%get3A, %get3A_37] {strides = array<i32>} : memref<64x16xf32, #tpu.memory_space<vmem>>, vector<1x16xf32>,
      %get3A_39 = vector.shape_cast %get3A_38 : vector<1x16xf32> to vector<16xf32>
      %get3A_40 = arith.index_cast %scan3A_35 : i32 to index
      %get3A_41 = arith.constant 0 : index
      %get3A_42 = tpu.vector_load %arg13[%get3A_40, %get3A_41] {strides = array<i32>} : memref<64x16xf32, #tpu.memory_space<vmem>>, vector<1x16xf32>,
      %get3A_43 = vector.shape_cast %get3A_42 : vector<1x16xf32> to vector<16xf32>
      %get3A_44 = arith.index_cast %scan3A_35 : i32 to index
      %get3A_45 = arith.constant 0 : index
      %get3A_46 = tpu.vector_load %arg8[%get3A_44, %get3A_45] {strides = array<i32>} : memref<64x768xf32, #tpu.memory_space<vmem>>, vector<1x16xf32>,
      %get3A_47 = vector.shape_cast %get3A_46 : vector<1x16xf32> to vector<16xf32>
      %mul3A_48 = arith.mulf %get3A_47, %get3A_39 : vector<16xf32>
      %get3A_49 = arith.index_cast %scan3A_35 : i32 to index
      %get3A_50 = arith.constant 0 : index
      %get3A_51 = tpu.vector_load %arg9[%get3A_49, %get3A_50] {strides = array<i32>} : memref<64x768xf32, #tpu.memory_space<vmem>>, vector<1x16xf32>,
      %get3A_52 = vector.shape_cast %get3A_51 : vector<1x16xf32> to vector<16xf32>
      %mul3A_53 = arith.mulf %get3A_52, %get3A_43 : vector<16xf32>
      %add3A_54 = arith.addf %mul3A_48, %mul3A_53 : vector<16xf32>
      %swap3A = arith.index_cast %scan3A_35 : i32 to index
      %swap3A_55 = arith.constant 0 : index
      %swap3A_56 = tpu.vector_load %arg8[%swap3A, %swap3A_55] {strides = array<i32>} : memref<64x768xf32, #tpu.memory_space<vmem>>, vector<1x16xf32>,
      %swap3A_57 = vector.shape_cast %swap3A_56 : vector<1x16xf32> to vector<16xf32>
      %swap3A_58 = vector.shape_cast %add3A_54 : vector<16xf32> to vector<1x16xf32>
      tpu.vector_store %arg8[%swap3A, %swap3A_55], %swap3A_58 {strides = array<i32>} : memref<64x768xf32, #tpu.memory_space<vmem>>, vector<1x16xf32>,
      %get3A_59 = arith.index_cast %scan3A_35 : i32 to index
      %get3A_60 = arith.constant 16 : index
      %get3A_61 = tpu.vector_load %arg8[%get3A_59, %get3A_60] {strides = array<i32>} : memref<64x768xf32, #tpu.memory_space<vmem>>, vector<1x16xf32>,
      %get3A_62 = vector.shape_cast %get3A_61 : vector<1x16xf32> to vector<16xf32>
      %mul3A_63 = arith.mulf %get3A_62, %get3A_39 : vector<16xf32>
      %get3A_64 = arith.index_cast %scan3A_35 : i32 to index
      %get3A_65 = arith.constant 16 : index
      %get3A_66 = tpu.vector_load %arg9[%get3A_64, %get3A_65] {strides = array<i32>} : memref<64x768xf32, #tpu.memory_space<vmem>>, vector<1x16xf32>,
      %get3A_67 = vector.shape_cast %get3A_66 : vector<1x16xf32> to vector<16xf32>
      %mul3A_68 = arith.mulf %get3A_67, %get3A_43 : vector<16xf32>
      %add3A_69 = arith.addf %mul3A_63, %mul3A_68 : vector<16xf32>
      %swap3A_70 = arith.index_cast %scan3A_35 : i32 to index
      %swap3A_71 = arith.constant 16 : index
      %swap3A_72 = tpu.vector_load %arg8[%swap3A_70, %swap3A_71] {strides = array<i32>} : memref<64x768xf32, #tpu.memory_space<vmem>>, vector<1x16xf32>,
      %swap3A_73 = vector.shape_cast %swap3A_72 : vector<1x16xf32> to vector<16xf32>
      %swap3A_74 = vector.shape_cast %add3A_69 : vector<16xf32> to vector<1x16xf32>
      tpu.vector_store %arg8[%swap3A_70, %swap3A_71], %swap3A_74 {strides = array<i32>} : memref<64x768xf32, #tpu.memory_space<vmem>>, vector<1x16xf32>,
      %get3A_75 = arith.index_cast %scan3A_35 : i32 to index
      %get3A_76 = arith.constant 32 : index
      %get3A_77 = tpu.vector_load %arg8[%get3A_75, %get3A_76] {strides = array<i32>} : memref<64x768xf32, #tpu.memory_space<vmem>>, vector<1x16xf32>,
      %get3A_78 = vector.shape_cast %get3A_77 : vector<1x16xf32> to vector<16xf32>
      %mul3A_79 = arith.mulf %get3A_78, %get3A_39 : vector<16xf32>
      %get3A_80 = arith.index_cast %scan3A_35 : i32 to index
      %get3A_81 = arith.constant 32 : index
      %get3A_82 = tpu.vector_load %arg9[%get3A_80, %get3A_81] {strides = array<i32>} : memref<64x768xf32, #tpu.memory_space<vmem>>, vector<1x16xf32>,
      %get3A_83 = vector.shape_cast %get3A_82 : vector<1x16xf32> to vector<16xf32>
      %mul3A_84 = arith.mulf %get3A_83, %get3A_43 : vector<16xf32>
      %add3A_85 = arith.addf %mul3A_79, %mul3A_84 : vector<16xf32>
      %swap3A_86 = arith.index_cast %scan3A_35 : i32 to index
      %swap3A_87 = arith.constant 32 : index
      %swap3A_88 = tpu.vector_load %arg8[%swap3A_86, %swap3A_87] {strides = array<i32>} : memref<64x768xf32, #tpu.memory_space<vmem>>, vector<1x16xf32>,
      %swap3A_89 = vector.shape_cast %swap3A_88 : vector<1x16xf32> to vector<16xf32>
      %swap3A_90 = vector.shape_cast %add3A_85 : vector<16xf32> to vector<1x16xf32>
      tpu.vector_store %arg8[%swap3A_86, %swap3A_87], %swap3A_90 {strides = array<i32>} : memref<64x768xf32, #tpu.memory_space<vmem>>, vector<1x16xf32>,
      %get3A_91 = arith.index_cast %scan3A_35 : i32 to index
      %get3A_92 = arith.constant 48 : index
      %get3A_93 = tpu.vector_load %arg8[%get3A_91, %get3A_92] {strides = array<i32>} : memref<64x768xf32, #tpu.memory_space<vmem>>, vector<1x16xf32>,
      %get3A_94 = vector.shape_cast %get3A_93 : vector<1x16xf32> to vector<16xf32>
      %mul3A_95 = arith.mulf %get3A_94, %get3A_39 : vector<16xf32>
      %get3A_96 = arith.index_cast %scan3A_35 : i32 to index
      %get3A_97 = arith.constant 48 : index
      %get3A_98 = tpu.vector_load %arg9[%get3A_96, %get3A_97] {strides = array<i32>} : memref<64x768xf32, #tpu.memory_space<vmem>>, vector<1x16xf32>,
      %get3A_99 = vector.shape_cast %get3A_98 : vector<1x16xf32> to vector<16xf32>
      %mul3A_100 = arith.mulf %get3A_99, %get3A_43 : vector<16xf32>
      %add3A_101 = arith.addf %mul3A_95, %mul3A_100 : vector<16xf32>
      %swap3A_102 = arith.index_cast %scan3A_35 : i32 to index
      %swap3A_103 = arith.constant 48 : index
      %swap3A_104 = tpu.vector_load %arg8[%swap3A_102, %swap3A_103] {strides = array<i32>} : memref<64x768xf32, #tpu.memory_space<vmem>>, vector<1x16xf32>,
      %swap3A_105 = vector.shape_cast %swap3A_104 : vector<1x16xf32> to vector<16xf32>
      %swap3A_106 = vector.shape_cast %add3A_101 : vector<16xf32> to vector<1x16xf32>
      tpu.vector_store %arg8[%swap3A_102, %swap3A_103], %swap3A_106 {strides = array<i32>} : memref<64x768xf32, #tpu.memory_space<vmem>>, vector<1x16xf32>,
      %get3A_107 = arith.index_cast %scan3A_35 : i32 to index
      %get3A_108 = arith.constant 64 : index
      %get3A_109 = tpu.vector_load %arg8[%get3A_107, %get3A_108] {strides = array<i32>} : memref<64x768xf32, #tpu.memory_space<vmem>>, vector<1x16xf32>,
      %get3A_110 = vector.shape_cast %get3A_109 : vector<1x16xf32> to vector<16xf32>
      %mul3A_111 = arith.mulf %get3A_110, %get3A_39 : vector<16xf32>
      %get3A_112 = arith.index_cast %scan3A_35 : i32 to index
      %get3A_113 = arith.constant 64 : index
      %get3A_114 = tpu.vector_load %arg9[%get3A_112, %get3A_113] {strides = array<i32>} : memref<64x768xf32, #tpu.memory_space<vmem>>, vector<1x16xf32>,
      %get3A_115 = vector.shape_cast %get3A_114 : vector<1x16xf32> to vector<16xf32>
      %mul3A_116 = arith.mulf %get3A_115, %get3A_43 : vector<16xf32>
      %add3A_117 = arith.addf %mul3A_111, %mul3A_116 : vector<16xf32>
      %swap3A_118 = arith.index_cast %scan3A_35 : i32 to index
      %swap3A_119 = arith.constant 64 : index
      %swap3A_120 = tpu.vector_load %arg8[%swap3A_118, %swap3A_119] {strides = array<i32>} : memref<64x768xf32, #tpu.memory_space<vmem>>, vector<1x16xf32>,
      %swap3A_121 = vector.shape_cast %swap3A_120 : vector<1x16xf32> to vector<16xf32>
      %swap3A_122 = vector.shape_cast %add3A_117 : vector<16xf32> to vector<1x16xf32>
      tpu.vector_store %arg8[%swap3A_118, %swap3A_119], %swap3A_122 {strides = array<i32>} : memref<64x768xf32, #tpu.memory_space<vmem>>, vector<1x16xf32>,
      %get3A_123 = arith.index_cast %scan3A_35 : i32 to index
      %get3A_124 = arith.constant 80 : index
      %get3A_125 = tpu.vector_load %arg8[%get3A_123, %get3A_124] {strides = array<i32>} : memref<64x768xf32, #tpu.memory_space<vmem>>, vector<1x16xf32>,
      %get3A_126 = vector.shape_cast %get3A_125 : vector<1x16xf32> to vector<16xf32>
      %mul3A_127 = arith.mulf %get3A_126, %get3A_39 : vector<16xf32>
      %get3A_128 = arith.index_cast %scan3A_35 : i32 to index
      %get3A_129 = arith.constant 80 : index
      %get3A_130 = tpu.vector_load %arg9[%get3A_128, %get3A_129] {strides = array<i32>} : memref<64x768xf32, #tpu.memory_space<vmem>>, vector<1x16xf32>,
      %get3A_131 = vector.shape_cast %get3A_130 : vector<1x16xf32> to vector<16xf32>
      %mul3A_132 = arith.mulf %get3A_131, %get3A_43 : vector<16xf32>
      %add3A_133 = arith.addf %mul3A_127, %mul3A_132 : vector<16xf32>
      %swap3A_134 = arith.index_cast %scan3A_35 : i32 to index
      %swap3A_135 = arith.constant 80 : index
      %swap3A_136 = tpu.vector_load %arg8[%swap3A_134, %swap3A_135] {strides = array<i32>} : memref<64x768xf32, #tpu.memory_space<vmem>>, vector<1x16xf32>,
      %swap3A_137 = vector.shape_cast %swap3A_136 : vector<1x16xf32> to vector<16xf32>
      %swap3A_138 = vector.shape_cast %add3A_133 : vector<16xf32> to vector<1x16xf32>
      tpu.vector_store %arg8[%swap3A_134, %swap3A_135], %swap3A_138 {strides = array<i32>} : memref<64x768xf32, #tpu.memory_space<vmem>>, vector<1x16xf32>,
      %get3A_139 = arith.index_cast %scan3A_35 : i32 to index
      %get3A_140 = arith.constant 96 : index
      %get3A_141 = tpu.vector_load %arg8[%get3A_139, %get3A_140] {strides = array<i32>} : memref<64x768xf32, #tpu.memory_space<vmem>>, vector<1x16xf32>,
      %get3A_142 = vector.shape_cast %get3A_141 : vector<1x16xf32> to vector<16xf32>
      %mul3A_143 = arith.mulf %get3A_142, %get3A_39 : vector<16xf32>
      %get3A_144 = arith.index_cast %scan3A_35 : i32 to index
      %get3A_145 = arith.constant 96 : index
      %get3A_146 = tpu.vector_load %arg9[%get3A_144, %get3A_145] {strides = array<i32>} : memref<64x768xf32, #tpu.memory_space<vmem>>, vector<1x16xf32>,
      %get3A_147 = vector.shape_cast %get3A_146 : vector<1x16xf32> to vector<16xf32>
      %mul3A_148 = arith.mulf %get3A_147, %get3A_43 : vector<16xf32>
      %add3A_149 = arith.addf %mul3A_143, %mul3A_148 : vector<16xf32>
      %swap3A_150 = arith.index_cast %scan3A_35 : i32 to index
      %swap3A_151 = arith.constant 96 : index
      %swap3A_152 = tpu.vector_load %arg8[%swap3A_150, %swap3A_151] {strides = array<i32>} : memref<64x768xf32, #tpu.memory_space<vmem>>, vector<1x16xf32>,
      %swap3A_153 = vector.shape_cast %swap3A_152 : vector<1x16xf32> to vector<16xf32>
      %swap3A_154 = vector.shape_cast %add3A_149 : vector<16xf32> to vector<1x16xf32>
      tpu.vector_store %arg8[%swap3A_150, %swap3A_151], %swap3A_154 {strides = array<i32>} : memref<64x768xf32, #tpu.memory_space<vmem>>, vector<1x16xf32>,
      %get3A_155 = arith.index_cast %scan3A_35 : i32 to index
      %get3A_156 = arith.constant 112 : index
      %get3A_157 = tpu.vector_load %arg8[%get3A_155, %get3A_156] {strides = array<i32>} : memref<64x768xf32, #tpu.memory_space<vmem>>, vector<1x16xf32>,
      %get3A_158 = vector.shape_cast %get3A_157 : vector<1x16xf32> to vector<16xf32>
      %mul3A_159 = arith.mulf %get3A_158, %get3A_39 : vector<16xf32>
      %get3A_160 = arith.index_cast %scan3A_35 : i32 to index
      %get3A_161 = arith.constant 112 : index
      %get3A_162 = tpu.vector_load %arg9[%get3A_160, %get3A_161] {strides = array<i32>} : memref<64x768xf32, #tpu.memory_space<vmem>>, vector<1x16xf32>,
      %get3A_163 = vector.shape_cast %get3A_162 : vector<1x16xf32> to vector<16xf32>
      %mul3A_164 = arith.mulf %get3A_163, %get3A_43 : vector<16xf32>
      %add3A_165 = arith.addf %mul3A_159, %mul3A_164 : vector<16xf32>
      %swap3A_166 = arith.index_cast %scan3A_35 : i32 to index
      %swap3A_167 = arith.constant 112 : index
      %swap3A_168 = tpu.vector_load %arg8[%swap3A_166, %swap3A_167] {strides = array<i32>} : memref<64x768xf32, #tpu.memory_space<vmem>>, vector<1x16xf32>,
      %swap3A_169 = vector.shape_cast %swap3A_168 : vector<1x16xf32> to vector<16xf32>
      %swap3A_170 = vector.shape_cast %add3A_165 : vector<16xf32> to vector<1x16xf32>
      tpu.vector_store %arg8[%swap3A_166, %swap3A_167], %swap3A_170 {strides = array<i32>} : memref<64x768xf32, #tpu.memory_space<vmem>>, vector<1x16xf32>,
      %get3A_171 = arith.index_cast %scan3A_35 : i32 to index
      %get3A_172 = arith.constant 128 : index
      %get3A_173 = tpu.vector_load %arg8[%get3A_171, %get3A_172] {strides = array<i32>} : memref<64x768xf32, #tpu.memory_space<vmem>>, vector<1x16xf32>,
      %get3A_174 = vector.shape_cast %get3A_173 : vector<1x16xf32> to vector<16xf32>
      %mul3A_175 = arith.mulf %get3A_174, %get3A_39 : vector<16xf32>
      %get3A_176 = arith.index_cast %scan3A_35 : i32 to index
      %get3A_177 = arith.constant 128 : index
      %get3A_178 = tpu.vector_load %arg9[%get3A_176, %get3A_177] {strides = array<i32>} : memref<64x768xf32, #tpu.memory_space<vmem>>, vector<1x16xf32>,
      %get3A_179 = vector.shape_cast %get3A_178 : vector<1x16xf32> to vector<16xf32>
      %mul3A_180 = arith.mulf %get3A_179, %get3A_43 : vector<16xf32>
      %add3A_181 = arith.addf %mul3A_175, %mul3A_180 : vector<16xf32>
      %swap3A_182 = arith.index_cast %scan3A_35 : i32 to index
      %swap3A_183 = arith.constant 128 : index
      %swap3A_184 = tpu.vector_load %arg8[%swap3A_182, %swap3A_183] {strides = array<i32>} : memref<64x768xf32, #tpu.memory_space<vmem>>, vector<1x16xf32>,
      %swap3A_185 = vector.shape_cast %swap3A_184 : vector<1x16xf32> to vector<16xf32>
      %swap3A_186 = vector.shape_cast %add3A_181 : vector<16xf32> to vector<1x16xf32>
      tpu.vector_store %arg8[%swap3A_182, %swap3A_183], %swap3A_186 {strides = array<i32>} : memref<64x768xf32, #tpu.memory_space<vmem>>, vector<1x16xf32>,
      %get3A_187 = arith.index_cast %scan3A_35 : i32 to index
      %get3A_188 = arith.constant 144 : index
      %get3A_189 = tpu.vector_load %arg8[%get3A_187, %get3A_188] {strides = array<i32>} : memref<64x768xf32, #tpu.memory_space<vmem>>, vector<1x16xf32>,
      %get3A_190 = vector.shape_cast %get3A_189 : vector<1x16xf32> to vector<16xf32>
      %mul3A_191 = arith.mulf %get3A_190, %get3A_39 : vector<16xf32>
      %get3A_192 = arith.index_cast %scan3A_35 : i32 to index
      %get3A_193 = arith.constant 144 : index
      %get3A_194 = tpu.vector_load %arg9[%get3A_192, %get3A_193] {strides = array<i32>} : memref<64x768xf32, #tpu.memory_space<vmem>>, vector<1x16xf32>,
      %get3A_195 = vector.shape_cast %get3A_194 : vector<1x16xf32> to vector<16xf32>
      %mul3A_196 = arith.mulf %get3A_195, %get3A_43 : vector<16xf32>
      %add3A_197 = arith.addf %mul3A_191, %mul3A_196 : vector<16xf32>
      %swap3A_198 = arith.index_cast %scan3A_35 : i32 to index
      %swap3A_199 = arith.constant 144 : index
      %swap3A_200 = tpu.vector_load %arg8[%swap3A_198, %swap3A_199] {strides = array<i32>} : memref<64x768xf32, #tpu.memory_space<vmem>>, vector<1x16xf32>,
      %swap3A_201 = vector.shape_cast %swap3A_200 : vector<1x16xf32> to vector<16xf32>
      %swap3A_202 = vector.shape_cast %add3A_197 : vector<16xf32> to vector<1x16xf32>
      tpu.vector_store %arg8[%swap3A_198, %swap3A_199], %swap3A_202 {strides = array<i32>} : memref<64x768xf32, #tpu.memory_space<vmem>>, vector<1x16xf32>,
      %get3A_203 = arith.index_cast %scan3A_35 : i32 to index
      %get3A_204 = arith.constant 160 : index
      %get3A_205 = tpu.vector_load %arg8[%get3A_203, %get3A_204] {strides = array<i32>} : memref<64x768xf32, #tpu.memory_space<vmem>>, vector<1x16xf32>,
      %get3A_206 = vector.shape_cast %get3A_205 : vector<1x16xf32> to vector<16xf32>
      %mul3A_207 = arith.mulf %get3A_206, %get3A_39 : vector<16xf32>
      %get3A_208 = arith.index_cast %scan3A_35 : i32 to index
      %get3A_209 = arith.constant 160 : index
      %get3A_210 = tpu.vector_load %arg9[%get3A_208, %get3A_209] {strides = array<i32>} : memref<64x768xf32, #tpu.memory_space<vmem>>, vector<1x16xf32>,
      %get3A_211 = vector.shape_cast %get3A_210 : vector<1x16xf32> to vector<16xf32>
      %mul3A_212 = arith.mulf %get3A_211, %get3A_43 : vector<16xf32>
      %add3A_213 = arith.addf %mul3A_207, %mul3A_212 : vector<16xf32>
      %swap3A_214 = arith.index_cast %scan3A_35 : i32 to index
      %swap3A_215 = arith.constant 160 : index
      %swap3A_216 = tpu.vector_load %arg8[%swap3A_214, %swap3A_215] {strides = array<i32>} : memref<64x768xf32, #tpu.memory_space<vmem>>, vector<1x16xf32>,
      %swap3A_217 = vector.shape_cast %swap3A_216 : vector<1x16xf32> to vector<16xf32>
      %swap3A_218 = vector.shape_cast %add3A_213 : vector<16xf32> to vector<1x16xf32>
      tpu.vector_store %arg8[%swap3A_214, %swap3A_215], %swap3A_218 {strides = array<i32>} : memref<64x768xf32, #tpu.memory_space<vmem>>, vector<1x16xf32>,
      %get3A_219 = arith.index_cast %scan3A_35 : i32 to index
      %get3A_220 = arith.constant 176 : index
      %get3A_221 = tpu.vector_load %arg8[%get3A_219, %get3A_220] {strides = array<i32>} : memref<64x768xf32, #tpu.memory_space<vmem>>, vector<1x16xf32>,
      %get3A_222 = vector.shape_cast %get3A_221 : vector<1x16xf32> to vector<16xf32>
      %mul3A_223 = arith.mulf %get3A_222, %get3A_39 : vector<16xf32>
      %get3A_224 = arith.index_cast %scan3A_35 : i32 to index
      %get3A_225 = arith.constant 176 : index
      %get3A_226 = tpu.vector_load %arg9[%get3A_224, %get3A_225] {strides = array<i32>} : memref<64x768xf32, #tpu.memory_space<vmem>>, vector<1x16xf32>,
      %get3A_227 = vector.shape_cast %get3A_226 : vector<1x16xf32> to vector<16xf32>
      %mul3A_228 = arith.mulf %get3A_227, %get3A_43 : vector<16xf32>
      %add3A_229 = arith.addf %mul3A_223, %mul3A_228 : vector<16xf32>
      %swap3A_230 = arith.index_cast %scan3A_35 : i32 to index
      %swap3A_231 = arith.constant 176 : index
      %swap3A_232 = tpu.vector_load %arg8[%swap3A_230, %swap3A_231] {strides = array<i32>} : memref<64x768xf32, #tpu.memory_space<vmem>>, vector<1x16xf32>,
      %swap3A_233 = vector.shape_cast %swap3A_232 : vector<1x16xf32> to vector<16xf32>
      %swap3A_234 = vector.shape_cast %add3A_229 : vector<16xf32> to vector<1x16xf32>
      tpu.vector_store %arg8[%swap3A_230, %swap3A_231], %swap3A_234 {strides = array<i32>} : memref<64x768xf32, #tpu.memory_space<vmem>>, vector<1x16xf32>,
      %get3A_235 = arith.index_cast %scan3A_35 : i32 to index
      %get3A_236 = arith.constant 192 : index
      %get3A_237 = tpu.vector_load %arg8[%get3A_235, %get3A_236] {strides = array<i32>} : memref<64x768xf32, #tpu.memory_space<vmem>>, vector<1x16xf32>,
      %get3A_238 = vector.shape_cast %get3A_237 : vector<1x16xf32> to vector<16xf32>
      %mul3A_239 = arith.mulf %get3A_238, %get3A_39 : vector<16xf32>
      %get3A_240 = arith.index_cast %scan3A_35 : i32 to index
      %get3A_241 = arith.constant 192 : index
      %get3A_242 = tpu.vector_load %arg9[%get3A_240, %get3A_241] {strides = array<i32>} : memref<64x768xf32, #tpu.memory_space<vmem>>, vector<1x16xf32>,
      %get3A_243 = vector.shape_cast %get3A_242 : vector<1x16xf32> to vector<16xf32>
      %mul3A_244 = arith.mulf %get3A_243, %get3A_43 : vector<16xf32>
      %add3A_245 = arith.addf %mul3A_239, %mul3A_244 : vector<16xf32>
      %swap3A_246 = arith.index_cast %scan3A_35 : i32 to index
      %swap3A_247 = arith.constant 192 : index
      %swap3A_248 = tpu.vector_load %arg8[%swap3A_246, %swap3A_247] {strides = array<i32>} : memref<64x768xf32, #tpu.memory_space<vmem>>, vector<1x16xf32>,
      %swap3A_249 = vector.shape_cast %swap3A_248 : vector<1x16xf32> to vector<16xf32>
      %swap3A_250 = vector.shape_cast %add3A_245 : vector<16xf32> to vector<1x16xf32>
      tpu.vector_store %arg8[%swap3A_246, %swap3A_247], %swap3A_250 {strides = array<i32>} : memref<64x768xf32, #tpu.memory_space<vmem>>, vector<1x16xf32>,
      %get3A_251 = arith.index_cast %scan3A_35 : i32 to index
      %get3A_252 = arith.constant 208 : index
      %get3A_253 = tpu.vector_load %arg8[%get3A_251, %get3A_252] {strides = array<i32>} : memref<64x768xf32, #tpu.memory_space<vmem>>, vector<1x16xf32>,
      %get3A_254 = vector.shape_cast %get3A_253 : vector<1x16xf32> to vector<16xf32>
      %mul3A_255 = arith.mulf %get3A_254, %get3A_39 : vector<16xf32>
      %get3A_256 = arith.index_cast %scan3A_35 : i32 to index
      %get3A_257 = arith.constant 208 : index
      %get3A_258 = tpu.vector_load %arg9[%get3A_256, %get3A_257] {strides = array<i32>} : memref<64x768xf32, #tpu.memory_space<vmem>>, vector<1x16xf32>,
      %get3A_259 = vector.shape_cast %get3A_258 : vector<1x16xf32> to vector<16xf32>
      %mul3A_260 = arith.mulf %get3A_259, %get3A_43 : vector<16xf32>
      %add3A_261 = arith.addf %mul3A_255, %mul3A_260 : vector<16xf32>
      %swap3A_262 = arith.index_cast %scan3A_35 : i32 to index
      %swap3A_263 = arith.constant 208 : index
      %swap3A_264 = tpu.vector_load %arg8[%swap3A_262, %swap3A_263] {strides = array<i32>} : memref<64x768xf32, #tpu.memory_space<vmem>>, vector<1x16xf32>,
      %swap3A_265 = vector.shape_cast %swap3A_264 : vector<1x16xf32> to vector<16xf32>
      %swap3A_266 = vector.shape_cast %add3A_261 : vector<16xf32> to vector<1x16xf32>
      tpu.vector_store %arg8[%swap3A_262, %swap3A_263], %swap3A_266 {strides = array<i32>} : memref<64x768xf32, #tpu.memory_space<vmem>>, vector<1x16xf32>,
      %get3A_267 = arith.index_cast %scan3A_35 : i32 to index
      %get3A_268 = arith.constant 224 : index
      %get3A_269 = tpu.vector_load %arg8[%get3A_267, %get3A_268] {strides = array<i32>} : memref<64x768xf32, #tpu.memory_space<vmem>>, vector<1x16xf32>,
      %get3A_270 = vector.shape_cast %get3A_269 : vector<1x16xf32> to vector<16xf32>
      %mul3A_271 = arith.mulf %get3A_270, %get3A_39 : vector<16xf32>
      %get3A_272 = arith.index_cast %scan3A_35 : i32 to index
      %get3A_273 = arith.constant 224 : index
      %get3A_274 = tpu.vector_load %arg9[%get3A_272, %get3A_273] {strides = array<i32>} : memref<64x768xf32, #tpu.memory_space<vmem>>, vector<1x16xf32>,
      %get3A_275 = vector.shape_cast %get3A_274 : vector<1x16xf32> to vector<16xf32>
      %mul3A_276 = arith.mulf %get3A_275, %get3A_43 : vector<16xf32>
      %add3A_277 = arith.addf %mul3A_271, %mul3A_276 : vector<16xf32>
      %swap3A_278 = arith.index_cast %scan3A_35 : i32 to index
      %swap3A_279 = arith.constant 224 : index
      %swap3A_280 = tpu.vector_load %arg8[%swap3A_278, %swap3A_279] {strides = array<i32>} : memref<64x768xf32, #tpu.memory_space<vmem>>, vector<1x16xf32>,
      %swap3A_281 = vector.shape_cast %swap3A_280 : vector<1x16xf32> to vector<16xf32>
      %swap3A_282 = vector.shape_cast %add3A_277 : vector<16xf32> to vector<1x16xf32>
      tpu.vector_store %arg8[%swap3A_278, %swap3A_279], %swap3A_282 {strides = array<i32>} : memref<64x768xf32, #tpu.memory_space<vmem>>, vector<1x16xf32>,
      %get3A_283 = arith.index_cast %scan3A_35 : i32 to index
      %get3A_284 = arith.constant 240 : index
      %get3A_285 = tpu.vector_load %arg8[%get3A_283, %get3A_284] {strides = array<i32>} : memref<64x768xf32, #tpu.memory_space<vmem>>, vector<1x16xf32>,
      %get3A_286 = vector.shape_cast %get3A_285 : vector<1x16xf32> to vector<16xf32>
      %mul3A_287 = arith.mulf %get3A_286, %get3A_39 : vector<16xf32>
      %get3A_288 = arith.index_cast %scan3A_35 : i32 to index
      %get3A_289 = arith.constant 240 : index
      %get3A_290 = tpu.vector_load %arg9[%get3A_288, %get3A_289] {strides = array<i32>} : memref<64x768xf32, #tpu.memory_space<vmem>>, vector<1x16xf32>,
      %get3A_291 = vector.shape_cast %get3A_290 : vector<1x16xf32> to vector<16xf32>
      %mul3A_292 = arith.mulf %get3A_291, %get3A_43 : vector<16xf32>
      %add3A_293 = arith.addf %mul3A_287, %mul3A_292 : vector<16xf32>
      %swap3A_294 = arith.index_cast %scan3A_35 : i32 to index
      %swap3A_295 = arith.constant 240 : index
      %swap3A_296 = tpu.vector_load %arg8[%swap3A_294, %swap3A_295] {strides = array<i32>} : memref<64x768xf32, #tpu.memory_space<vmem>>, vector<1x16xf32>,
      %swap3A_297 = vector.shape_cast %swap3A_296 : vector<1x16xf32> to vector<16xf32>
      %swap3A_298 = vector.shape_cast %add3A_293 : vector<16xf32> to vector<1x16xf32>
      tpu.vector_store %arg8[%swap3A_294, %swap3A_295], %swap3A_298 {strides = array<i32>} : memref<64x768xf32, #tpu.memory_space<vmem>>, vector<1x16xf32>,
      %get3A_299 = arith.index_cast %scan3A_35 : i32 to index
      %get3A_300 = arith.constant 256 : index
      %get3A_301 = tpu.vector_load %arg8[%get3A_299, %get3A_300] {strides = array<i32>} : memref<64x768xf32, #tpu.memory_space<vmem>>, vector<1x16xf32>,
      %get3A_302 = vector.shape_cast %get3A_301 : vector<1x16xf32> to vector<16xf32>
      %mul3A_303 = arith.mulf %get3A_302, %get3A_39 : vector<16xf32>
      %get3A_304 = arith.index_cast %scan3A_35 : i32 to index
      %get3A_305 = arith.constant 256 : index
      %get3A_306 = tpu.vector_load %arg9[%get3A_304, %get3A_305] {strides = array<i32>} : memref<64x768xf32, #tpu.memory_space<vmem>>, vector<1x16xf32>,
      %get3A_307 = vector.shape_cast %get3A_306 : vector<1x16xf32> to vector<16xf32>
      %mul3A_308 = arith.mulf %get3A_307, %get3A_43 : vector<16xf32>
      %add3A_309 = arith.addf %mul3A_303, %mul3A_308 : vector<16xf32>
      %swap3A_310 = arith.index_cast %scan3A_35 : i32 to index
      %swap3A_311 = arith.constant 256 : index
      %swap3A_312 = tpu.vector_load %arg8[%swap3A_310, %swap3A_311] {strides = array<i32>} : memref<64x768xf32, #tpu.memory_space<vmem>>, vector<1x16xf32>,
      %swap3A_313 = vector.shape_cast %swap3A_312 : vector<1x16xf32> to vector<16xf32>
      %swap3A_314 = vector.shape_cast %add3A_309 : vector<16xf32> to vector<1x16xf32>
      tpu.vector_store %arg8[%swap3A_310, %swap3A_311], %swap3A_314 {strides = array<i32>} : memref<64x768xf32, #tpu.memory_space<vmem>>, vector<1x16xf32>,
      %get3A_315 = arith.index_cast %scan3A_35 : i32 to index
      %get3A_316 = arith.constant 272 : index
      %get3A_317 = tpu.vector_load %arg8[%get3A_315, %get3A_316] {strides = array<i32>} : memref<64x768xf32, #tpu.memory_space<vmem>>, vector<1x16xf32>,
      %get3A_318 = vector.shape_cast %get3A_317 : vector<1x16xf32> to vector<16xf32>
      %mul3A_319 = arith.mulf %get3A_318, %get3A_39 : vector<16xf32>
      %get3A_320 = arith.index_cast %scan3A_35 : i32 to index
      %get3A_321 = arith.constant 272 : index
      %get3A_322 = tpu.vector_load %arg9[%get3A_320, %get3A_321] {strides = array<i32>} : memref<64x768xf32, #tpu.memory_space<vmem>>, vector<1x16xf32>,
      %get3A_323 = vector.shape_cast %get3A_322 : vector<1x16xf32> to vector<16xf32>
      %mul3A_324 = arith.mulf %get3A_323, %get3A_43 : vector<16xf32>
      %add3A_325 = arith.addf %mul3A_319, %mul3A_324 : vector<16xf32>
      %swap3A_326 = arith.index_cast %scan3A_35 : i32 to index
      %swap3A_327 = arith.constant 272 : index
      %swap3A_328 = tpu.vector_load %arg8[%swap3A_326, %swap3A_327] {strides = array<i32>} : memref<64x768xf32, #tpu.memory_space<vmem>>, vector<1x16xf32>,
      %swap3A_329 = vector.shape_cast %swap3A_328 : vector<1x16xf32> to vector<16xf32>
      %swap3A_330 = vector.shape_cast %add3A_325 : vector<16xf32> to vector<1x16xf32>
      tpu.vector_store %arg8[%swap3A_326, %swap3A_327], %swap3A_330 {strides = array<i32>} : memref<64x768xf32, #tpu.memory_space<vmem>>, vector<1x16xf32>,
      %get3A_331 = arith.index_cast %scan3A_35 : i32 to index
      %get3A_332 = arith.constant 288 : index
      %get3A_333 = tpu.vector_load %arg8[%get3A_331, %get3A_332] {strides = array<i32>} : memref<64x768xf32, #tpu.memory_space<vmem>>, vector<1x16xf32>,
      %get3A_334 = vector.shape_cast %get3A_333 : vector<1x16xf32> to vector<16xf32>
      %mul3A_335 = arith.mulf %get3A_334, %get3A_39 : vector<16xf32>
      %get3A_336 = arith.index_cast %scan3A_35 : i32 to index
      %get3A_337 = arith.constant 288 : index
      %get3A_338 = tpu.vector_load %arg9[%get3A_336, %get3A_337] {strides = array<i32>} : memref<64x768xf32, #tpu.memory_space<vmem>>, vector<1x16xf32>,
      %get3A_339 = vector.shape_cast %get3A_338 : vector<1x16xf32> to vector<16xf32>
      %mul3A_340 = arith.mulf %get3A_339, %get3A_43 : vector<16xf32>
      %add3A_341 = arith.addf %mul3A_335, %mul3A_340 : vector<16xf32>
      %swap3A_342 = arith.index_cast %scan3A_35 : i32 to index
      %swap3A_343 = arith.constant 288 : index
      %swap3A_344 = tpu.vector_load %arg8[%swap3A_342, %swap3A_343] {strides = array<i32>} : memref<64x768xf32, #tpu.memory_space<vmem>>, vector<1x16xf32>,
      %swap3A_345 = vector.shape_cast %swap3A_344 : vector<1x16xf32> to vector<16xf32>
      %swap3A_346 = vector.shape_cast %add3A_341 : vector<16xf32> to vector<1x16xf32>
      tpu.vector_store %arg8[%swap3A_342, %swap3A_343], %swap3A_346 {strides = array<i32>} : memref<64x768xf32, #tpu.memory_space<vmem>>, vector<1x16xf32>,
      %get3A_347 = arith.index_cast %scan3A_35 : i32 to index
      %get3A_348 = arith.constant 304 : index
      %get3A_349 = tpu.vector_load %arg8[%get3A_347, %get3A_348] {strides = array<i32>} : memref<64x768xf32, #tpu.memory_space<vmem>>, vector<1x16xf32>,
      %get3A_350 = vector.shape_cast %get3A_349 : vector<1x16xf32> to vector<16xf32>
      %mul3A_351 = arith.mulf %get3A_350, %get3A_39 : vector<16xf32>
      %get3A_352 = arith.index_cast %scan3A_35 : i32 to index
      %get3A_353 = arith.constant 304 : index
      %get3A_354 = tpu.vector_load %arg9[%get3A_352, %get3A_353] {strides = array<i32>} : memref<64x768xf32, #tpu.memory_space<vmem>>, vector<1x16xf32>,
      %get3A_355 = vector.shape_cast %get3A_354 : vector<1x16xf32> to vector<16xf32>
      %mul3A_356 = arith.mulf %get3A_355, %get3A_43 : vector<16xf32>
      %add3A_357 = arith.addf %mul3A_351, %mul3A_356 : vector<16xf32>
      %swap3A_358 = arith.index_cast %scan3A_35 : i32 to index
      %swap3A_359 = arith.constant 304 : index
      %swap3A_360 = tpu.vector_load %arg8[%swap3A_358, %swap3A_359] {strides = array<i32>} : memref<64x768xf32, #tpu.memory_space<vmem>>, vector<1x16xf32>,
      %swap3A_361 = vector.shape_cast %swap3A_360 : vector<1x16xf32> to vector<16xf32>
      %swap3A_362 = vector.shape_cast %add3A_357 : vector<16xf32> to vector<1x16xf32>
      tpu.vector_store %arg8[%swap3A_358, %swap3A_359], %swap3A_362 {strides = array<i32>} : memref<64x768xf32, #tpu.memory_space<vmem>>, vector<1x16xf32>,
      %get3A_363 = arith.index_cast %scan3A_35 : i32 to index
      %get3A_364 = arith.constant 320 : index
      %get3A_365 = tpu.vector_load %arg8[%get3A_363, %get3A_364] {strides = array<i32>} : memref<64x768xf32, #tpu.memory_space<vmem>>, vector<1x16xf32>,
      %get3A_366 = vector.shape_cast %get3A_365 : vector<1x16xf32> to vector<16xf32>
      %mul3A_367 = arith.mulf %get3A_366, %get3A_39 : vector<16xf32>
      %get3A_368 = arith.index_cast %scan3A_35 : i32 to index
      %get3A_369 = arith.constant 320 : index
      %get3A_370 = tpu.vector_load %arg9[%get3A_368, %get3A_369] {strides = array<i32>} : memref<64x768xf32, #tpu.memory_space<vmem>>, vector<1x16xf32>,
      %get3A_371 = vector.shape_cast %get3A_370 : vector<1x16xf32> to vector<16xf32>
      %mul3A_372 = arith.mulf %get3A_371, %get3A_43 : vector<16xf32>
      %add3A_373 = arith.addf %mul3A_367, %mul3A_372 : vector<16xf32>
      %swap3A_374 = arith.index_cast %scan3A_35 : i32 to index
      %swap3A_375 = arith.constant 320 : index
      %swap3A_376 = tpu.vector_load %arg8[%swap3A_374, %swap3A_375] {strides = array<i32>} : memref<64x768xf32, #tpu.memory_space<vmem>>, vector<1x16xf32>,
      %swap3A_377 = vector.shape_cast %swap3A_376 : vector<1x16xf32> to vector<16xf32>
      %swap3A_378 = vector.shape_cast %add3A_373 : vector<16xf32> to vector<1x16xf32>
      tpu.vector_store %arg8[%swap3A_374, %swap3A_375], %swap3A_378 {strides = array<i32>} : memref<64x768xf32, #tpu.memory_space<vmem>>, vector<1x16xf32>,
      %get3A_379 = arith.index_cast %scan3A_35 : i32 to index
      %get3A_380 = arith.constant 336 : index
      %get3A_381 = tpu.vector_load %arg8[%get3A_379, %get3A_380] {strides = array<i32>} : memref<64x768xf32, #tpu.memory_space<vmem>>, vector<1x16xf32>,
      %get3A_382 = vector.shape_cast %get3A_381 : vector<1x16xf32> to vector<16xf32>
      %mul3A_383 = arith.mulf %get3A_382, %get3A_39 : vector<16xf32>
      %get3A_384 = arith.index_cast %scan3A_35 : i32 to index
      %get3A_385 = arith.constant 336 : index
      %get3A_386 = tpu.vector_load %arg9[%get3A_384, %get3A_385] {strides = array<i32>} : memref<64x768xf32, #tpu.memory_space<vmem>>, vector<1x16xf32>,
      %get3A_387 = vector.shape_cast %get3A_386 : vector<1x16xf32> to vector<16xf32>
      %mul3A_388 = arith.mulf %get3A_387, %get3A_43 : vector<16xf32>
      %add3A_389 = arith.addf %mul3A_383, %mul3A_388 : vector<16xf32>
      %swap3A_390 = arith.index_cast %scan3A_35 : i32 to index
      %swap3A_391 = arith.constant 336 : index
      %swap3A_392 = tpu.vector_load %arg8[%swap3A_390, %swap3A_391] {strides = array<i32>} : memref<64x768xf32, #tpu.memory_space<vmem>>, vector<1x16xf32>,
      %swap3A_393 = vector.shape_cast %swap3A_392 : vector<1x16xf32> to vector<16xf32>
      %swap3A_394 = vector.shape_cast %add3A_389 : vector<16xf32> to vector<1x16xf32>
      tpu.vector_store %arg8[%swap3A_390, %swap3A_391], %swap3A_394 {strides = array<i32>} : memref<64x768xf32, #tpu.memory_space<vmem>>, vector<1x16xf32>,
      %get3A_395 = arith.index_cast %scan3A_35 : i32 to index
      %get3A_396 = arith.constant 352 : index
      %get3A_397 = tpu.vector_load %arg8[%get3A_395, %get3A_396] {strides = array<i32>} : memref<64x768xf32, #tpu.memory_space<vmem>>, vector<1x16xf32>,
      %get3A_398 = vector.shape_cast %get3A_397 : vector<1x16xf32> to vector<16xf32>
      %mul3A_399 = arith.mulf %get3A_398, %get3A_39 : vector<16xf32>
      %get3A_400 = arith.index_cast %scan3A_35 : i32 to index
      %get3A_401 = arith.constant 352 : index
      %get3A_402 = tpu.vector_load %arg9[%get3A_400, %get3A_401] {strides = array<i32>} : memref<64x768xf32, #tpu.memory_space<vmem>>, vector<1x16xf32>,
      %get3A_403 = vector.shape_cast %get3A_402 : vector<1x16xf32> to vector<16xf32>
      %mul3A_404 = arith.mulf %get3A_403, %get3A_43 : vector<16xf32>
      %add3A_405 = arith.addf %mul3A_399, %mul3A_404 : vector<16xf32>
      %swap3A_406 = arith.index_cast %scan3A_35 : i32 to index
      %swap3A_407 = arith.constant 352 : index
      %swap3A_408 = tpu.vector_load %arg8[%swap3A_406, %swap3A_407] {strides = array<i32>} : memref<64x768xf32, #tpu.memory_space<vmem>>, vector<1x16xf32>,
      %swap3A_409 = vector.shape_cast %swap3A_408 : vector<1x16xf32> to vector<16xf32>
      %swap3A_410 = vector.shape_cast %add3A_405 : vector<16xf32> to vector<1x16xf32>
      tpu.vector_store %arg8[%swap3A_406, %swap3A_407], %swap3A_410 {strides = array<i32>} : memref<64x768xf32, #tpu.memory_space<vmem>>, vector<1x16xf32>,
      %get3A_411 = arith.index_cast %scan3A_35 : i32 to index
      %get3A_412 = arith.constant 368 : index
      %get3A_413 = tpu.vector_load %arg8[%get3A_411, %get3A_412] {strides = array<i32>} : memref<64x768xf32, #tpu.memory_space<vmem>>, vector<1x16xf32>,
      %get3A_414 = vector.shape_cast %get3A_413 : vector<1x16xf32> to vector<16xf32>
      %mul3A_415 = arith.mulf %get3A_414, %get3A_39 : vector<16xf32>
      %get3A_416 = arith.index_cast %scan3A_35 : i32 to index
      %get3A_417 = arith.constant 368 : index
      %get3A_418 = tpu.vector_load %arg9[%get3A_416, %get3A_417] {strides = array<i32>} : memref<64x768xf32, #tpu.memory_space<vmem>>, vector<1x16xf32>,
      %get3A_419 = vector.shape_cast %get3A_418 : vector<1x16xf32> to vector<16xf32>
      %mul3A_420 = arith.mulf %get3A_419, %get3A_43 : vector<16xf32>
      %add3A_421 = arith.addf %mul3A_415, %mul3A_420 : vector<16xf32>
      %swap3A_422 = arith.index_cast %scan3A_35 : i32 to index
      %swap3A_423 = arith.constant 368 : index
      %swap3A_424 = tpu.vector_load %arg8[%swap3A_422, %swap3A_423] {strides = array<i32>} : memref<64x768xf32, #tpu.memory_space<vmem>>, vector<1x16xf32>,
      %swap3A_425 = vector.shape_cast %swap3A_424 : vector<1x16xf32> to vector<16xf32>
      %swap3A_426 = vector.shape_cast %add3A_421 : vector<16xf32> to vector<1x16xf32>
      tpu.vector_store %arg8[%swap3A_422, %swap3A_423], %swap3A_426 {strides = array<i32>} : memref<64x768xf32, #tpu.memory_space<vmem>>, vector<1x16xf32>,
      %get3A_427 = arith.index_cast %scan3A_35 : i32 to index
      %get3A_428 = arith.constant 384 : index
      %get3A_429 = tpu.vector_load %arg8[%get3A_427, %get3A_428] {strides = array<i32>} : memref<64x768xf32, #tpu.memory_space<vmem>>, vector<1x16xf32>,
      %get3A_430 = vector.shape_cast %get3A_429 : vector<1x16xf32> to vector<16xf32>
      %mul3A_431 = arith.mulf %get3A_430, %get3A_39 : vector<16xf32>
      %get3A_432 = arith.index_cast %scan3A_35 : i32 to index
      %get3A_433 = arith.constant 384 : index
      %get3A_434 = tpu.vector_load %arg9[%get3A_432, %get3A_433] {strides = array<i32>} : memref<64x768xf32, #tpu.memory_space<vmem>>, vector<1x16xf32>,
      %get3A_435 = vector.shape_cast %get3A_434 : vector<1x16xf32> to vector<16xf32>
      %mul3A_436 = arith.mulf %get3A_435, %get3A_43 : vector<16xf32>
      %add3A_437 = arith.addf %mul3A_431, %mul3A_436 : vector<16xf32>
      %swap3A_438 = arith.index_cast %scan3A_35 : i32 to index
      %swap3A_439 = arith.constant 384 : index
      %swap3A_440 = tpu.vector_load %arg8[%swap3A_438, %swap3A_439] {strides = array<i32>} : memref<64x768xf32, #tpu.memory_space<vmem>>, vector<1x16xf32>,
      %swap3A_441 = vector.shape_cast %swap3A_440 : vector<1x16xf32> to vector<16xf32>
      %swap3A_442 = vector.shape_cast %add3A_437 : vector<16xf32> to vector<1x16xf32>
      tpu.vector_store %arg8[%swap3A_438, %swap3A_439], %swap3A_442 {strides = array<i32>} : memref<64x768xf32, #tpu.memory_space<vmem>>, vector<1x16xf32>,
      %get3A_443 = arith.index_cast %scan3A_35 : i32 to index
      %get3A_444 = arith.constant 400 : index
      %get3A_445 = tpu.vector_load %arg8[%get3A_443, %get3A_444] {strides = array<i32>} : memref<64x768xf32, #tpu.memory_space<vmem>>, vector<1x16xf32>,
      %get3A_446 = vector.shape_cast %get3A_445 : vector<1x16xf32> to vector<16xf32>
      %mul3A_447 = arith.mulf %get3A_446, %get3A_39 : vector<16xf32>
      %get3A_448 = arith.index_cast %scan3A_35 : i32 to index
      %get3A_449 = arith.constant 400 : index
      %get3A_450 = tpu.vector_load %arg9[%get3A_448, %get3A_449] {strides = array<i32>} : memref<64x768xf32, #tpu.memory_space<vmem>>, vector<1x16xf32>,
      %get3A_451 = vector.shape_cast %get3A_450 : vector<1x16xf32> to vector<16xf32>
      %mul3A_452 = arith.mulf %get3A_451, %get3A_43 : vector<16xf32>
      %add3A_453 = arith.addf %mul3A_447, %mul3A_452 : vector<16xf32>
      %swap3A_454 = arith.index_cast %scan3A_35 : i32 to index
      %swap3A_455 = arith.constant 400 : index
      %swap3A_456 = tpu.vector_load %arg8[%swap3A_454, %swap3A_455] {strides = array<i32>} : memref<64x768xf32, #tpu.memory_space<vmem>>, vector<1x16xf32>,
      %swap3A_457 = vector.shape_cast %swap3A_456 : vector<1x16xf32> to vector<16xf32>
      %swap3A_458 = vector.shape_cast %add3A_453 : vector<16xf32> to vector<1x16xf32>
      tpu.vector_store %arg8[%swap3A_454, %swap3A_455], %swap3A_458 {strides = array<i32>} : memref<64x768xf32, #tpu.memory_space<vmem>>, vector<1x16xf32>,
      %get3A_459 = arith.index_cast %scan3A_35 : i32 to index
      %get3A_460 = arith.constant 416 : index
      %get3A_461 = tpu.vector_load %arg8[%get3A_459, %get3A_460] {strides = array<i32>} : memref<64x768xf32, #tpu.memory_space<vmem>>, vector<1x16xf32>,
      %get3A_462 = vector.shape_cast %get3A_461 : vector<1x16xf32> to vector<16xf32>
      %mul3A_463 = arith.mulf %get3A_462, %get3A_39 : vector<16xf32>
      %get3A_464 = arith.index_cast %scan3A_35 : i32 to index
      %get3A_465 = arith.constant 416 : index
      %get3A_466 = tpu.vector_load %arg9[%get3A_464, %get3A_465] {strides = array<i32>} : memref<64x768xf32, #tpu.memory_space<vmem>>, vector<1x16xf32>,
      %get3A_467 = vector.shape_cast %get3A_466 : vector<1x16xf32> to vector<16xf32>
      %mul3A_468 = arith.mulf %get3A_467, %get3A_43 : vector<16xf32>
      %add3A_469 = arith.addf %mul3A_463, %mul3A_468 : vector<16xf32>
      %swap3A_470 = arith.index_cast %scan3A_35 : i32 to index
      %swap3A_471 = arith.constant 416 : index
      %swap3A_472 = tpu.vector_load %arg8[%swap3A_470, %swap3A_471] {strides = array<i32>} : memref<64x768xf32, #tpu.memory_space<vmem>>, vector<1x16xf32>,
      %swap3A_473 = vector.shape_cast %swap3A_472 : vector<1x16xf32> to vector<16xf32>
      %swap3A_474 = vector.shape_cast %add3A_469 : vector<16xf32> to vector<1x16xf32>
      tpu.vector_store %arg8[%swap3A_470, %swap3A_471], %swap3A_474 {strides = array<i32>} : memref<64x768xf32, #tpu.memory_space<vmem>>, vector<1x16xf32>,
      %get3A_475 = arith.index_cast %scan3A_35 : i32 to index
      %get3A_476 = arith.constant 432 : index
      %get3A_477 = tpu.vector_load %arg8[%get3A_475, %get3A_476] {strides = array<i32>} : memref<64x768xf32, #tpu.memory_space<vmem>>, vector<1x16xf32>,
      %get3A_478 = vector.shape_cast %get3A_477 : vector<1x16xf32> to vector<16xf32>
      %mul3A_479 = arith.mulf %get3A_478, %get3A_39 : vector<16xf32>
      %get3A_480 = arith.index_cast %scan3A_35 : i32 to index
      %get3A_481 = arith.constant 432 : index
      %get3A_482 = tpu.vector_load %arg9[%get3A_480, %get3A_481] {strides = array<i32>} : memref<64x768xf32, #tpu.memory_space<vmem>>, vector<1x16xf32>,
      %get3A_483 = vector.shape_cast %get3A_482 : vector<1x16xf32> to vector<16xf32>
      %mul3A_484 = arith.mulf %get3A_483, %get3A_43 : vector<16xf32>
      %add3A_485 = arith.addf %mul3A_479, %mul3A_484 : vector<16xf32>
      %swap3A_486 = arith.index_cast %scan3A_35 : i32 to index
      %swap3A_487 = arith.constant 432 : index
      %swap3A_488 = tpu.vector_load %arg8[%swap3A_486, %swap3A_487] {strides = array<i32>} : memref<64x768xf32, #tpu.memory_space<vmem>>, vector<1x16xf32>,
      %swap3A_489 = vector.shape_cast %swap3A_488 : vector<1x16xf32> to vector<16xf32>
      %swap3A_490 = vector.shape_cast %add3A_485 : vector<16xf32> to vector<1x16xf32>
      tpu.vector_store %arg8[%swap3A_486, %swap3A_487], %swap3A_490 {strides = array<i32>} : memref<64x768xf32, #tpu.memory_space<vmem>>, vector<1x16xf32>,
      %get3A_491 = arith.index_cast %scan3A_35 : i32 to index
      %get3A_492 = arith.constant 448 : index
      %get3A_493 = tpu.vector_load %arg8[%get3A_491, %get3A_492] {strides = array<i32>} : memref<64x768xf32, #tpu.memory_space<vmem>>, vector<1x16xf32>,
      %get3A_494 = vector.shape_cast %get3A_493 : vector<1x16xf32> to vector<16xf32>
      %mul3A_495 = arith.mulf %get3A_494, %get3A_39 : vector<16xf32>
      %get3A_496 = arith.index_cast %scan3A_35 : i32 to index
      %get3A_497 = arith.constant 448 : index
      %get3A_498 = tpu.vector_load %arg9[%get3A_496, %get3A_497] {strides = array<i32>} : memref<64x768xf32, #tpu.memory_space<vmem>>, vector<1x16xf32>,
      %get3A_499 = vector.shape_cast %get3A_498 : vector<1x16xf32> to vector<16xf32>
      %mul3A_500 = arith.mulf %get3A_499, %get3A_43 : vector<16xf32>
      %add3A_501 = arith.addf %mul3A_495, %mul3A_500 : vector<16xf32>
      %swap3A_502 = arith.index_cast %scan3A_35 : i32 to index
      %swap3A_503 = arith.constant 448 : index
      %swap3A_504 = tpu.vector_load %arg8[%swap3A_502, %swap3A_503] {strides = array<i32>} : memref<64x768xf32, #tpu.memory_space<vmem>>, vector<1x16xf32>,
      %swap3A_505 = vector.shape_cast %swap3A_504 : vector<1x16xf32> to vector<16xf32>
      %swap3A_506 = vector.shape_cast %add3A_501 : vector<16xf32> to vector<1x16xf32>
      tpu.vector_store %arg8[%swap3A_502, %swap3A_503], %swap3A_506 {strides = array<i32>} : memref<64x768xf32, #tpu.memory_space<vmem>>, vector<1x16xf32>,
      %get3A_507 = arith.index_cast %scan3A_35 : i32 to index
      %get3A_508 = arith.constant 464 : index
      %get3A_509 = tpu.vector_load %arg8[%get3A_507, %get3A_508] {strides = array<i32>} : memref<64x768xf32, #tpu.memory_space<vmem>>, vector<1x16xf32>,
      %get3A_510 = vector.shape_cast %get3A_509 : vector<1x16xf32> to vector<16xf32>
      %mul3A_511 = arith.mulf %get3A_510, %get3A_39 : vector<16xf32>
      %get3A_512 = arith.index_cast %scan3A_35 : i32 to index
      %get3A_513 = arith.constant 464 : index
      %get3A_514 = tpu.vector_load %arg9[%get3A_512, %get3A_513] {strides = array<i32>} : memref<64x768xf32, #tpu.memory_space<vmem>>, vector<1x16xf32>,
      %get3A_515 = vector.shape_cast %get3A_514 : vector<1x16xf32> to vector<16xf32>
      %mul3A_516 = arith.mulf %get3A_515, %get3A_43 : vector<16xf32>
      %add3A_517 = arith.addf %mul3A_511, %mul3A_516 : vector<16xf32>
      %swap3A_518 = arith.index_cast %scan3A_35 : i32 to index
      %swap3A_519 = arith.constant 464 : index
      %swap3A_520 = tpu.vector_load %arg8[%swap3A_518, %swap3A_519] {strides = array<i32>} : memref<64x768xf32, #tpu.memory_space<vmem>>, vector<1x16xf32>,
      %swap3A_521 = vector.shape_cast %swap3A_520 : vector<1x16xf32> to vector<16xf32>
      %swap3A_522 = vector.shape_cast %add3A_517 : vector<16xf32> to vector<1x16xf32>
      tpu.vector_store %arg8[%swap3A_518, %swap3A_519], %swap3A_522 {strides = array<i32>} : memref<64x768xf32, #tpu.memory_space<vmem>>, vector<1x16xf32>,
      %get3A_523 = arith.index_cast %scan3A_35 : i32 to index
      %get3A_524 = arith.constant 480 : index
      %get3A_525 = tpu.vector_load %arg8[%get3A_523, %get3A_524] {strides = array<i32>} : memref<64x768xf32, #tpu.memory_space<vmem>>, vector<1x16xf32>,
      %get3A_526 = vector.shape_cast %get3A_525 : vector<1x16xf32> to vector<16xf32>
      %mul3A_527 = arith.mulf %get3A_526, %get3A_39 : vector<16xf32>
      %get3A_528 = arith.index_cast %scan3A_35 : i32 to index
      %get3A_529 = arith.constant 480 : index
      %get3A_530 = tpu.vector_load %arg9[%get3A_528, %get3A_529] {strides = array<i32>} : memref<64x768xf32, #tpu.memory_space<vmem>>, vector<1x16xf32>,
      %get3A_531 = vector.shape_cast %get3A_530 : vector<1x16xf32> to vector<16xf32>
      %mul3A_532 = arith.mulf %get3A_531, %get3A_43 : vector<16xf32>
      %add3A_533 = arith.addf %mul3A_527, %mul3A_532 : vector<16xf32>
      %swap3A_534 = arith.index_cast %scan3A_35 : i32 to index
      %swap3A_535 = arith.constant 480 : index
      %swap3A_536 = tpu.vector_load %arg8[%swap3A_534, %swap3A_535] {strides = array<i32>} : memref<64x768xf32, #tpu.memory_space<vmem>>, vector<1x16xf32>,
      %swap3A_537 = vector.shape_cast %swap3A_536 : vector<1x16xf32> to vector<16xf32>
      %swap3A_538 = vector.shape_cast %add3A_533 : vector<16xf32> to vector<1x16xf32>
      tpu.vector_store %arg8[%swap3A_534, %swap3A_535], %swap3A_538 {strides = array<i32>} : memref<64x768xf32, #tpu.memory_space<vmem>>, vector<1x16xf32>,
      %get3A_539 = arith.index_cast %scan3A_35 : i32 to index
      %get3A_540 = arith.constant 496 : index
      %get3A_541 = tpu.vector_load %arg8[%get3A_539, %get3A_540] {strides = array<i32>} : memref<64x768xf32, #tpu.memory_space<vmem>>, vector<1x16xf32>,
      %get3A_542 = vector.shape_cast %get3A_541 : vector<1x16xf32> to vector<16xf32>
      %mul3A_543 = arith.mulf %get3A_542, %get3A_39 : vector<16xf32>
      %get3A_544 = arith.index_cast %scan3A_35 : i32 to index
      %get3A_545 = arith.constant 496 : index
      %get3A_546 = tpu.vector_load %arg9[%get3A_544, %get3A_545] {strides = array<i32>} : memref<64x768xf32, #tpu.memory_space<vmem>>, vector<1x16xf32>,
      %get3A_547 = vector.shape_cast %get3A_546 : vector<1x16xf32> to vector<16xf32>
      %mul3A_548 = arith.mulf %get3A_547, %get3A_43 : vector<16xf32>
      %add3A_549 = arith.addf %mul3A_543, %mul3A_548 : vector<16xf32>
      %swap3A_550 = arith.index_cast %scan3A_35 : i32 to index
      %swap3A_551 = arith.constant 496 : index
      %swap3A_552 = tpu.vector_load %arg8[%swap3A_550, %swap3A_551] {strides = array<i32>} : memref<64x768xf32, #tpu.memory_space<vmem>>, vector<1x16xf32>,
      %swap3A_553 = vector.shape_cast %swap3A_552 : vector<1x16xf32> to vector<16xf32>
      %swap3A_554 = vector.shape_cast %add3A_549 : vector<16xf32> to vector<1x16xf32>
      tpu.vector_store %arg8[%swap3A_550, %swap3A_551], %swap3A_554 {strides = array<i32>} : memref<64x768xf32, #tpu.memory_space<vmem>>, vector<1x16xf32>,
      %get3A_555 = arith.index_cast %scan3A_35 : i32 to index
      %get3A_556 = arith.constant 512 : index
      %get3A_557 = tpu.vector_load %arg8[%get3A_555, %get3A_556] {strides = array<i32>} : memref<64x768xf32, #tpu.memory_space<vmem>>, vector<1x16xf32>,
      %get3A_558 = vector.shape_cast %get3A_557 : vector<1x16xf32> to vector<16xf32>
      %mul3A_559 = arith.mulf %get3A_558, %get3A_39 : vector<16xf32>
      %get3A_560 = arith.index_cast %scan3A_35 : i32 to index
      %get3A_561 = arith.constant 512 : index
      %get3A_562 = tpu.vector_load %arg9[%get3A_560, %get3A_561] {strides = array<i32>} : memref<64x768xf32, #tpu.memory_space<vmem>>, vector<1x16xf32>,
      %get3A_563 = vector.shape_cast %get3A_562 : vector<1x16xf32> to vector<16xf32>
      %mul3A_564 = arith.mulf %get3A_563, %get3A_43 : vector<16xf32>
      %add3A_565 = arith.addf %mul3A_559, %mul3A_564 : vector<16xf32>
      %swap3A_566 = arith.index_cast %scan3A_35 : i32 to index
      %swap3A_567 = arith.constant 512 : index
      %swap3A_568 = tpu.vector_load %arg8[%swap3A_566, %swap3A_567] {strides = array<i32>} : memref<64x768xf32, #tpu.memory_space<vmem>>, vector<1x16xf32>,
      %swap3A_569 = vector.shape_cast %swap3A_568 : vector<1x16xf32> to vector<16xf32>
      %swap3A_570 = vector.shape_cast %add3A_565 : vector<16xf32> to vector<1x16xf32>
      tpu.vector_store %arg8[%swap3A_566, %swap3A_567], %swap3A_570 {strides = array<i32>} : memref<64x768xf32, #tpu.memory_space<vmem>>, vector<1x16xf32>,
      %get3A_571 = arith.index_cast %scan3A_35 : i32 to index
      %get3A_572 = arith.constant 528 : index
      %get3A_573 = tpu.vector_load %arg8[%get3A_571, %get3A_572] {strides = array<i32>} : memref<64x768xf32, #tpu.memory_space<vmem>>, vector<1x16xf32>,
      %get3A_574 = vector.shape_cast %get3A_573 : vector<1x16xf32> to vector<16xf32>
      %mul3A_575 = arith.mulf %get3A_574, %get3A_39 : vector<16xf32>
      %get3A_576 = arith.index_cast %scan3A_35 : i32 to index
      %get3A_577 = arith.constant 528 : index
      %get3A_578 = tpu.vector_load %arg9[%get3A_576, %get3A_577] {strides = array<i32>} : memref<64x768xf32, #tpu.memory_space<vmem>>, vector<1x16xf32>,
      %get3A_579 = vector.shape_cast %get3A_578 : vector<1x16xf32> to vector<16xf32>
      %mul3A_580 = arith.mulf %get3A_579, %get3A_43 : vector<16xf32>
      %add3A_581 = arith.addf %mul3A_575, %mul3A_580 : vector<16xf32>
      %swap3A_582 = arith.index_cast %scan3A_35 : i32 to index
      %swap3A_583 = arith.constant 528 : index
      %swap3A_584 = tpu.vector_load %arg8[%swap3A_582, %swap3A_583] {strides = array<i32>} : memref<64x768xf32, #tpu.memory_space<vmem>>, vector<1x16xf32>,
      %swap3A_585 = vector.shape_cast %swap3A_584 : vector<1x16xf32> to vector<16xf32>
      %swap3A_586 = vector.shape_cast %add3A_581 : vector<16xf32> to vector<1x16xf32>
      tpu.vector_store %arg8[%swap3A_582, %swap3A_583], %swap3A_586 {strides = array<i32>} : memref<64x768xf32, #tpu.memory_space<vmem>>, vector<1x16xf32>,
      %get3A_587 = arith.index_cast %scan3A_35 : i32 to index
      %get3A_588 = arith.constant 544 : index
      %get3A_589 = tpu.vector_load %arg8[%get3A_587, %get3A_588] {strides = array<i32>} : memref<64x768xf32, #tpu.memory_space<vmem>>, vector<1x16xf32>,
      %get3A_590 = vector.shape_cast %get3A_589 : vector<1x16xf32> to vector<16xf32>
      %mul3A_591 = arith.mulf %get3A_590, %get3A_39 : vector<16xf32>
      %get3A_592 = arith.index_cast %scan3A_35 : i32 to index
      %get3A_593 = arith.constant 544 : index
      %get3A_594 = tpu.vector_load %arg9[%get3A_592, %get3A_593] {strides = array<i32>} : memref<64x768xf32, #tpu.memory_space<vmem>>, vector<1x16xf32>,
      %get3A_595 = vector.shape_cast %get3A_594 : vector<1x16xf32> to vector<16xf32>
      %mul3A_596 = arith.mulf %get3A_595, %get3A_43 : vector<16xf32>
      %add3A_597 = arith.addf %mul3A_591, %mul3A_596 : vector<16xf32>
      %swap3A_598 = arith.index_cast %scan3A_35 : i32 to index
      %swap3A_599 = arith.constant 544 : index
      %swap3A_600 = tpu.vector_load %arg8[%swap3A_598, %swap3A_599] {strides = array<i32>} : memref<64x768xf32, #tpu.memory_space<vmem>>, vector<1x16xf32>,
      %swap3A_601 = vector.shape_cast %swap3A_600 : vector<1x16xf32> to vector<16xf32>
      %swap3A_602 = vector.shape_cast %add3A_597 : vector<16xf32> to vector<1x16xf32>
      tpu.vector_store %arg8[%swap3A_598, %swap3A_599], %swap3A_602 {strides = array<i32>} : memref<64x768xf32, #tpu.memory_space<vmem>>, vector<1x16xf32>,
      %get3A_603 = arith.index_cast %scan3A_35 : i32 to index
      %get3A_604 = arith.constant 560 : index
      %get3A_605 = tpu.vector_load %arg8[%get3A_603, %get3A_604] {strides = array<i32>} : memref<64x768xf32, #tpu.memory_space<vmem>>, vector<1x16xf32>,
      %get3A_606 = vector.shape_cast %get3A_605 : vector<1x16xf32> to vector<16xf32>
      %mul3A_607 = arith.mulf %get3A_606, %get3A_39 : vector<16xf32>
      %get3A_608 = arith.index_cast %scan3A_35 : i32 to index
      %get3A_609 = arith.constant 560 : index
      %get3A_610 = tpu.vector_load %arg9[%get3A_608, %get3A_609] {strides = array<i32>} : memref<64x768xf32, #tpu.memory_space<vmem>>, vector<1x16xf32>,
      %get3A_611 = vector.shape_cast %get3A_610 : vector<1x16xf32> to vector<16xf32>
      %mul3A_612 = arith.mulf %get3A_611, %get3A_43 : vector<16xf32>
      %add3A_613 = arith.addf %mul3A_607, %mul3A_612 : vector<16xf32>
      %swap3A_614 = arith.index_cast %scan3A_35 : i32 to index
      %swap3A_615 = arith.constant 560 : index
      %swap3A_616 = tpu.vector_load %arg8[%swap3A_614, %swap3A_615] {strides = array<i32>} : memref<64x768xf32, #tpu.memory_space<vmem>>, vector<1x16xf32>,
      %swap3A_617 = vector.shape_cast %swap3A_616 : vector<1x16xf32> to vector<16xf32>
      %swap3A_618 = vector.shape_cast %add3A_613 : vector<16xf32> to vector<1x16xf32>
      tpu.vector_store %arg8[%swap3A_614, %swap3A_615], %swap3A_618 {strides = array<i32>} : memref<64x768xf32, #tpu.memory_space<vmem>>, vector<1x16xf32>,
      %get3A_619 = arith.index_cast %scan3A_35 : i32 to index
      %get3A_620 = arith.constant 576 : index
      %get3A_621 = tpu.vector_load %arg8[%get3A_619, %get3A_620] {strides = array<i32>} : memref<64x768xf32, #tpu.memory_space<vmem>>, vector<1x16xf32>,
      %get3A_622 = vector.shape_cast %get3A_621 : vector<1x16xf32> to vector<16xf32>
      %mul3A_623 = arith.mulf %get3A_622, %get3A_39 : vector<16xf32>
      %get3A_624 = arith.index_cast %scan3A_35 : i32 to index
      %get3A_625 = arith.constant 576 : index
      %get3A_626 = tpu.vector_load %arg9[%get3A_624, %get3A_625] {strides = array<i32>} : memref<64x768xf32, #tpu.memory_space<vmem>>, vector<1x16xf32>,
      %get3A_627 = vector.shape_cast %get3A_626 : vector<1x16xf32> to vector<16xf32>
      %mul3A_628 = arith.mulf %get3A_627, %get3A_43 : vector<16xf32>
      %add3A_629 = arith.addf %mul3A_623, %mul3A_628 : vector<16xf32>
      %swap3A_630 = arith.index_cast %scan3A_35 : i32 to index
      %swap3A_631 = arith.constant 576 : index
      %swap3A_632 = tpu.vector_load %arg8[%swap3A_630, %swap3A_631] {strides = array<i32>} : memref<64x768xf32, #tpu.memory_space<vmem>>, vector<1x16xf32>,
      %swap3A_633 = vector.shape_cast %swap3A_632 : vector<1x16xf32> to vector<16xf32>
      %swap3A_634 = vector.shape_cast %add3A_629 : vector<16xf32> to vector<1x16xf32>
      tpu.vector_store %arg8[%swap3A_630, %swap3A_631], %swap3A_634 {strides = array<i32>} : memref<64x768xf32, #tpu.memory_space<vmem>>, vector<1x16xf32>,
      %get3A_635 = arith.index_cast %scan3A_35 : i32 to index
      %get3A_636 = arith.constant 592 : index
      %get3A_637 = tpu.vector_load %arg8[%get3A_635, %get3A_636] {strides = array<i32>} : memref<64x768xf32, #tpu.memory_space<vmem>>, vector<1x16xf32>,
      %get3A_638 = vector.shape_cast %get3A_637 : vector<1x16xf32> to vector<16xf32>
      %mul3A_639 = arith.mulf %get3A_638, %get3A_39 : vector<16xf32>
      %get3A_640 = arith.index_cast %scan3A_35 : i32 to index
      %get3A_641 = arith.constant 592 : index
      %get3A_642 = tpu.vector_load %arg9[%get3A_640, %get3A_641] {strides = array<i32>} : memref<64x768xf32, #tpu.memory_space<vmem>>, vector<1x16xf32>,
      %get3A_643 = vector.shape_cast %get3A_642 : vector<1x16xf32> to vector<16xf32>
      %mul3A_644 = arith.mulf %get3A_643, %get3A_43 : vector<16xf32>
      %add3A_645 = arith.addf %mul3A_639, %mul3A_644 : vector<16xf32>
      %swap3A_646 = arith.index_cast %scan3A_35 : i32 to index
      %swap3A_647 = arith.constant 592 : index
      %swap3A_648 = tpu.vector_load %arg8[%swap3A_646, %swap3A_647] {strides = array<i32>} : memref<64x768xf32, #tpu.memory_space<vmem>>, vector<1x16xf32>,
      %swap3A_649 = vector.shape_cast %swap3A_648 : vector<1x16xf32> to vector<16xf32>
      %swap3A_650 = vector.shape_cast %add3A_645 : vector<16xf32> to vector<1x16xf32>
      tpu.vector_store %arg8[%swap3A_646, %swap3A_647], %swap3A_650 {strides = array<i32>} : memref<64x768xf32, #tpu.memory_space<vmem>>, vector<1x16xf32>,
      %get3A_651 = arith.index_cast %scan3A_35 : i32 to index
      %get3A_652 = arith.constant 608 : index
      %get3A_653 = tpu.vector_load %arg8[%get3A_651, %get3A_652] {strides = array<i32>} : memref<64x768xf32, #tpu.memory_space<vmem>>, vector<1x16xf32>,
      %get3A_654 = vector.shape_cast %get3A_653 : vector<1x16xf32> to vector<16xf32>
      %mul3A_655 = arith.mulf %get3A_654, %get3A_39 : vector<16xf32>
      %get3A_656 = arith.index_cast %scan3A_35 : i32 to index
      %get3A_657 = arith.constant 608 : index
      %get3A_658 = tpu.vector_load %arg9[%get3A_656, %get3A_657] {strides = array<i32>} : memref<64x768xf32, #tpu.memory_space<vmem>>, vector<1x16xf32>,
      %get3A_659 = vector.shape_cast %get3A_658 : vector<1x16xf32> to vector<16xf32>
      %mul3A_660 = arith.mulf %get3A_659, %get3A_43 : vector<16xf32>
      %add3A_661 = arith.addf %mul3A_655, %mul3A_660 : vector<16xf32>
      %swap3A_662 = arith.index_cast %scan3A_35 : i32 to index
      %swap3A_663 = arith.constant 608 : index
      %swap3A_664 = tpu.vector_load %arg8[%swap3A_662, %swap3A_663] {strides = array<i32>} : memref<64x768xf32, #tpu.memory_space<vmem>>, vector<1x16xf32>,
      %swap3A_665 = vector.shape_cast %swap3A_664 : vector<1x16xf32> to vector<16xf32>
      %swap3A_666 = vector.shape_cast %add3A_661 : vector<16xf32> to vector<1x16xf32>
      tpu.vector_store %arg8[%swap3A_662, %swap3A_663], %swap3A_666 {strides = array<i32>} : memref<64x768xf32, #tpu.memory_space<vmem>>, vector<1x16xf32>,
      %get3A_667 = arith.index_cast %scan3A_35 : i32 to index
      %get3A_668 = arith.constant 624 : index
      %get3A_669 = tpu.vector_load %arg8[%get3A_667, %get3A_668] {strides = array<i32>} : memref<64x768xf32, #tpu.memory_space<vmem>>, vector<1x16xf32>,
      %get3A_670 = vector.shape_cast %get3A_669 : vector<1x16xf32> to vector<16xf32>
      %mul3A_671 = arith.mulf %get3A_670, %get3A_39 : vector<16xf32>
      %get3A_672 = arith.index_cast %scan3A_35 : i32 to index
      %get3A_673 = arith.constant 624 : index
      %get3A_674 = tpu.vector_load %arg9[%get3A_672, %get3A_673] {strides = array<i32>} : memref<64x768xf32, #tpu.memory_space<vmem>>, vector<1x16xf32>,
      %get3A_675 = vector.shape_cast %get3A_674 : vector<1x16xf32> to vector<16xf32>
      %mul3A_676 = arith.mulf %get3A_675, %get3A_43 : vector<16xf32>
      %add3A_677 = arith.addf %mul3A_671, %mul3A_676 : vector<16xf32>
      %swap3A_678 = arith.index_cast %scan3A_35 : i32 to index
      %swap3A_679 = arith.constant 624 : index
      %swap3A_680 = tpu.vector_load %arg8[%swap3A_678, %swap3A_679] {strides = array<i32>} : memref<64x768xf32, #tpu.memory_space<vmem>>, vector<1x16xf32>,
      %swap3A_681 = vector.shape_cast %swap3A_680 : vector<1x16xf32> to vector<16xf32>
      %swap3A_682 = vector.shape_cast %add3A_677 : vector<16xf32> to vector<1x16xf32>
      tpu.vector_store %arg8[%swap3A_678, %swap3A_679], %swap3A_682 {strides = array<i32>} : memref<64x768xf32, #tpu.memory_space<vmem>>, vector<1x16xf32>,
      %get3A_683 = arith.index_cast %scan3A_35 : i32 to index
      %get3A_684 = arith.constant 640 : index
      %get3A_685 = tpu.vector_load %arg8[%get3A_683, %get3A_684] {strides = array<i32>} : memref<64x768xf32, #tpu.memory_space<vmem>>, vector<1x16xf32>,
      %get3A_686 = vector.shape_cast %get3A_685 : vector<1x16xf32> to vector<16xf32>
      %mul3A_687 = arith.mulf %get3A_686, %get3A_39 : vector<16xf32>
      %get3A_688 = arith.index_cast %scan3A_35 : i32 to index
      %get3A_689 = arith.constant 640 : index
      %get3A_690 = tpu.vector_load %arg9[%get3A_688, %get3A_689] {strides = array<i32>} : memref<64x768xf32, #tpu.memory_space<vmem>>, vector<1x16xf32>,
      %get3A_691 = vector.shape_cast %get3A_690 : vector<1x16xf32> to vector<16xf32>
      %mul3A_692 = arith.mulf %get3A_691, %get3A_43 : vector<16xf32>
      %add3A_693 = arith.addf %mul3A_687, %mul3A_692 : vector<16xf32>
      %swap3A_694 = arith.index_cast %scan3A_35 : i32 to index
      %swap3A_695 = arith.constant 640 : index
      %swap3A_696 = tpu.vector_load %arg8[%swap3A_694, %swap3A_695] {strides = array<i32>} : memref<64x768xf32, #tpu.memory_space<vmem>>, vector<1x16xf32>,
      %swap3A_697 = vector.shape_cast %swap3A_696 : vector<1x16xf32> to vector<16xf32>
      %swap3A_698 = vector.shape_cast %add3A_693 : vector<16xf32> to vector<1x16xf32>
      tpu.vector_store %arg8[%swap3A_694, %swap3A_695], %swap3A_698 {strides = array<i32>} : memref<64x768xf32, #tpu.memory_space<vmem>>, vector<1x16xf32>,
      %get3A_699 = arith.index_cast %scan3A_35 : i32 to index
      %get3A_700 = arith.constant 656 : index
      %get3A_701 = tpu.vector_load %arg8[%get3A_699, %get3A_700] {strides = array<i32>} : memref<64x768xf32, #tpu.memory_space<vmem>>, vector<1x16xf32>,
      %get3A_702 = vector.shape_cast %get3A_701 : vector<1x16xf32> to vector<16xf32>
      %mul3A_703 = arith.mulf %get3A_702, %get3A_39 : vector<16xf32>
      %get3A_704 = arith.index_cast %scan3A_35 : i32 to index
      %get3A_705 = arith.constant 656 : index
      %get3A_706 = tpu.vector_load %arg9[%get3A_704, %get3A_705] {strides = array<i32>} : memref<64x768xf32, #tpu.memory_space<vmem>>, vector<1x16xf32>,
      %get3A_707 = vector.shape_cast %get3A_706 : vector<1x16xf32> to vector<16xf32>
      %mul3A_708 = arith.mulf %get3A_707, %get3A_43 : vector<16xf32>
      %add3A_709 = arith.addf %mul3A_703, %mul3A_708 : vector<16xf32>
      %swap3A_710 = arith.index_cast %scan3A_35 : i32 to index
      %swap3A_711 = arith.constant 656 : index
      %swap3A_712 = tpu.vector_load %arg8[%swap3A_710, %swap3A_711] {strides = array<i32>} : memref<64x768xf32, #tpu.memory_space<vmem>>, vector<1x16xf32>,
      %swap3A_713 = vector.shape_cast %swap3A_712 : vector<1x16xf32> to vector<16xf32>
      %swap3A_714 = vector.shape_cast %add3A_709 : vector<16xf32> to vector<1x16xf32>
      tpu.vector_store %arg8[%swap3A_710, %swap3A_711], %swap3A_714 {strides = array<i32>} : memref<64x768xf32, #tpu.memory_space<vmem>>, vector<1x16xf32>,
      %get3A_715 = arith.index_cast %scan3A_35 : i32 to index
      %get3A_716 = arith.constant 672 : index
      %get3A_717 = tpu.vector_load %arg8[%get3A_715, %get3A_716] {strides = array<i32>} : memref<64x768xf32, #tpu.memory_space<vmem>>, vector<1x16xf32>,
      %get3A_718 = vector.shape_cast %get3A_717 : vector<1x16xf32> to vector<16xf32>
      %mul3A_719 = arith.mulf %get3A_718, %get3A_39 : vector<16xf32>
      %get3A_720 = arith.index_cast %scan3A_35 : i32 to index
      %get3A_721 = arith.constant 672 : index
      %get3A_722 = tpu.vector_load %arg9[%get3A_720, %get3A_721] {strides = array<i32>} : memref<64x768xf32, #tpu.memory_space<vmem>>, vector<1x16xf32>,
      %get3A_723 = vector.shape_cast %get3A_722 : vector<1x16xf32> to vector<16xf32>
      %mul3A_724 = arith.mulf %get3A_723, %get3A_43 : vector<16xf32>
      %add3A_725 = arith.addf %mul3A_719, %mul3A_724 : vector<16xf32>
      %swap3A_726 = arith.index_cast %scan3A_35 : i32 to index
      %swap3A_727 = arith.constant 672 : index
      %swap3A_728 = tpu.vector_load %arg8[%swap3A_726, %swap3A_727] {strides = array<i32>} : memref<64x768xf32, #tpu.memory_space<vmem>>, vector<1x16xf32>,
      %swap3A_729 = vector.shape_cast %swap3A_728 : vector<1x16xf32> to vector<16xf32>
      %swap3A_730 = vector.shape_cast %add3A_725 : vector<16xf32> to vector<1x16xf32>
      tpu.vector_store %arg8[%swap3A_726, %swap3A_727], %swap3A_730 {strides = array<i32>} : memref<64x768xf32, #tpu.memory_space<vmem>>, vector<1x16xf32>,
      %get3A_731 = arith.index_cast %scan3A_35 : i32 to index
      %get3A_732 = arith.constant 688 : index
      %get3A_733 = tpu.vector_load %arg8[%get3A_731, %get3A_732] {strides = array<i32>} : memref<64x768xf32, #tpu.memory_space<vmem>>, vector<1x16xf32>,
      %get3A_734 = vector.shape_cast %get3A_733 : vector<1x16xf32> to vector<16xf32>
      %mul3A_735 = arith.mulf %get3A_734, %get3A_39 : vector<16xf32>
      %get3A_736 = arith.index_cast %scan3A_35 : i32 to index
      %get3A_737 = arith.constant 688 : index
      %get3A_738 = tpu.vector_load %arg9[%get3A_736, %get3A_737] {strides = array<i32>} : memref<64x768xf32, #tpu.memory_space<vmem>>, vector<1x16xf32>,
      %get3A_739 = vector.shape_cast %get3A_738 : vector<1x16xf32> to vector<16xf32>
      %mul3A_740 = arith.mulf %get3A_739, %get3A_43 : vector<16xf32>
      %add3A_741 = arith.addf %mul3A_735, %mul3A_740 : vector<16xf32>
      %swap3A_742 = arith.index_cast %scan3A_35 : i32 to index
      %swap3A_743 = arith.constant 688 : index
      %swap3A_744 = tpu.vector_load %arg8[%swap3A_742, %swap3A_743] {strides = array<i32>} : memref<64x768xf32, #tpu.memory_space<vmem>>, vector<1x16xf32>,
      %swap3A_745 = vector.shape_cast %swap3A_744 : vector<1x16xf32> to vector<16xf32>
      %swap3A_746 = vector.shape_cast %add3A_741 : vector<16xf32> to vector<1x16xf32>
      tpu.vector_store %arg8[%swap3A_742, %swap3A_743], %swap3A_746 {strides = array<i32>} : memref<64x768xf32, #tpu.memory_space<vmem>>, vector<1x16xf32>,
      %get3A_747 = arith.index_cast %scan3A_35 : i32 to index
      %get3A_748 = arith.constant 704 : index
      %get3A_749 = tpu.vector_load %arg8[%get3A_747, %get3A_748] {strides = array<i32>} : memref<64x768xf32, #tpu.memory_space<vmem>>, vector<1x16xf32>,
      %get3A_750 = vector.shape_cast %get3A_749 : vector<1x16xf32> to vector<16xf32>
      %mul3A_751 = arith.mulf %get3A_750, %get3A_39 : vector<16xf32>
      %get3A_752 = arith.index_cast %scan3A_35 : i32 to index
      %get3A_753 = arith.constant 704 : index
      %get3A_754 = tpu.vector_load %arg9[%get3A_752, %get3A_753] {strides = array<i32>} : memref<64x768xf32, #tpu.memory_space<vmem>>, vector<1x16xf32>,
      %get3A_755 = vector.shape_cast %get3A_754 : vector<1x16xf32> to vector<16xf32>
      %mul3A_756 = arith.mulf %get3A_755, %get3A_43 : vector<16xf32>
      %add3A_757 = arith.addf %mul3A_751, %mul3A_756 : vector<16xf32>
      %swap3A_758 = arith.index_cast %scan3A_35 : i32 to index
      %swap3A_759 = arith.constant 704 : index
      %swap3A_760 = tpu.vector_load %arg8[%swap3A_758, %swap3A_759] {strides = array<i32>} : memref<64x768xf32, #tpu.memory_space<vmem>>, vector<1x16xf32>,
      %swap3A_761 = vector.shape_cast %swap3A_760 : vector<1x16xf32> to vector<16xf32>
      %swap3A_762 = vector.shape_cast %add3A_757 : vector<16xf32> to vector<1x16xf32>
      tpu.vector_store %arg8[%swap3A_758, %swap3A_759], %swap3A_762 {strides = array<i32>} : memref<64x768xf32, #tpu.memory_space<vmem>>, vector<1x16xf32>,
      %get3A_763 = arith.index_cast %scan3A_35 : i32 to index
      %get3A_764 = arith.constant 720 : index
      %get3A_765 = tpu.vector_load %arg8[%get3A_763, %get3A_764] {strides = array<i32>} : memref<64x768xf32, #tpu.memory_space<vmem>>, vector<1x16xf32>,
      %get3A_766 = vector.shape_cast %get3A_765 : vector<1x16xf32> to vector<16xf32>
      %mul3A_767 = arith.mulf %get3A_766, %get3A_39 : vector<16xf32>
      %get3A_768 = arith.index_cast %scan3A_35 : i32 to index
      %get3A_769 = arith.constant 720 : index
      %get3A_770 = tpu.vector_load %arg9[%get3A_768, %get3A_769] {strides = array<i32>} : memref<64x768xf32, #tpu.memory_space<vmem>>, vector<1x16xf32>,
      %get3A_771 = vector.shape_cast %get3A_770 : vector<1x16xf32> to vector<16xf32>
      %mul3A_772 = arith.mulf %get3A_771, %get3A_43 : vector<16xf32>
      %add3A_773 = arith.addf %mul3A_767, %mul3A_772 : vector<16xf32>
      %swap3A_774 = arith.index_cast %scan3A_35 : i32 to index
      %swap3A_775 = arith.constant 720 : index
      %swap3A_776 = tpu.vector_load %arg8[%swap3A_774, %swap3A_775] {strides = array<i32>} : memref<64x768xf32, #tpu.memory_space<vmem>>, vector<1x16xf32>,
      %swap3A_777 = vector.shape_cast %swap3A_776 : vector<1x16xf32> to vector<16xf32>
      %swap3A_778 = vector.shape_cast %add3A_773 : vector<16xf32> to vector<1x16xf32>
      tpu.vector_store %arg8[%swap3A_774, %swap3A_775], %swap3A_778 {strides = array<i32>} : memref<64x768xf32, #tpu.memory_space<vmem>>, vector<1x16xf32>,
      %get3A_779 = arith.index_cast %scan3A_35 : i32 to index
      %get3A_780 = arith.constant 736 : index
      %get3A_781 = tpu.vector_load %arg8[%get3A_779, %get3A_780] {strides = array<i32>} : memref<64x768xf32, #tpu.memory_space<vmem>>, vector<1x16xf32>,
      %get3A_782 = vector.shape_cast %get3A_781 : vector<1x16xf32> to vector<16xf32>
      %mul3A_783 = arith.mulf %get3A_782, %get3A_39 : vector<16xf32>
      %get3A_784 = arith.index_cast %scan3A_35 : i32 to index
      %get3A_785 = arith.constant 736 : index
      %get3A_786 = tpu.vector_load %arg9[%get3A_784, %get3A_785] {strides = array<i32>} : memref<64x768xf32, #tpu.memory_space<vmem>>, vector<1x16xf32>,
      %get3A_787 = vector.shape_cast %get3A_786 : vector<1x16xf32> to vector<16xf32>
      %mul3A_788 = arith.mulf %get3A_787, %get3A_43 : vector<16xf32>
      %add3A_789 = arith.addf %mul3A_783, %mul3A_788 : vector<16xf32>
      %swap3A_790 = arith.index_cast %scan3A_35 : i32 to index
      %swap3A_791 = arith.constant 736 : index
      %swap3A_792 = tpu.vector_load %arg8[%swap3A_790, %swap3A_791] {strides = array<i32>} : memref<64x768xf32, #tpu.memory_space<vmem>>, vector<1x16xf32>,
      %swap3A_793 = vector.shape_cast %swap3A_792 : vector<1x16xf32> to vector<16xf32>
      %swap3A_794 = vector.shape_cast %add3A_789 : vector<16xf32> to vector<1x16xf32>
      tpu.vector_store %arg8[%swap3A_790, %swap3A_791], %swap3A_794 {strides = array<i32>} : memref<64x768xf32, #tpu.memory_space<vmem>>, vector<1x16xf32>,
      %get3A_795 = arith.index_cast %scan3A_35 : i32 to index
      %get3A_796 = arith.constant 752 : index
      %get3A_797 = tpu.vector_load %arg8[%get3A_795, %get3A_796] {strides = array<i32>} : memref<64x768xf32, #tpu.memory_space<vmem>>, vector<1x16xf32>,
      %get3A_798 = vector.shape_cast %get3A_797 : vector<1x16xf32> to vector<16xf32>
      %mul3A_799 = arith.mulf %get3A_798, %get3A_39 : vector<16xf32>
      %get3A_800 = arith.index_cast %scan3A_35 : i32 to index
      %get3A_801 = arith.constant 752 : index
      %get3A_802 = tpu.vector_load %arg9[%get3A_800, %get3A_801] {strides = array<i32>} : memref<64x768xf32, #tpu.memory_space<vmem>>, vector<1x16xf32>,
      %get3A_803 = vector.shape_cast %get3A_802 : vector<1x16xf32> to vector<16xf32>
      %mul3A_804 = arith.mulf %get3A_803, %get3A_43 : vector<16xf32>
      %add3A_805 = arith.addf %mul3A_799, %mul3A_804 : vector<16xf32>
      %swap3A_806 = arith.index_cast %scan3A_35 : i32 to index
      %swap3A_807 = arith.constant 752 : index
      %swap3A_808 = tpu.vector_load %arg8[%swap3A_806, %swap3A_807] {strides = array<i32>} : memref<64x768xf32, #tpu.memory_space<vmem>>, vector<1x16xf32>,
      %swap3A_809 = vector.shape_cast %swap3A_808 : vector<1x16xf32> to vector<16xf32>
      %swap3A_810 = vector.shape_cast %add3A_805 : vector<16xf32> to vector<1x16xf32>
      tpu.vector_store %arg8[%swap3A_806, %swap3A_807], %swap3A_810 {strides = array<i32>} : memref<64x768xf32, #tpu.memory_space<vmem>>, vector<1x16xf32>,
      %scan3A_811 = arith.constant 0 : i32
      scf.yield %scan3A_811 : i32
    }
    %scan3A_34 = arith.constant 64 : i32
    "tpu.region"() ({
      %run_scoped3A = tpu.sem_alloc : memref<!tpu.dma_semaphore, #tpu.memory_space<semaphore_mem>>
      %dma_start3A_35 = arith.constant 0 : i32
      %dma_start3A_36 = tpu.memref_slice %arg7[%mul3A_2, %dma_start3A_35] : memref<2048x768xf32, #tpu.memory_space<hbm>> -> memref<64x768xf32, #tpu.memory_space<hbm>>
      %dma_start3A_37 = arith.constant 0 : i32
      %dma_start3A_38 = tpu.memref_slice %arg7[%mul3A_2, %dma_start3A_37] : memref<2048x768xf32, #tpu.memory_space<hbm>> -> memref<64x768xf32, #tpu.memory_space<hbm>>
      tpu.enqueue_dma source(%arg8 : memref<64x768xf32, #tpu.memory_space<vmem>>) target(%dma_start3A_38 : memref<64x768xf32, #tpu.memory_space<hbm>>) target_semaphore(%run_scoped3A : memref<!tpu.dma_semaphore, #tpu.memory_space<semaphore_mem>>)
      %dma_wait3A_39 = arith.constant 0 : i32
      %dma_wait3A_40 = tpu.memref_slice %arg7[%mul3A_2, %dma_wait3A_39] : memref<2048x768xf32, #tpu.memory_space<hbm>> -> memref<64x768xf32, #tpu.memory_space<hbm>>
      %dma_wait3A_41 = arith.constant 0 : i32
      %dma_wait3A_42 = tpu.memref_slice %arg7[%mul3A_2, %dma_wait3A_41] : memref<2048x768xf32, #tpu.memory_space<hbm>> -> memref<64x768xf32, #tpu.memory_space<hbm>>
      tpu.wait_dma2 semaphore(%run_scoped3A : memref<!tpu.dma_semaphore, #tpu.memory_space<semaphore_mem>>) src(%arg8 : memref<64x768xf32, #tpu.memory_space<vmem>>) dst(%dma_wait3A_42 : memref<64x768xf32, #tpu.memory_space<hbm>>)
      tpu.yield
    }) : () -> ()
    return
  }
}

module attributes {stable_mosaic.version = 14 : i64} {
  func.func @_ffn_body(%arg0: i32, %arg1: memref<23xi32, #tpu.memory_space<smem>>, %arg2: memref<256x768xf32, #tpu.memory_space<vmem>>, %arg3: memref<1x768x1536xf32, #tpu.memory_space<vmem>>, %arg4: memref<1x1x1536xf32, #tpu.memory_space<vmem>>, %arg5: memref<1x1536x768xf32, #tpu.memory_space<vmem>>, %arg6: memref<1x1x768xf32, #tpu.memory_space<vmem>>, %arg7: memref<256x768xf32, #tpu.memory_space<vmem>>) attributes {dimension_semantics = [#tpu.dimension_semantics<arbitrary>], iteration_bounds = array<i64: 23>, scalar_prefetch = 1 : i64, scratch_operands = 0 : i64, tpu.core_type = #tpu.core_type<tc>, window_params = [{transform_indices = @transform_0, window_bounds = array<i64: 256, 768>}, {transform_indices = @transform_1, window_bounds = array<i64: 1, 768, 1536>}, {transform_indices = @transform_2, window_bounds = array<i64: 1, 1, 1536>}, {transform_indices = @transform_3, window_bounds = array<i64: 1, 1536, 768>}, {transform_indices = @transform_4, window_bounds = array<i64: 1, 1, 768>}, {transform_indices = @transform_5, window_bounds = array<i64: 256, 768>}]} {
    %get3A = arith.constant 0 : index
    %get3A_0 = arith.constant 0 : index
    %get3A_1 = vector.load %arg2[%get3A, %get3A_0] : memref<256x768xf32, #tpu.memory_space<vmem>>, vector<256x768xf32>
    %get3A_2 = arith.constant 0 : index
    %get3A_3 = arith.constant 0 : index
    %get3A_4 = arith.constant 0 : index
    %get3A_5 = vector.load %arg3[%get3A_2, %get3A_3, %get3A_4] : memref<1x768x1536xf32, #tpu.memory_space<vmem>>, vector<1x768x1536xf32>
    %get3A_6 = vector.shape_cast %get3A_5 : vector<1x768x1536xf32> to vector<768x1536xf32>
    %dot_general3A = arith.constant dense<0.000000e+00> : vector<256x1536xf32>
    %dot_general3A_7 = tpu.matmul %get3A_1, %get3A_6, %dot_general3A {dimension_numbers = #tpu.dot_dimension_numbers<[1], [0], [0], [1], [0, 0, 1, 1], [], []>, transpose_lhs_hint = false} : vector<256x768xf32>, vector<768x1536xf32>, vector<256x1536xf32> -> vector<256x1536xf32>
    %get3A_8 = arith.constant 0 : index
    %get3A_9 = arith.constant 0 : index
    %get3A_10 = arith.constant 0 : index
    %get3A_11 = vector.load %arg4[%get3A_8, %get3A_9, %get3A_10] : memref<1x1x1536xf32, #tpu.memory_space<vmem>>, vector<1x1x1536xf32>
    %get3A_12 = vector.shape_cast %get3A_11 : vector<1x1x1536xf32> to vector<1x1536xf32>
    %add3A = vector.broadcast %get3A_12 : vector<1x1536xf32> to vector<256x1536xf32>
    %add3A_13 = arith.addf %dot_general3A_7, %add3A : vector<256x1536xf32>
    %mul3A = arith.constant 5.000000e-01 : f32
    %mul3A_14 = vector.broadcast %mul3A : f32 to vector<256x1536xf32>
    %mul3A_15 = arith.mulf %mul3A_14, %add3A_13 : vector<256x1536xf32>
    %mul3A_16 = arith.constant 0.707106769 : f32
    %mul3A_17 = vector.broadcast %mul3A_16 : f32 to vector<256x1536xf32>
    %mul3A_18 = arith.mulf %add3A_13, %mul3A_17 : vector<256x1536xf32>
    %erf3A = math.erf %mul3A_18 : vector<256x1536xf32>
    %add3A_19 = arith.constant 1.000000e+00 : f32
    %add3A_20 = vector.broadcast %add3A_19 : f32 to vector<256x1536xf32>
    %add3A_21 = arith.addf %add3A_20, %erf3A : vector<256x1536xf32>
    %mul3A_22 = arith.mulf %mul3A_15, %add3A_21 : vector<256x1536xf32>
    %get3A_23 = arith.constant 0 : index
    %get3A_24 = arith.constant 0 : index
    %get3A_25 = arith.constant 0 : index
    %get3A_26 = vector.load %arg5[%get3A_23, %get3A_24, %get3A_25] : memref<1x1536x768xf32, #tpu.memory_space<vmem>>, vector<1x1536x768xf32>
    %get3A_27 = vector.shape_cast %get3A_26 : vector<1x1536x768xf32> to vector<1536x768xf32>
    %dot_general3A_28 = arith.constant dense<0.000000e+00> : vector<256x768xf32>
    %dot_general3A_29 = tpu.matmul %mul3A_22, %get3A_27, %dot_general3A_28 {dimension_numbers = #tpu.dot_dimension_numbers<[1], [0], [0], [1], [0, 0, 1, 1], [], []>, transpose_lhs_hint = false} : vector<256x1536xf32>, vector<1536x768xf32>, vector<256x768xf32> -> vector<256x768xf32>
    %get3A_30 = arith.constant 0 : index
    %get3A_31 = arith.constant 0 : index
    %get3A_32 = arith.constant 0 : index
    %get3A_33 = vector.load %arg6[%get3A_30, %get3A_31, %get3A_32] : memref<1x1x768xf32, #tpu.memory_space<vmem>>, vector<1x1x768xf32>
    %get3A_34 = vector.shape_cast %get3A_33 : vector<1x1x768xf32> to vector<1x768xf32>
    %add3A_35 = vector.broadcast %get3A_34 : vector<1x768xf32> to vector<256x768xf32>
    %add3A_36 = arith.addf %dot_general3A_29, %add3A_35 : vector<256x768xf32>
    %swap3A = arith.constant 0 : index
    %swap3A_37 = arith.constant 0 : index
    %swap3A_38 = vector.load %arg7[%swap3A, %swap3A_37] : memref<256x768xf32, #tpu.memory_space<vmem>>, vector<256x768xf32>
    tpu.vector_store %arg7[%swap3A, %swap3A_37], %add3A_36 {strides = array<i32>} : memref<256x768xf32, #tpu.memory_space<vmem>>, vector<256x768xf32>,
    return
  }
  func.func @transform_0(%arg0: i32, %arg1: memref<23xi32, #tpu.memory_space<smem>>) -> (i32, i32) {
    %c0_i32 = arith.constant 0 : i32
    %c0_i32_0 = arith.constant 0 : i32
    return %arg0, %c0_i32 : i32, i32
  }
  func.func @transform_1(%arg0: i32, %arg1: memref<23xi32, #tpu.memory_space<smem>>) -> (i32, i32, i32) {
    %get3A = arith.index_cast %arg0 : i32 to index
    %get3A_0 = memref.load %arg1[%get3A] : memref<23xi32, #tpu.memory_space<smem>>
    %c0_i32 = arith.constant 0 : i32
    %c0_i32_1 = arith.constant 0 : i32
    %c0_i32_2 = arith.constant 0 : i32
    return %get3A_0, %c0_i32, %c0_i32_1 : i32, i32, i32
  }
  func.func @transform_2(%arg0: i32, %arg1: memref<23xi32, #tpu.memory_space<smem>>) -> (i32, i32, i32) {
    %get3A = arith.index_cast %arg0 : i32 to index
    %get3A_0 = memref.load %arg1[%get3A] : memref<23xi32, #tpu.memory_space<smem>>
    %c0_i32 = arith.constant 0 : i32
    %c0_i32_1 = arith.constant 0 : i32
    %c0_i32_2 = arith.constant 0 : i32
    return %get3A_0, %c0_i32, %c0_i32_1 : i32, i32, i32
  }
  func.func @transform_3(%arg0: i32, %arg1: memref<23xi32, #tpu.memory_space<smem>>) -> (i32, i32, i32) {
    %get3A = arith.index_cast %arg0 : i32 to index
    %get3A_0 = memref.load %arg1[%get3A] : memref<23xi32, #tpu.memory_space<smem>>
    %c0_i32 = arith.constant 0 : i32
    %c0_i32_1 = arith.constant 0 : i32
    %c0_i32_2 = arith.constant 0 : i32
    return %get3A_0, %c0_i32, %c0_i32_1 : i32, i32, i32
  }
  func.func @transform_4(%arg0: i32, %arg1: memref<23xi32, #tpu.memory_space<smem>>) -> (i32, i32, i32) {
    %get3A = arith.index_cast %arg0 : i32 to index
    %get3A_0 = memref.load %arg1[%get3A] : memref<23xi32, #tpu.memory_space<smem>>
    %c0_i32 = arith.constant 0 : i32
    %c0_i32_1 = arith.constant 0 : i32
    %c0_i32_2 = arith.constant 0 : i32
    return %get3A_0, %c0_i32, %c0_i32_1 : i32, i32, i32
  }
  func.func @transform_5(%arg0: i32, %arg1: memref<23xi32, #tpu.memory_space<smem>>) -> (i32, i32) {
    %c0_i32 = arith.constant 0 : i32
    %c0_i32_0 = arith.constant 0 : i32
    return %arg0, %c0_i32 : i32, i32
  }
}

module attributes {stable_mosaic.version = 14 : i64} {
  func.func @_gate_body(%arg0: memref<2048x768xf32, #tpu.memory_space<vmem>>, %arg1: memref<768x384xf32, #tpu.memory_space<vmem>>, %arg2: memref<1x384xf32, #tpu.memory_space<vmem>>, %arg3: memref<384x8xf32, #tpu.memory_space<vmem>>, %arg4: memref<1x8xf32, #tpu.memory_space<vmem>>, %arg5: memref<2048x1xi32, #tpu.memory_space<vmem>>, %arg6: memref<2048x1xi32, #tpu.memory_space<vmem>>, %arg7: memref<2048x16xf32, #tpu.memory_space<vmem>>, %arg8: memref<2048x16xf32, #tpu.memory_space<vmem>>, %arg9: memref<23x1xi32, #tpu.memory_space<vmem>>) attributes {dimension_semantics = [], scalar_prefetch = 0 : i64, scratch_operands = 0 : i64, tpu.core_type = #tpu.core_type<tc>} {
    %get3A = arith.constant 0 : index
    %get3A_0 = arith.constant 0 : index
    %get3A_1 = vector.load %arg0[%get3A, %get3A_0] : memref<2048x768xf32, #tpu.memory_space<vmem>>, vector<2048x768xf32>
    %get3A_2 = arith.constant 0 : index
    %get3A_3 = arith.constant 0 : index
    %get3A_4 = vector.load %arg1[%get3A_2, %get3A_3] : memref<768x384xf32, #tpu.memory_space<vmem>>, vector<768x384xf32>
    %dot_general3A = arith.constant dense<0.000000e+00> : vector<2048x384xf32>
    %dot_general3A_5 = tpu.matmul %get3A_1, %get3A_4, %dot_general3A {dimension_numbers = #tpu.dot_dimension_numbers<[1], [0], [0], [1], [0, 0, 1, 1], [], []>, transpose_lhs_hint = false} : vector<2048x768xf32>, vector<768x384xf32>, vector<2048x384xf32> -> vector<2048x384xf32>
    %get3A_6 = arith.constant 0 : index
    %get3A_7 = arith.constant 0 : index
    %get3A_8 = vector.load %arg2[%get3A_6, %get3A_7] : memref<1x384xf32, #tpu.memory_space<vmem>>, vector<1x384xf32>
    %add3A = vector.broadcast %get3A_8 : vector<1x384xf32> to vector<2048x384xf32>
    %add3A_9 = arith.addf %dot_general3A_5, %add3A : vector<2048x384xf32>
    %max3A = arith.constant 0.000000e+00 : f32
    %max3A_10 = vector.broadcast %max3A : f32 to vector<2048x384xf32>
    %max3A_11 = arith.maximumf %add3A_9, %max3A_10 : vector<2048x384xf32>
    %get3A_12 = arith.constant 0 : index
    %get3A_13 = arith.constant 0 : index
    %get3A_14 = vector.load %arg3[%get3A_12, %get3A_13] : memref<384x8xf32, #tpu.memory_space<vmem>>, vector<384x8xf32>
    %dot_general3A_15 = arith.constant dense<0.000000e+00> : vector<2048x8xf32>
    %dot_general3A_16 = tpu.matmul %max3A_11, %get3A_14, %dot_general3A_15 {dimension_numbers = #tpu.dot_dimension_numbers<[1], [0], [0], [1], [0, 0, 1, 1], [], []>, transpose_lhs_hint = false} : vector<2048x384xf32>, vector<384x8xf32>, vector<2048x8xf32> -> vector<2048x8xf32>
    %get3A_17 = arith.constant 0 : index
    %get3A_18 = arith.constant 0 : index
    %get3A_19 = vector.load %arg4[%get3A_17, %get3A_18] : memref<1x8xf32, #tpu.memory_space<vmem>>, vector<1x8xf32>
    %add3A_20 = vector.broadcast %get3A_19 : vector<1x8xf32> to vector<2048x8xf32>
    %add3A_21 = arith.addf %dot_general3A_16, %add3A_20 : vector<2048x8xf32>
    %reduce_max3A = arith.constant dense<0xFF800000> : vector<2048xf32>
    %reduce_max3A_22 = vector.multi_reduction <maximumf>, %add3A_21, %reduce_max3A [1] : vector<2048x8xf32> to vector<2048xf32>
    %broadcast_in_dim3A = vector.shape_cast %reduce_max3A_22 : vector<2048xf32> to vector<2048x1xf32>
    %sub3A = vector.broadcast %broadcast_in_dim3A : vector<2048x1xf32> to vector<2048x8xf32>
    %sub3A_23 = arith.subf %add3A_21, %sub3A : vector<2048x8xf32>
    %exp3A = math.exp %sub3A_23 : vector<2048x8xf32>
    %reduce_sum3A = arith.constant dense<0.000000e+00> : vector<2048xf32>
    %reduce_sum3A_24 = vector.multi_reduction <add>, %exp3A, %reduce_sum3A [1] : vector<2048x8xf32> to vector<2048xf32>
    %broadcast_in_dim3A_25 = vector.shape_cast %reduce_sum3A_24 : vector<2048xf32> to vector<2048x1xf32>
    %div3A = vector.broadcast %broadcast_in_dim3A_25 : vector<2048x1xf32> to vector<2048x8xf32>
    %div3A_26 = arith.divf %exp3A, %div3A : vector<2048x8xf32>
    %iota3A = tpu.iota {dimensions = array<i32: 1>} : vector<2048x8xi32>
    %reduce_max3A_27 = arith.constant dense<0xFF800000> : vector<2048xf32>
    %reduce_max3A_28 = vector.multi_reduction <maximumf>, %div3A_26, %reduce_max3A_27 [1] : vector<2048x8xf32> to vector<2048xf32>
    %broadcast_in_dim3A_29 = vector.shape_cast %reduce_max3A_28 : vector<2048xf32> to vector<2048x1xf32>
    %ge3A = vector.broadcast %broadcast_in_dim3A_29 : vector<2048x1xf32> to vector<2048x8xf32>
    %ge3A_30 = arith.cmpf oge, %div3A_26, %ge3A : vector<2048x8xf32>
    %jit3A = arith.constant 9 : i32
    %broadcast_in_dim3A_31 = vector.broadcast %jit3A : i32 to vector<2048x8xi32>
    %select_n3A = arith.select %ge3A_30, %iota3A, %broadcast_in_dim3A_31 : vector<2048x8xi1>, vector<2048x8xi32>
    %reduce_min3A = arith.constant dense<2147483647> : vector<2048xi32>
    %reduce_min3A_32 = vector.multi_reduction <minsi>, %select_n3A, %reduce_min3A [1] : vector<2048x8xi32> to vector<2048xi32>
    %broadcast_in_dim3A_33 = vector.shape_cast %reduce_min3A_32 : vector<2048xi32> to vector<2048x1xi32>
    %eq3A = vector.broadcast %broadcast_in_dim3A_33 : vector<2048x1xi32> to vector<2048x8xi32>
    %eq3A_34 = arith.cmpi eq, %iota3A, %eq3A : vector<2048x8xi32>
    %jit3A_35 = arith.constant 0xFF800000 : f32
    %broadcast_in_dim3A_36 = vector.broadcast %jit3A_35 : f32 to vector<2048x8xf32>
    %select_n3A_37 = arith.select %eq3A_34, %broadcast_in_dim3A_36, %div3A_26 : vector<2048x8xi1>, vector<2048x8xf32>
    %reduce_max3A_38 = arith.constant dense<0xFF800000> : vector<2048xf32>
    %reduce_max3A_39 = vector.multi_reduction <maximumf>, %select_n3A_37, %reduce_max3A_38 [1] : vector<2048x8xf32> to vector<2048xf32>
    %broadcast_in_dim3A_40 = vector.shape_cast %reduce_max3A_39 : vector<2048xf32> to vector<2048x1xf32>
    %ge3A_41 = vector.broadcast %broadcast_in_dim3A_40 : vector<2048x1xf32> to vector<2048x8xf32>
    %ge3A_42 = arith.cmpf oge, %select_n3A_37, %ge3A_41 : vector<2048x8xf32>
    %jit3A_43 = arith.constant 9 : i32
    %broadcast_in_dim3A_44 = vector.broadcast %jit3A_43 : i32 to vector<2048x8xi32>
    %select_n3A_45 = arith.select %ge3A_42, %iota3A, %broadcast_in_dim3A_44 : vector<2048x8xi1>, vector<2048x8xi32>
    %reduce_min3A_46 = arith.constant dense<2147483647> : vector<2048xi32>
    %reduce_min3A_47 = vector.multi_reduction <minsi>, %select_n3A_45, %reduce_min3A_46 [1] : vector<2048x8xi32> to vector<2048xi32>
    %broadcast_in_dim3A_48 = vector.shape_cast %reduce_min3A_47 : vector<2048xi32> to vector<2048x1xi32>
    %sub3A_49 = arith.subf %broadcast_in_dim3A_40, %broadcast_in_dim3A_29 : vector<2048x1xf32>
    %exp3A_50 = math.exp %sub3A_49 : vector<2048x1xf32>
    %add3A_51 = arith.constant 1.000000e+00 : f32
    %add3A_52 = vector.broadcast %add3A_51 : f32 to vector<2048x1xf32>
    %add3A_53 = arith.addf %add3A_52, %exp3A_50 : vector<2048x1xf32>
    %div3A_54 = arith.constant 1.000000e+00 : f32
    %div3A_55 = vector.broadcast %div3A_54 : f32 to vector<2048x1xf32>
    %div3A_56 = arith.divf %div3A_55, %add3A_53 : vector<2048x1xf32>
    %mul3A = arith.mulf %exp3A_50, %div3A_56 : vector<2048x1xf32>
    %eq3A_57 = vector.broadcast %broadcast_in_dim3A_33 : vector<2048x1xi32> to vector<2048x8xi32>
    %eq3A_58 = arith.cmpi eq, %iota3A, %eq3A_57 : vector<2048x8xi32>
    %convert_element_type3A = arith.extui %eq3A_58 : vector<2048x8xi1> to vector<2048x8xi32>
    %convert_element_type3A_59 = arith.sitofp %convert_element_type3A : vector<2048x8xi32> to vector<2048x8xf32>
    %eq3A_60 = vector.broadcast %broadcast_in_dim3A_48 : vector<2048x1xi32> to vector<2048x8xi32>
    %eq3A_61 = arith.cmpi eq, %iota3A, %eq3A_60 : vector<2048x8xi32>
    %convert_element_type3A_62 = arith.extui %eq3A_61 : vector<2048x8xi1> to vector<2048x8xi32>
    %convert_element_type3A_63 = arith.sitofp %convert_element_type3A_62 : vector<2048x8xi32> to vector<2048x8xf32>
    %add3A_64 = arith.addf %convert_element_type3A_59, %convert_element_type3A_63 : vector<2048x8xf32>
    %iota3A_65 = tpu.iota {dimensions = array<i32: 0>} : vector<2048x2048xi32>
    %iota3A_66 = tpu.iota {dimensions = array<i32: 1>} : vector<2048x2048xi32>
    %lt3A = arith.cmpi slt, %iota3A_66, %iota3A_65 : vector<2048x2048xi32>
    %convert_element_type3A_67 = arith.extui %lt3A : vector<2048x2048xi1> to vector<2048x2048xi32>
    %convert_element_type3A_68 = arith.sitofp %convert_element_type3A_67 : vector<2048x2048xi32> to vector<2048x2048xf32>
    %dot_general3A_69 = arith.constant dense<0.000000e+00> : vector<2048x8xf32>
    %dot_general3A_70 = tpu.matmul %convert_element_type3A_68, %add3A_64, %dot_general3A_69 {dimension_numbers = #tpu.dot_dimension_numbers<[1], [0], [0], [1], [0, 0, 1, 1], [], []>, transpose_lhs_hint = false} : vector<2048x2048xf32>, vector<2048x8xf32>, vector<2048x8xf32> -> vector<2048x8xf32>
    %reduce_sum3A_71 = arith.constant dense<0.000000e+00> : vector<8xf32>
    %reduce_sum3A_72 = vector.multi_reduction <add>, %add3A_64, %reduce_sum3A_71 [0] : vector<2048x8xf32> to vector<8xf32>
    %broadcast_in_dim3A_73 = vector.shape_cast %reduce_sum3A_72 : vector<8xf32> to vector<1x8xf32>
    %add3A_74 = arith.constant 2.550000e+02 : f32
    %add3A_75 = vector.broadcast %add3A_74 : f32 to vector<1x8xf32>
    %add3A_76 = arith.addf %broadcast_in_dim3A_73, %add3A_75 : vector<1x8xf32>
    %mul3A_77 = arith.constant 3.906250e-03 : f32
    %mul3A_78 = vector.broadcast %mul3A_77 : f32 to vector<1x8xf32>
    %mul3A_79 = arith.mulf %add3A_76, %mul3A_78 : vector<1x8xf32>
    %floor3A = math.floor %mul3A_79 : vector<1x8xf32>
    %iota3A_80 = tpu.iota {dimensions = array<i32: 0>} : vector<8x8xi32>
    %iota3A_81 = tpu.iota {dimensions = array<i32: 1>} : vector<8x8xi32>
    %lt3A_82 = arith.cmpi slt, %iota3A_80, %iota3A_81 : vector<8x8xi32>
    %convert_element_type3A_83 = arith.extui %lt3A_82 : vector<8x8xi1> to vector<8x8xi32>
    %convert_element_type3A_84 = arith.sitofp %convert_element_type3A_83 : vector<8x8xi32> to vector<8x8xf32>
    %dot_general3A_85 = arith.constant dense<0.000000e+00> : vector<1x8xf32>
    %dot_general3A_86 = tpu.matmul %floor3A, %convert_element_type3A_84, %dot_general3A_85 {dimension_numbers = #tpu.dot_dimension_numbers<[1], [0], [0], [1], [0, 0, 1, 1], [], []>, transpose_lhs_hint = false} : vector<1x8xf32>, vector<8x8xf32>, vector<1x8xf32> -> vector<1x8xf32>
    %mul3A_87 = arith.constant 2.560000e+02 : f32
    %mul3A_88 = vector.broadcast %mul3A_87 : f32 to vector<1x8xf32>
    %mul3A_89 = arith.mulf %dot_general3A_86, %mul3A_88 : vector<1x8xf32>
    %add3A_90 = vector.broadcast %mul3A_89 : vector<1x8xf32> to vector<2048x8xf32>
    %add3A_91 = arith.addf %add3A_90, %dot_general3A_70 : vector<2048x8xf32>
    %mul3A_92 = arith.mulf %convert_element_type3A_59, %add3A_91 : vector<2048x8xf32>
    %reduce_sum3A_93 = arith.constant dense<0.000000e+00> : vector<2048xf32>
    %reduce_sum3A_94 = vector.multi_reduction <add>, %mul3A_92, %reduce_sum3A_93 [1] : vector<2048x8xf32> to vector<2048xf32>
    %broadcast_in_dim3A_95 = vector.shape_cast %reduce_sum3A_94 : vector<2048xf32> to vector<2048x1xf32>
    %convert_element_type3A_96 = arith.fptosi %broadcast_in_dim3A_95 : vector<2048x1xf32> to vector<2048x1xi32>
    %swap3A = arith.constant 0 : index
    %swap3A_97 = arith.constant 0 : index
    %swap3A_98 = vector.load %arg5[%swap3A, %swap3A_97] : memref<2048x1xi32, #tpu.memory_space<vmem>>, vector<2048x1xi32>
    tpu.vector_store %arg5[%swap3A, %swap3A_97], %convert_element_type3A_96 {strides = array<i32>} : memref<2048x1xi32, #tpu.memory_space<vmem>>, vector<2048x1xi32>,
    %mul3A_99 = arith.mulf %convert_element_type3A_63, %add3A_91 : vector<2048x8xf32>
    %reduce_sum3A_100 = arith.constant dense<0.000000e+00> : vector<2048xf32>
    %reduce_sum3A_101 = vector.multi_reduction <add>, %mul3A_99, %reduce_sum3A_100 [1] : vector<2048x8xf32> to vector<2048xf32>
    %broadcast_in_dim3A_102 = vector.shape_cast %reduce_sum3A_101 : vector<2048xf32> to vector<2048x1xf32>
    %convert_element_type3A_103 = arith.fptosi %broadcast_in_dim3A_102 : vector<2048x1xf32> to vector<2048x1xi32>
    %swap3A_104 = arith.constant 0 : index
    %swap3A_105 = arith.constant 0 : index
    %swap3A_106 = vector.load %arg6[%swap3A_104, %swap3A_105] : memref<2048x1xi32, #tpu.memory_space<vmem>>, vector<2048x1xi32>
    tpu.vector_store %arg6[%swap3A_104, %swap3A_105], %convert_element_type3A_103 {strides = array<i32>} : memref<2048x1xi32, #tpu.memory_space<vmem>>, vector<2048x1xi32>,
    %broadcast_in_dim3A_107 = vector.shape_cast %div3A_56 : vector<2048x1xf32> to vector<2048x1xf32>
    %broadcast_in_dim3A_108 = vector.broadcast %broadcast_in_dim3A_107 : vector<2048x1xf32> to vector<2048x16xf32>
    %swap3A_109 = arith.constant 0 : index
    %swap3A_110 = arith.constant 0 : index
    %swap3A_111 = vector.load %arg7[%swap3A_109, %swap3A_110] : memref<2048x16xf32, #tpu.memory_space<vmem>>, vector<2048x16xf32>
    tpu.vector_store %arg7[%swap3A_109, %swap3A_110], %broadcast_in_dim3A_108 {strides = array<i32>} : memref<2048x16xf32, #tpu.memory_space<vmem>>, vector<2048x16xf32>,
    %broadcast_in_dim3A_112 = vector.shape_cast %mul3A : vector<2048x1xf32> to vector<2048x1xf32>
    %broadcast_in_dim3A_113 = vector.broadcast %broadcast_in_dim3A_112 : vector<2048x1xf32> to vector<2048x16xf32>
    %swap3A_114 = arith.constant 0 : index
    %swap3A_115 = arith.constant 0 : index
    %swap3A_116 = vector.load %arg8[%swap3A_114, %swap3A_115] : memref<2048x16xf32, #tpu.memory_space<vmem>>, vector<2048x16xf32>
    tpu.vector_store %arg8[%swap3A_114, %swap3A_115], %broadcast_in_dim3A_113 {strides = array<i32>} : memref<2048x16xf32, #tpu.memory_space<vmem>>, vector<2048x16xf32>,
    %iota3A_117 = tpu.iota {dimensions = array<i32: 0>} : vector<23x8xi32>
    %convert_element_type3A_118 = arith.sitofp %iota3A_117 : vector<23x8xi32> to vector<23x8xf32>
    %mul3A_119 = arith.constant 2.560000e+02 : f32
    %mul3A_120 = vector.broadcast %mul3A_119 : f32 to vector<23x8xf32>
    %mul3A_121 = arith.mulf %convert_element_type3A_118, %mul3A_120 : vector<23x8xf32>
    %broadcast_in_dim3A_122 = vector.shape_cast %mul3A_89 : vector<1x8xf32> to vector<1x8xf32>
    %broadcast_in_dim3A_123 = vector.broadcast %broadcast_in_dim3A_122 : vector<1x8xf32> to vector<23x8xf32>
    %le3A = arith.cmpf ole, %broadcast_in_dim3A_123, %mul3A_121 : vector<23x8xf32>
    %convert_element_type3A_124 = arith.extui %le3A : vector<23x8xi1> to vector<23x8xi32>
    %convert_element_type3A_125 = arith.sitofp %convert_element_type3A_124 : vector<23x8xi32> to vector<23x8xf32>
    %reduce_sum3A_126 = arith.constant dense<0.000000e+00> : vector<23xf32>
    %reduce_sum3A_127 = vector.multi_reduction <add>, %convert_element_type3A_125, %reduce_sum3A_126 [1] : vector<23x8xf32> to vector<23xf32>
    %broadcast_in_dim3A_128 = vector.shape_cast %reduce_sum3A_127 : vector<23xf32> to vector<23x1xf32>
    %sub3A_129 = arith.constant 1.000000e+00 : f32
    %sub3A_130 = vector.broadcast %sub3A_129 : f32 to vector<23x1xf32>
    %sub3A_131 = arith.subf %broadcast_in_dim3A_128, %sub3A_130 : vector<23x1xf32>
    %convert_element_type3A_132 = arith.fptosi %sub3A_131 : vector<23x1xf32> to vector<23x1xi32>
    %swap3A_133 = arith.constant 0 : index
    %swap3A_134 = arith.constant 0 : index
    %swap3A_135 = vector.load %arg9[%swap3A_133, %swap3A_134] : memref<23x1xi32, #tpu.memory_space<vmem>>, vector<23x1xi32>
    tpu.vector_store %arg9[%swap3A_133, %swap3A_134], %convert_element_type3A_132 {strides = array<i32>} : memref<23x1xi32, #tpu.memory_space<vmem>>, vector<23x1xi32>,
    return
  }
}

</mosaic_0001>

<sc_bundles>
// kernel: kernel.6.cloned.1.call-start
scs
__scs_entry_jumppad:
0x0: {  	(pc) =	sbr.rel $0x88, $3  }
0x1: {  	(tag) =	ssettag $0x0;
	lr =	simm.s32 $0x1  }
0x2: {  	[smem:$0x3F98] =	sst lr;
	_ =	strace $0xD0000000  }
0x3: {  	_ = 	snop  }
0x4: {  	_ = 	snop  }
0x5: {  	_ = 	snop  }
0x6: {  	_ = 	snop  }
0x7: {  	_ = 	snop  }
__scs_overlays_trampoline_lowered:
0x8: {  	[smem:$0x3FA7] =	sst s0  }
0x9: {  	[smem:$0x3FA8] =	sst s1  }
0xa: {  	[smem:$0x3FA9] =	sst s2  }
0xb: {  	[smem:$0x3FAA] =	sst s3  }
0xc: {  	[smem:$0x3FAB] =	sst s4  }
0xd: {  	[smem:$0x3FAC] =	sst s5  }
0xe: {  	[smem:$0x3FAD] =	sst s6  }
0xf: {  	[smem:$0x3FAE] =	sst s7  }
0x10: {  	[smem:$0x3FAF] =	sst s8  }
0x11: {  	[smem:$0x3FB0] =	sst s9;
	s0 =	simm.s32 @!p0 $0x0  }
0x12: {  	s1 =	sld [smem:$0x3F96];
	s0 =	simm.s32 @p0 $0x1  }
0x13: {  	[smem:$0x3FB1] =	sst s0;
	s0 =	simm.s32 @!p1 $0x0  }
0x14: {  	s2 =	sld [smem:$0x3F95];
	s0 =	simm.s32 @p1 $0x1  }
0x15: {  	[smem:$0x3FB2] =	sst s0;
	s0 =	simm.s32 @!p2 $0x0  }
0x16: {  	s3 =	sld [smem:$0x3FDB];
	s0 =	simm.s32 @p2 $0x1  }
0x17: {  	s4 =	simm.s32 $0x1BF5;
	[smem:$0x3FB4] =	sst s0  }
0x18: {  	s0 =	sld [smem:$0x3F97];
	_ =	swait.ge [sflag:s4], $0x0  }
0x19: {  	s7 =	sld [smem:$0x3F98]  }
0x1a: {  	s8 =	sadd.s32 $0xFFFFE003, lr  }
0x1b: {  	s9 =	sadd.s32 $0xFFFFFEF7, lr;
	s5 =	simm.s32 $0xFFFFFFFF;
	p2 =	slt.u32 s8, $0xFFFFF086  }
0x1c: {  	p1 =	slt.u32 s9, $0xF7A;
	s5 =	simm.s32 @!p2 $0x0  }
0x1d: {  	s5 =	simm.s32 @p1 $0x1;
	p0 =	seq.s32 s7, s2  }
0x1e: {  	s7 =	smul.u32 @!p0 $0xF7A, s2;
	p2 =	seq.s32 @!p0 s5, $0x0  }
0x1f: {  	s9 =	smul.u32 $0xF7A, s1;
	s8 =	simm.s32 @!p0 $0x1BF5;
	p2 =	por !p2, p0  }
0x20: {  	[sflag:s8] =	ssyncset.s32 @!p0 $0xFFFFF086;
	s6 =	sadd.s32 @!p0 s3, s7;
	s7 =	simm.s32 @!p0 $0x108  }
0x21: {  	s3 =	sadd.s32 s3, s9;
	s6 =	sadd.s32 @!p0 $0x88, s6;
	s7 =	simm.s32 @p2 $0x1082  }
0x22: {  	[simem:s7], [sflag:s8] =	dma.local @!p0 [hbm:s6], $0xF7A  }
0x23: {  	s9 =	sor.u32 $0xD0000000, s2;
	s6 =	simm.s32 $0x108;
	_ =	swait.ge @!p0 [sflag:s8], $0x0  }
0x24: {  	s3 =	sadd.s32 $0x88, s3;
	s6 =	simm.s32 @!p1 $0x1082;
	[sflag:s4] =	ssyncset.s32 $0xFFFFF086  }
0x25: {  	[simem:s6], [sflag:s4] =	dma.local [hbm:s3], $0xF7A  }
0x26: {  	[smem:$0x3F98] =	sst s1;
	(tag) =	ssettag s2;
	_ =	strace s9  }
0x27: {  	s1 =	sld [smem:$0x3FA8]  }
0x28: {  	s2 =	sld [smem:$0x3FA9]  }
0x29: {  	s4 =	sld [smem:$0x3FAB]  }
0x2a: {  	p0 =	seq.s32 s5, $0x0;
	s5 =	sld [smem:$0x3FAC]  }
0x2b: {  	s6 =	sld [smem:$0x3FAD]  }
0x2c: {  	s7 =	sld [smem:$0x3FAE]  }
0x2d: {  	s3 =	simm.s32 $0x108;
	s8 =	sld [smem:$0x3FAF]  }
0x2e: {  	s3 =	simm.s32 @!p0 $0x1082;
	s9 =	sld [smem:$0x3FB0]  }
0x2f: {  	lr =	sadd.s32 s0, s3;
	s0 =	sld [smem:$0x3FA7]  }
0x30: {  	s3 =	sld [smem:$0x3FAA]  }
0x31: {  	[smem:$0x3FB3] =	sst s10  }
0x32: {  	s10 =	sld [smem:$0x3FB1];
	_ =	sdelay $0x3  }
0x33: {  	p0 =	seq.s32 s10, $0x1;
	s10 =	sld [smem:$0x3FB3];
	_ =	sdelay $0x3  }
0x34: {  	[smem:$0x3FB3] =	sst s10  }
0x35: {  	s10 =	sld [smem:$0x3FB2];
	_ =	sdelay $0x3  }
0x36: {  	p1 =	seq.s32 s10, $0x1;
	s10 =	sld [smem:$0x3FB3];
	_ =	sdelay $0x3  }
0x37: {  	[smem:$0x3FB3] =	sst s10  }
0x38: {  	s10 =	sld [smem:$0x3FB4]  }
0x39: {  	_ = 	snop;
	(pc) =	sbr.ind lr, $3  }
0x3a: {  	_ = 	snop  }
0x3b: {  	_ = 	snop  }
0x3c: {  	p2 =	seq.s32 s10, $0x1;
	s10 =	sld [smem:$0x3FB3]  }
0x3d: {  	_ =	shalt  }
0x3e: {  	_ =	shalt  }
0x3f: {  	_ =	shalt  }
0x40: {  	_ =	shalt  }
0x41: {  	_ =	shalt  }
0x42: {  	_ =	shalt  }
0x43: {  	_ =	shalt  }
0x44: {  	_ =	shalt  }
0x45: {  	_ =	shalt  }
0x46: {  	_ =	shalt  }
0x47: {  	_ =	shalt  }
0x48: {  	_ =	shalt  }
0x49: {  	_ =	shalt  }
0x4a: {  	_ =	shalt  }
0x4b: {  	_ =	shalt  }
0x4c: {  	_ =	shalt  }
0x4d: {  	_ =	shalt  }
0x4e: {  	_ =	shalt  }
0x4f: {  	_ =	shalt  }
0x50: {  	_ =	shalt  }
0x51: {  	_ =	shalt  }
0x52: {  	_ =	shalt  }
0x53: {  	_ =	shalt  }
0x54: {  	_ =	shalt  }
0x55: {  	_ =	shalt  }
0x56: {  	_ =	shalt  }
0x57: {  	_ =	shalt  }
0x58: {  	_ =	shalt  }
0x59: {  	_ =	shalt  }
0x5a: {  	_ =	shalt  }
0x5b: {  	_ =	shalt  }
0x5c: {  	_ =	shalt  }
0x5d: {  	_ =	shalt  }
0x5e: {  	_ =	shalt  }
0x5f: {  	_ =	shalt  }
0x60: {  	_ =	shalt  }
0x61: {  	_ =	shalt  }
0x62: {  	_ =	shalt  }
0x63: {  	_ =	shalt  }
0x64: {  	_ =	shalt  }
0x65: {  	_ =	shalt  }
0x66: {  	_ =	shalt  }
0x67: {  	_ =	shalt  }
0x68: {  	_ =	shalt  }
0x69: {  	_ =	shalt  }
0x6a: {  	_ =	shalt  }
0x6b: {  	_ =	shalt  }
0x6c: {  	_ =	shalt  }
0x6d: {  	_ =	shalt  }
0x6e: {  	_ =	shalt  }
0x6f: {  	_ =	shalt  }
0x70: {  	_ =	shalt  }
0x71: {  	_ =	shalt  }
0x72: {  	_ =	shalt  }
0x73: {  	_ =	shalt  }
0x74: {  	_ =	shalt  }
0x75: {  	_ =	shalt  }
0x76: {  	_ =	shalt  }
0x77: {  	_ =	shalt  }
0x78: {  	_ =	shalt  }
0x79: {  	_ =	shalt  }
0x7a: {  	_ =	shalt  }
0x7b: {  	_ =	shalt  }
0x7c: {  	_ =	shalt  }
0x7d: {  	_ =	shalt  }
0x7e: {  	_ =	shalt  }
0x7f: {  	_ =	shalt  }
0x80: {  	_ =	shalt  }
0x81: {  	_ =	shalt  }
0x82: {  	_ =	shalt  }
0x83: {  	_ =	shalt  }
0x84: {  	_ =	shalt  }
0x85: {  	_ =	shalt  }
0x86: {  	_ =	shalt  }
0x87: {  	_ =	shalt  }
.Lfunc_end0:
.L_simem_size_0:
called_computation_lowered:
.L_overlay_start_0:
0x88: {  	s2 =	sld [smem:$0x3FD9]  }
0x89: {  	s3 =	sld [smem:$0x3FFE];
	_ =	sdelay $0x1  }
0x8a: {  	s1 =	srdreg.scid  }
0x8b: {  	s0 =	sand.u32 $0x1, s1  }
0x8c: {  	s17 =	sshll.u32 s0, $0xA;
	s2 =	sadd.s32 s3, s2  }
0x8d: {  	s2 =	sadd.s32 s2, s17  }
0x8e: {  	[smem:$0x3FBF] =	sst s2  }
0x8f: {  	_ = 	snop  }
0x90: {  	s2 =	sld [smem:$0x3FC9];
	(tm) =	ssettm $0x1  }
0x91: {  	s18 =	sld [smem:$0x3FFB];
	_ =	sdelay $0x3  }
0x92: {  	_ =	strace s18  }
0x93: {  	s3 =	sld [smem:$0x3FFC];
	_ =	sdelay $0x3  }
0x94: {  	_ =	strace s3  }
0x95: {  	s3 =	sld [smem:$0x3FFD];
	_ =	sdelay $0x3  }
0x96: {  	_ =	strace s3  }
0x97: {  	_ =	strace $0x8FFFFFFF  }
0x98: {  	s19 =	sld [smem:$0x3FDB];
	_ =	sdelay $0x1  }
0x99: {  	s4 =	simm.s32 $_scs_section_size  }
0x9a: {  	s5 =	simm.s32 $_size__tile_overlayer_lowered;
	s6 =	simm.s32 $_tile_overlayer_lowered  }
0x9b: {  	s22 =	simm.s32 $0x1BFF;
	s21 =	sshll.u32 s6, $0x1;
	s3 =	sadd.s32 s4, s19  }
0x9c: {  	s7 =	simm.s32 $0x0;
	s20 =	sshll.u32 s5, $0x1;
	s5 =	sadd.s32 s21, s3  }
0x9d: {  	[timem:s7], [sflag:s22] =	dma.local [hbm:s5], s20  }
0x9e: {  	_ =	swait.ge [sflag:s22], s20  }
0x9f: {  	s4 =	ssub.s32 $0x0, s20;
	[sflag:s22] =	ssyncset.done $0x0  }
0xa0: {  	[sflag:s22] =	ssyncadd.s32 s4;
	_ =	sdelay $0x1  }
0xa1: {  	s23 =	simm.s32 $0x1B8B  }
0xa2: {  	_ =	swait.ge [sflag:s23], $0x1  }
0xa3: {  	[sflag:s23] =	ssyncset.done $0x0  }
0xa4: {  	s25 =	simm.s32 $0x1B8E;
	s24 =	sld [smem:$0x3FFE];
	[sflag:s23] =	ssyncadd.s32 $0xFFFFFFFF  }
0xa5: {  	s26 =	simm.s32 $execute0_lowered;
	[smem:$0x3FD2] =	sst s25  }
0xa6: {  	s5 =	sshll.u32 s26, $0x1;
	_ =	strace $0x80000046;
	[dreg:$0x1] =	wrdreg $0xFFFFFFFF  }
0xa7: {  	s28 =	simm.s32 $_size_execute0_lowered;
	s3 =	sadd.s32 s3, s5;
	[dreg:$0x0] =	wrdreg $0x0  }
0xa8: {  	s5 =	sshll.u32 s28, $0x1;
	[dreg:$0x2] =	wrdreg s3  }
0xa9: {  	[dreg:$0x3] =	wrdreg s5  }
0xaa: {  	[dreg:$0x4] =	wrdreg $0xC0  }
0xab: {  	_ =	task [dreg:s7], $0x5FFFF  }
0xac: {  	[dreg:$0x1] =	wrdreg $0xFFFFFFFF  }
0xad: {  	[dreg:$0x0] =	wrdreg $0x60  }
0xae: {  	[dreg:$0x2] =	wrdreg s2  }
0xaf: {  	[dreg:$0x3] =	wrdreg s24  }
0xb0: {  	[dreg:$0x4] =	wrdreg $0x9  }
0xb1: {  	_ =	task.clear_ibuf [dreg:s7], $0x5FFFF;
	_ =	strace $0x90000046  }
0xb2: {  	s29 =	simm.s32 $0x9;
	_ =	strace $0x80000048  }
0xb3: {  	_ =	swait.ge [sflag:s29], $0x1  }
0xb4: {  	[sflag:s29] =	ssyncadd.s32 $0xFFFFFFFF  }
0xb5: {  	_ =	strace $0x90000048  }
0xb6: {  	_ =	sfence  }
0xb7: {  	s30 =	sld [smem:$0x0];
	_ =	sdelay $0x2  }
0xb8: {  	s31 =	sshll.u32 s1, $0xD;
	s1 =	sshrl.u32 s1, $0x2  }
0xb9: {  	s3 =	sand.u32 $0x4000, s31;
	s1 =	sadd.s32 s1, s30  }
0xba: {  	s0 =	sor.u32 s3, s0;
	s1 =	sshll.u32 s1, $0x11  }
0xbb: {  	s0 =	sor.u32 s1, s0  }
0xbc: {  	s0 =	sadd.s32 $0x8F2B, s0  }
0xbd: {  	[sflag:s0] =	ssyncadd.remote.s32 $0x1  }
0xbe: {  	_ =	sfence.sel $0xFFFF  }
0xbf: {  	[dreg:$0x0] =	wrdreg $0xFFFFFFFF;
	(pc) =	sbr.abs _section_cstart, $3  }
0xc0: {  	[dreg:$0x1] =	wrdreg $0xFFFFFFFF  }
0xc1: {  	_ =	task.clear_ibuf [dreg:s7], $0x2FFFF;
	_ =	strace $0x9FFFFFFF  }
0xc2: {  	(tm) =	ssettm $0x7FFFFFFF  }
0xc3: {  	_ =	shalt  }
tec
execute0_lowered:
.L_overlay_start_1:
0x0: {  	(tag) =	ssettag $0x1  }
0x1: {  	s0 =	srdreg.scid;
	s1 =	rddreg [dreg:$0x0]  }
0x2: {  	s2 =	stileid.u32;
	s5 =	rddreg [dreg:$0x1];
	s25 =	simm.s32 $0xC000  }
0x3: {  	s26 =	simm.s32 $0xC080;
	s7 =	simm.s32 $0x3;
	s8 =	simm.s32 $0x2  }
0x4: {  	s12 =	simm.s32 $0x2000;
	s13 =	simm.s32 $0x2800;
	s14 =	simm.s32 $0x3000  }
0x5: {  	s15 =	simm.s32 $0x3800;
	s16 =	simm.s32 $0x4000;
	s17 =	simm.s32 $0x4800  }
0x6: {  	s18 =	simm.s32 $0x5000;
	s19 =	simm.s32 $0x5800;
	s20 =	simm.s32 $0x6000  }
0x7: {  	s21 =	simm.s32 $0x6800;
	s28 =	simm.s32 $0x9800;
	s29 =	simm.s32 $0xA000  }
0x8: {  	s30 =	simm.s32 $0xA800;
	s31 =	simm.s32 $0xB000;
	s0 =	sand.u32 $0x1, s0  }
0x9: {  	s2 =	sshll.u32 s2, $0x4;
	s3 =	sshll.u32 s0, $0x3;
	s0 =	ssub.s32 $0x2, s0  }
0xa: {  	s3 =	sor.u32 s3, s2;
	s2 =	simm.s32 $0x0;
	s23 =	sshrl.u32 s0, $0x1  }
0xb: {  	s4 =	smul.u32 $0x300, s3;
	[smem:$0x7FF] =	sst s2;
	s3 =	sadd.s32 s3, s5  }
0xc: {  	s0 =	ssub.s32 s0, s23;
	s23 =	simm.s32 $0x7800;
	_ =	strace $0x80000047  }
0xd: {  	s22 =	sadd.s32 $0x10A00, s3;
	s24 =	sadd.s32 $0x10C00, s3;
	[dreg:$0x6] =	wrdreg s25  }
0xe: {  	s3 =	sadd.s32 $0x10E00, s5;
	s6 =	smax.u32 s0, $0x1;
	[dreg:$0x7] =	wrdreg s26  }
0xf: {  	s25 =	simm.s32 $0x8800;
	s26 =	simm.s32 $0x9000;
	[dreg:$0x4] =	wrdreg s22  }
0x10: {  	v2 =	vlaneseq.u32;
	s0 =	simm.s32 $0x1;
	s1 =	sadd.s32 s1, s4;
	[dreg:$0x5] =	wrdreg s24  }
0x11: {  	vm0 =	vmmov $0xffff;
	v1 =	vshrl.u32 v2, $0x3;
	s4 =	sadd.s32 $0x10F00, s5;
	s5 =	sadd.s32 $0x11000, s5;
	s22 =	simm.s32 $0x7000  }
0x12: {  	v0 =	vand.u32 $0x7, v2;
	v2 =	vor.u32 $0x8, v2;
	v1 =	vmul.u32 $0x8, v1;
	s24 =	simm.s32 $0x8000;
	[dreg:$0x3] =	wrdreg s1;
	s1 =	simm.s32 $0xB800  }
.LBB2_1:
0x13: {  	s9 =	rddreg [dreg:$0x3]  }
0x14: {  	s10 =	rddreg [dreg:$0x4]  }
0x15: {  	[tilespmem:s2], [sflag:$0x2] =	stream.linear.gather [hbm4b:s9+s2], $0xC000, $0x38;
	[tilespmem:$0xC100] =	vst v63  }
0x16: {  	s11 =	rddreg [dreg:$0x6]  }
0x17: {  	[tilespmem:s11], [sflag:$0x3] =	stream.linear.gather [hbm4b:s10+s2], $0x40, $0x38;
	[tilespmem:$0xC100] =	vst v63  }
0x18: {  	_ =	swait.ge [sflag:s7], $0x40  }
0x19: {  	s10 =	rddreg [dreg:$0x5];
	[sflag:s7] =	ssyncset.done $0x0  }
0x1a: {  	s11 =	rddreg [dreg:$0x7];
	[sflag:s7] =	ssyncadd.s32 $0xFFFFFFC0  }
0x1b: {  	[tilespmem:s11], [sflag:$0x3] =	stream.linear.gather [hbm4b:s10+s2], $0x40, $0x38;
	[tilespmem:$0xC100] =	vst v63  }
0x1c: {  	_ =	swait.ge [sflag:s7], $0x40  }
0x1d: {  	[sflag:s7] =	ssyncset.done $0x0  }
0x1e: {  	[sflag:s7] =	ssyncadd.s32 $0xFFFFFFC0  }
0x1f: {  	_ =	swait.ge [sflag:s8], $0xC000  }
0x20: {  	[sflag:s8] =	ssyncset.done $0x0  }
0x21: {  	[sflag:s8] =	ssyncadd.s32 $0xFFFF4000  }
0x22: {  	v3 =	vld [tilespmem:$0xC000];
	_ =	sdelay $0x4  }
0x23: {  	v4 =	vshrl.u32 v3, $0x3  }
0x24: {  	v4 =	vmul.u32 $0x30, v4  }
0x25: {  	v3 =	vand.u32 $0x7, v3  }
0x26: {  	v3 =	vor.u32 v3, v4  }
0x27: {  	v4 =	vperm.xlane v3, v0;
	_ =	sdelay $0x1  }
0x28: {  	v4 =	vadd.s32 v1, v4;
	_ =	sdelay $0x3  }
0x29: {  	v3 =	vperm.xlane v3, v2  }
0x2a: {  	[hbm4b:s3+s2] =	stream.indirect_vreg.scatter [tilespmem:s2], [sflag:$0x1], $0x80, v4, vm0, $0xb8;
	[tilespmem:$0xC100] =	vst v63  }
0x2b: {  	s9 =	simm.s32 $0x800;
	v3 =	vadd.s32 v1, v3  }
0x2c: {  	[hbm4b:s4+s2] =	stream.indirect_vreg.scatter [tilespmem:s9], [sflag:$0x1], $0x80, v4, vm0, $0xb8;
	[tilespmem:$0xC100] =	vst v63  }
0x2d: {  	s10 =	simm.s32 $0x1000  }
0x2e: {  	[hbm4b:s5+s2] =	stream.indirect_vreg.scatter [tilespmem:s10], [sflag:$0x1], $0x80, v4, vm0, $0xb8;
	[tilespmem:$0xC100] =	vst v63  }
0x2f: {  	s11 =	simm.s32 $0x1800  }
0x30: {  	[hbm4b:s3+s2] =	stream.indirect_vreg.scatter [tilespmem:s11], [sflag:$0x1], $0x80, v3, vm0, $0xb8;
	[tilespmem:$0xC100] =	vst v63  }
0x31: {  	_ = 	snop  }
0x32: {  	[hbm4b:s4+s2] =	stream.indirect_vreg.scatter [tilespmem:s12], [sflag:$0x1], $0x80, v3, vm0, $0xb8;
	[tilespmem:$0xC100] =	vst v63  }
0x33: {  	_ = 	snop  }
0x34: {  	[hbm4b:s5+s2] =	stream.indirect_vreg.scatter [tilespmem:s13], [sflag:$0x1], $0x80, v3, vm0, $0xb8;
	[tilespmem:$0xC100] =	vst v63  }
0x35: {  	v3 =	vld [tilespmem:$0xC010];
	_ =	sdelay $0x4  }
0x36: {  	v57 =	vshrl.u32 v3, $0x3  }
0x37: {  	v4 =	vmul.u32 $0x30, v57  }
0x38: {  	v3 =	vand.u32 $0x7, v3  }
0x39: {  	v3 =	vor.u32 v3, v4  }
0x3a: {  	v4 =	vperm.xlane v3, v0;
	_ =	sdelay $0x1  }
0x3b: {  	v4 =	vadd.s32 v1, v4;
	_ =	sdelay $0x3  }
0x3c: {  	v3 =	vperm.xlane v3, v2  }
0x3d: {  	[hbm4b:s3+s2] =	stream.indirect_vreg.scatter [tilespmem:s14], [sflag:$0x1], $0x80, v4, vm0, $0xb8;
	[tilespmem:$0xC100] =	vst v63  }
0x3e: {  	v3 =	vadd.s32 v1, v3  }
0x3f: {  	[hbm4b:s4+s2] =	stream.indirect_vreg.scatter [tilespmem:s15], [sflag:$0x1], $0x80, v4, vm0, $0xb8;
	[tilespmem:$0xC100] =	vst v63  }
0x40: {  	_ = 	snop  }
0x41: {  	[hbm4b:s5+s2] =	stream.indirect_vreg.scatter [tilespmem:s16], [sflag:$0x1], $0x80, v4, vm0, $0xb8;
	[tilespmem:$0xC100] =	vst v63  }
0x42: {  	_ = 	snop  }
0x43: {  	[hbm4b:s3+s2] =	stream.indirect_vreg.scatter [tilespmem:s17], [sflag:$0x1], $0x80, v3, vm0, $0xb8;
	[tilespmem:$0xC100] =	vst v63  }
0x44: {  	_ = 	snop  }
0x45: {  	[hbm4b:s4+s2] =	stream.indirect_vreg.scatter [tilespmem:s18], [sflag:$0x1], $0x80, v3, vm0, $0xb8;
	[tilespmem:$0xC100] =	vst v63  }
0x46: {  	_ = 	snop  }
0x47: {  	[hbm4b:s5+s2] =	stream.indirect_vreg.scatter [tilespmem:s19], [sflag:$0x1], $0x80, v3, vm0, $0xb8;
	[tilespmem:$0xC100] =	vst v63  }
0x48: {  	v3 =	vld [tilespmem:$0xC020];
	_ =	sdelay $0x4  }
0x49: {  	v58 =	vshrl.u32 v3, $0x3  }
0x4a: {  	v4 =	vmul.u32 $0x30, v58  }
0x4b: {  	v3 =	vand.u32 $0x7, v3  }
0x4c: {  	v3 =	vor.u32 v3, v4  }
0x4d: {  	v4 =	vperm.xlane v3, v0;
	_ =	sdelay $0x1  }
0x4e: {  	v4 =	vadd.s32 v1, v4;
	_ =	sdelay $0x3  }
0x4f: {  	v3 =	vperm.xlane v3, v2  }
0x50: {  	[hbm4b:s3+s2] =	stream.indirect_vreg.scatter [tilespmem:s20], [sflag:$0x1], $0x80, v4, vm0, $0xb8;
	[tilespmem:$0xC100] =	vst v63  }
0x51: {  	v3 =	vadd.s32 v1, v3  }
0x52: {  	[hbm4b:s4+s2] =	stream.indirect_vreg.scatter [tilespmem:s21], [sflag:$0x1], $0x80, v4, vm0, $0xb8;
	[tilespmem:$0xC100] =	vst v63  }
0x53: {  	_ = 	snop  }
0x54: {  	[hbm4b:s5+s2] =	stream.indirect_vreg.scatter [tilespmem:s22], [sflag:$0x1], $0x80, v4, vm0, $0xb8;
	[tilespmem:$0xC100] =	vst v63  }
0x55: {  	_ = 	snop  }
0x56: {  	[hbm4b:s3+s2] =	stream.indirect_vreg.scatter [tilespmem:s23], [sflag:$0x1], $0x80, v3, vm0, $0xb8;
	[tilespmem:$0xC100] =	vst v63  }
0x57: {  	_ = 	snop  }
0x58: {  	[hbm4b:s4+s2] =	stream.indirect_vreg.scatter [tilespmem:s24], [sflag:$0x1], $0x80, v3, vm0, $0xb8;
	[tilespmem:$0xC100] =	vst v63  }
0x59: {  	_ = 	snop  }
0x5a: {  	[hbm4b:s5+s2] =	stream.indirect_vreg.scatter [tilespmem:s25], [sflag:$0x1], $0x80, v3, vm0, $0xb8;
	[tilespmem:$0xC100] =	vst v63  }
0x5b: {  	v3 =	vld [tilespmem:$0xC030];
	_ =	sdelay $0x4  }
0x5c: {  	v59 =	vshrl.u32 v3, $0x3  }
0x5d: {  	v4 =	vmul.u32 $0x30, v59  }
0x5e: {  	v3 =	vand.u32 $0x7, v3  }
0x5f: {  	v3 =	vor.u32 v3, v4  }
0x60: {  	v4 =	vperm.xlane v3, v0;
	_ =	sdelay $0x1  }
0x61: {  	v4 =	vadd.s32 v1, v4;
	_ =	sdelay $0x3  }
0x62: {  	v3 =	vperm.xlane v3, v2  }
0x63: {  	[hbm4b:s3+s2] =	stream.indirect_vreg.scatter [tilespmem:s26], [sflag:$0x1], $0x80, v4, vm0, $0xb8;
	[tilespmem:$0xC100] =	vst v63  }
0x64: {  	v3 =	vadd.s32 v1, v3  }
0x65: {  	[hbm4b:s4+s2] =	stream.indirect_vreg.scatter [tilespmem:s28], [sflag:$0x1], $0x80, v4, vm0, $0xb8;
	[tilespmem:$0xC100] =	vst v63  }
0x66: {  	_ = 	snop  }
0x67: {  	[hbm4b:s5+s2] =	stream.indirect_vreg.scatter [tilespmem:s29], [sflag:$0x1], $0x80, v4, vm0, $0xb8;
	[tilespmem:$0xC100] =	vst v63  }
0x68: {  	_ = 	snop  }
0x69: {  	[hbm4b:s3+s2] =	stream.indirect_vreg.scatter [tilespmem:s30], [sflag:$0x1], $0x80, v3, vm0, $0xb8;
	[tilespmem:$0xC100] =	vst v63  }
0x6a: {  	_ = 	snop  }
0x6b: {  	[hbm4b:s4+s2] =	stream.indirect_vreg.scatter [tilespmem:s31], [sflag:$0x1], $0x80, v3, vm0, $0xb8;
	[tilespmem:$0xC100] =	vst v63  }
0x6c: {  	_ = 	snop  }
0x6d: {  	[hbm4b:s5+s2] =	stream.indirect_vreg.scatter [tilespmem:s1], [sflag:$0x1], $0x80, v3, vm0, $0xb8;
	[tilespmem:$0xC100] =	vst v63  }
0x6e: {  	v3 =	vld [tilespmem:$0xC080];
	_ =	sdelay $0x4  }
0x6f: {  	v60 =	vshrl.u32 v3, $0x3  }
0x70: {  	v4 =	vmul.u32 $0x30, v60  }
0x71: {  	v3 =	vand.u32 $0x7, v3  }
0x72: {  	v3 =	vor.u32 v3, v4  }
0x73: {  	v4 =	vperm.xlane v3, v0;
	_ =	sdelay $0x1  }
0x74: {  	v4 =	vadd.s32 v1, v4;
	_ =	sdelay $0x3  }
0x75: {  	v3 =	vperm.xlane v3, v2  }
0x76: {  	[hbm4b:s3+s2] =	stream.indirect_vreg.scatter [tilespmem:s2], [sflag:$0x1], $0x80, v4, vm0, $0xb8;
	[tilespmem:$0xC100] =	vst v63  }
0x77: {  	v3 =	vadd.s32 v1, v3  }
0x78: {  	[hbm4b:s4+s2] =	stream.indirect_vreg.scatter [tilespmem:s9], [sflag:$0x1], $0x80, v4, vm0, $0xb8;
	[tilespmem:$0xC100] =	vst v63  }
0x79: {  	_ = 	snop  }
0x7a: {  	[hbm4b:s5+s2] =	stream.indirect_vreg.scatter [tilespmem:s10], [sflag:$0x1], $0x80, v4, vm0, $0xb8;
	[tilespmem:$0xC100] =	vst v63  }
0x7b: {  	_ = 	snop  }
0x7c: {  	[hbm4b:s3+s2] =	stream.indirect_vreg.scatter [tilespmem:s11], [sflag:$0x1], $0x80, v3, vm0, $0xb8;
	[tilespmem:$0xC100] =	vst v63  }
0x7d: {  	_ = 	snop  }
0x7e: {  	[hbm4b:s4+s2] =	stream.indirect_vreg.scatter [tilespmem:s12], [sflag:$0x1], $0x80, v3, vm0, $0xb8;
	[tilespmem:$0xC100] =	vst v63  }
0x7f: {  	_ = 	snop  }
0x80: {  	[hbm4b:s5+s2] =	stream.indirect_vreg.scatter [tilespmem:s13], [sflag:$0x1], $0x80, v3, vm0, $0xb8;
	[tilespmem:$0xC100] =	vst v63  }
0x81: {  	v3 =	vld [tilespmem:$0xC090];
	_ =	sdelay $0x4  }
0x82: {  	v61 =	vshrl.u32 v3, $0x3  }
0x83: {  	v4 =	vmul.u32 $0x30, v61  }
0x84: {  	v3 =	vand.u32 $0x7, v3  }
0x85: {  	v3 =	vor.u32 v3, v4  }
0x86: {  	v4 =	vperm.xlane v3, v0;
	_ =	sdelay $0x1  }
0x87: {  	v4 =	vadd.s32 v1, v4;
	_ =	sdelay $0x3  }
0x88: {  	v3 =	vperm.xlane v3, v2  }
0x89: {  	[hbm4b:s3+s2] =	stream.indirect_vreg.scatter [tilespmem:s14], [sflag:$0x1], $0x80, v4, vm0, $0xb8;
	[tilespmem:$0xC100] =	vst v63  }
0x8a: {  	v3 =	vadd.s32 v1, v3  }
0x8b: {  	[hbm4b:s4+s2] =	stream.indirect_vreg.scatter [tilespmem:s15], [sflag:$0x1], $0x80, v4, vm0, $0xb8;
	[tilespmem:$0xC100] =	vst v63  }
0x8c: {  	_ = 	snop  }
0x8d: {  	[hbm4b:s5+s2] =	stream.indirect_vreg.scatter [tilespmem:s16], [sflag:$0x1], $0x80, v4, vm0, $0xb8;
	[tilespmem:$0xC100] =	vst v63  }
0x8e: {  	_ = 	snop  }
0x8f: {  	[hbm4b:s3+s2] =	stream.indirect_vreg.scatter [tilespmem:s17], [sflag:$0x1], $0x80, v3, vm0, $0xb8;
	[tilespmem:$0xC100] =	vst v63  }
0x90: {  	_ = 	snop  }
0x91: {  	[hbm4b:s4+s2] =	stream.indirect_vreg.scatter [tilespmem:s18], [sflag:$0x1], $0x80, v3, vm0, $0xb8;
	[tilespmem:$0xC100] =	vst v63  }
0x92: {  	_ = 	snop  }
0x93: {  	[hbm4b:s5+s2] =	stream.indirect_vreg.scatter [tilespmem:s19], [sflag:$0x1], $0x80, v3, vm0, $0xb8;
	[tilespmem:$0xC100] =	vst v63  }
0x94: {  	v3 =	vld [tilespmem:$0xC0A0];
	_ =	sdelay $0x4  }
0x95: {  	v62 =	vshrl.u32 v3, $0x3  }
0x96: {  	v4 =	vmul.u32 $0x30, v62  }
0x97: {  	v3 =	vand.u32 $0x7, v3  }
0x98: {  	v3 =	vor.u32 v3, v4  }
0x99: {  	v4 =	vperm.xlane v3, v0;
	_ =	sdelay $0x1  }
0x9a: {  	v4 =	vadd.s32 v1, v4;
	_ =	sdelay $0x3  }
0x9b: {  	v3 =	vperm.xlane v3, v2  }
0x9c: {  	[hbm4b:s3+s2] =	stream.indirect_vreg.scatter [tilespmem:s20], [sflag:$0x1], $0x80, v4, vm0, $0xb8;
	[tilespmem:$0xC100] =	vst v63  }
0x9d: {  	v3 =	vadd.s32 v1, v3  }
0x9e: {  	[hbm4b:s4+s2] =	stream.indirect_vreg.scatter [tilespmem:s21], [sflag:$0x1], $0x80, v4, vm0, $0xb8;
	[tilespmem:$0xC100] =	vst v63  }
0x9f: {  	_ = 	snop  }
0xa0: {  	[hbm4b:s5+s2] =	stream.indirect_vreg.scatter [tilespmem:s22], [sflag:$0x1], $0x80, v4, vm0, $0xb8;
	[tilespmem:$0xC100] =	vst v63  }
0xa1: {  	_ = 	snop  }
0xa2: {  	[hbm4b:s3+s2] =	stream.indirect_vreg.scatter [tilespmem:s23], [sflag:$0x1], $0x80, v3, vm0, $0xb8;
	[tilespmem:$0xC100] =	vst v63  }
0xa3: {  	_ = 	snop  }
0xa4: {  	[hbm4b:s4+s2] =	stream.indirect_vreg.scatter [tilespmem:s24], [sflag:$0x1], $0x80, v3, vm0, $0xb8;
	[tilespmem:$0xC100] =	vst v63  }
0xa5: {  	_ = 	snop  }
0xa6: {  	[hbm4b:s5+s2] =	stream.indirect_vreg.scatter [tilespmem:s25], [sflag:$0x1], $0x80, v3, vm0, $0xb8;
	[tilespmem:$0xC100] =	vst v63  }
0xa7: {  	v3 =	vld [tilespmem:$0xC0B0];
	_ =	sdelay $0x4  }
0xa8: {  	v63 =	vshrl.u32 v3, $0x3  }
0xa9: {  	v4 =	vmul.u32 $0x30, v63  }
0xaa: {  	v3 =	vand.u32 $0x7, v3  }
0xab: {  	v3 =	vor.u32 v3, v4  }
0xac: {  	v4 =	vperm.xlane v3, v0;
	_ =	sdelay $0x1  }
0xad: {  	v4 =	vadd.s32 v1, v4;
	_ =	sdelay $0x3  }
0xae: {  	v3 =	vperm.xlane v3, v2  }
0xaf: {  	[hbm4b:s3+s2] =	stream.indirect_vreg.scatter [tilespmem:s26], [sflag:$0x1], $0x80, v4, vm0, $0xb8;
	[tilespmem:$0xC100] =	vst v63  }
0xb0: {  	v3 =	vadd.s32 v1, v3  }
0xb1: {  	[hbm4b:s4+s2] =	stream.indirect_vreg.scatter [tilespmem:s28], [sflag:$0x1], $0x80, v4, vm0, $0xb8;
	[tilespmem:$0xC100] =	vst v63  }
0xb2: {  	_ = 	snop  }
0xb3: {  	[hbm4b:s5+s2] =	stream.indirect_vreg.scatter [tilespmem:s29], [sflag:$0x1], $0x80, v4, vm0, $0xb8;
	[tilespmem:$0xC100] =	vst v63  }
0xb4: {  	_ = 	snop  }
0xb5: {  	[hbm4b:s3+s2] =	stream.indirect_vreg.scatter [tilespmem:s30], [sflag:$0x1], $0x80, v3, vm0, $0xb8;
	[tilespmem:$0xC100] =	vst v63  }
0xb6: {  	_ = 	snop  }
0xb7: {  	[hbm4b:s4+s2] =	stream.indirect_vreg.scatter [tilespmem:s31], [sflag:$0x1], $0x80, v3, vm0, $0xb8;
	[tilespmem:$0xC100] =	vst v63  }
0xb8: {  	_ = 	snop  }
0xb9: {  	[hbm4b:s5+s2] =	stream.indirect_vreg.scatter [tilespmem:s1], [sflag:$0x1], $0x80, v3, vm0, $0xb8;
	[tilespmem:$0xC100] =	vst v63  }
0xba: {  	p0 =	sne.s32 s6, $0x1;
	_ =	swait.ge [sflag:s0], $0xC000  }
.Ltmp0:
0xbb: {  	[sflag:s0] =	ssyncset.done $0x0;
	(pc) =	sbr.rel @p0 .LBB2_1-.Ltmp0, $4  }
0xbc: {  	[sflag:s0] =	ssyncadd.s32 $0xFFFF4000  }
0xbd: {  	_ =	swait.ge [sflag:s0], $0xC000  }
0xbe: {  	[sflag:s0] =	ssyncset.done $0x0  }
0xbf: {  	s6 =	sadd.s32 $0xFFFFFFFF, s6;
	[sflag:s0] =	ssyncadd.s32 $0xFFFF4000  }
0xc0: {  	_ =	sfence.sel $0x180000  }
0xc1: {  	[bflag:$0x0] =	sbarrier.arrive $0xFFFF  }
0xc2: {  	_ =	strace $0x90000047  }
0xc3: {  	s0 =	stileid.u32;
	[bflag:$0x2] =	sbarrier.arrive $0xFFFF  }
0xc4: {  	p0 =	sne.s32 s0, $0x0;
	s0 =	rddreg [dreg:$0x2]  }
0xc5: {  	s0 =	sadd.s32 @!p0 $0x100000, s0  }
0xc6: {  	[sflag:s0] =	ssyncadd.tile.s32 @!p0 $0x1;
	_ =	shalt  }
.Lfunc_end2:
_tile_overlayer_lowered:
.L_overlay_start_2:
0xc7: {  	(tag) =	ssettag $0x2  }
0xc8: {  	s0 =	rddreg [dreg:$0x0];
	s2 =	stileid.u32  }
0xc9: {  	s1 =	rddreg [dreg:$0x1];
	p0 =	sne.s32 s2, $0x0  }
0xca: {  	s3 =	rddreg [dreg:$0x2];
	[bflag:$0x3] =	sbarrier.arrive $0xFFFF;
	s2 =	simm.s32 @!p0 $0x1C03  }
0xcb: {  	[timem:s3], [sflag:s2] =	dma.local @!p0 [hbm:s0], s1  }
0xcc: {  	s0 =	simm.s32 @!p0 $0x3  }
0xcd: {  	_ =	swait.ge @!p0 [sflag:s0], s1  }
0xce: {  	s1 =	ssub.s32 @!p0 $0x0, s1;
	[sflag:s0] =	ssyncset.done @!p0 $0x0  }
0xcf: {  	[sflag:s0] =	ssyncadd.s32 @!p0 s1  }
0xd0: {  	[bflag:$0x3] =	sbarrier.arrive $0xFFFF  }
0xd1: {  	_ =	shalt  }

// kernel: kernel.9.cloned.1.call-start
scs
__scs_entry_jumppad:
0x0: {  	(pc) =	sbr.rel $0x88, $3  }
0x1: {  	(tag) =	ssettag $0x0;
	lr =	simm.s32 $0x1  }
0x2: {  	[smem:$0x3F98] =	sst lr;
	_ =	strace $0xD0000000  }
0x3: {  	_ = 	snop  }
0x4: {  	_ = 	snop  }
0x5: {  	_ = 	snop  }
0x6: {  	_ = 	snop  }
0x7: {  	_ = 	snop  }
__scs_overlays_trampoline_lowered:
0x8: {  	[smem:$0x3FA7] =	sst s0  }
0x9: {  	[smem:$0x3FA8] =	sst s1  }
0xa: {  	[smem:$0x3FA9] =	sst s2  }
0xb: {  	[smem:$0x3FAA] =	sst s3  }
0xc: {  	[smem:$0x3FAB] =	sst s4  }
0xd: {  	[smem:$0x3FAC] =	sst s5  }
0xe: {  	[smem:$0x3FAD] =	sst s6  }
0xf: {  	[smem:$0x3FAE] =	sst s7  }
0x10: {  	[smem:$0x3FAF] =	sst s8  }
0x11: {  	[smem:$0x3FB0] =	sst s9;
	s0 =	simm.s32 @!p0 $0x0  }
0x12: {  	s1 =	sld [smem:$0x3F96];
	s0 =	simm.s32 @p0 $0x1  }
0x13: {  	[smem:$0x3FB1] =	sst s0;
	s0 =	simm.s32 @!p1 $0x0  }
0x14: {  	s2 =	sld [smem:$0x3F95];
	s0 =	simm.s32 @p1 $0x1  }
0x15: {  	[smem:$0x3FB2] =	sst s0;
	s0 =	simm.s32 @!p2 $0x0  }
0x16: {  	s3 =	sld [smem:$0x3FDB];
	s0 =	simm.s32 @p2 $0x1  }
0x17: {  	s4 =	simm.s32 $0x1BF5;
	[smem:$0x3FB4] =	sst s0  }
0x18: {  	s0 =	sld [smem:$0x3F97];
	_ =	swait.ge [sflag:s4], $0x0  }
0x19: {  	s7 =	sld [smem:$0x3F98]  }
0x1a: {  	s8 =	sadd.s32 $0xFFFFE003, lr  }
0x1b: {  	s9 =	sadd.s32 $0xFFFFFEF7, lr;
	s5 =	simm.s32 $0xFFFFFFFF;
	p2 =	slt.u32 s8, $0xFFFFF086  }
0x1c: {  	p1 =	slt.u32 s9, $0xF7A;
	s5 =	simm.s32 @!p2 $0x0  }
0x1d: {  	s5 =	simm.s32 @p1 $0x1;
	p0 =	seq.s32 s7, s2  }
0x1e: {  	s7 =	smul.u32 @!p0 $0xF7A, s2;
	p2 =	seq.s32 @!p0 s5, $0x0  }
0x1f: {  	s9 =	smul.u32 $0xF7A, s1;
	s8 =	simm.s32 @!p0 $0x1BF5;
	p2 =	por !p2, p0  }
0x20: {  	[sflag:s8] =	ssyncset.s32 @!p0 $0xFFFFF086;
	s6 =	sadd.s32 @!p0 s3, s7;
	s7 =	simm.s32 @!p0 $0x108  }
0x21: {  	s3 =	sadd.s32 s3, s9;
	s6 =	sadd.s32 @!p0 $0x88, s6;
	s7 =	simm.s32 @p2 $0x1082  }
0x22: {  	[simem:s7], [sflag:s8] =	dma.local @!p0 [hbm:s6], $0xF7A  }
0x23: {  	s9 =	sor.u32 $0xD0000000, s2;
	s6 =	simm.s32 $0x108;
	_ =	swait.ge @!p0 [sflag:s8], $0x0  }
0x24: {  	s3 =	sadd.s32 $0x88, s3;
	s6 =	simm.s32 @!p1 $0x1082;
	[sflag:s4] =	ssyncset.s32 $0xFFFFF086  }
0x25: {  	[simem:s6], [sflag:s4] =	dma.local [hbm:s3], $0xF7A  }
0x26: {  	[smem:$0x3F98] =	sst s1;
	(tag) =	ssettag s2;
	_ =	strace s9  }
0x27: {  	s1 =	sld [smem:$0x3FA8]  }
0x28: {  	s2 =	sld [smem:$0x3FA9]  }
0x29: {  	s4 =	sld [smem:$0x3FAB]  }
0x2a: {  	p0 =	seq.s32 s5, $0x0;
	s5 =	sld [smem:$0x3FAC]  }
0x2b: {  	s6 =	sld [smem:$0x3FAD]  }
0x2c: {  	s7 =	sld [smem:$0x3FAE]  }
0x2d: {  	s3 =	simm.s32 $0x108;
	s8 =	sld [smem:$0x3FAF]  }
0x2e: {  	s3 =	simm.s32 @!p0 $0x1082;
	s9 =	sld [smem:$0x3FB0]  }
0x2f: {  	lr =	sadd.s32 s0, s3;
	s0 =	sld [smem:$0x3FA7]  }
0x30: {  	s3 =	sld [smem:$0x3FAA]  }
0x31: {  	[smem:$0x3FB3] =	sst s10  }
0x32: {  	s10 =	sld [smem:$0x3FB1];
	_ =	sdelay $0x3  }
0x33: {  	p0 =	seq.s32 s10, $0x1;
	s10 =	sld [smem:$0x3FB3];
	_ =	sdelay $0x3  }
0x34: {  	[smem:$0x3FB3] =	sst s10  }
0x35: {  	s10 =	sld [smem:$0x3FB2];
	_ =	sdelay $0x3  }
0x36: {  	p1 =	seq.s32 s10, $0x1;
	s10 =	sld [smem:$0x3FB3];
	_ =	sdelay $0x3  }
0x37: {  	[smem:$0x3FB3] =	sst s10  }
0x38: {  	s10 =	sld [smem:$0x3FB4]  }
0x39: {  	_ = 	snop;
	(pc) =	sbr.ind lr, $3  }
0x3a: {  	_ = 	snop  }
0x3b: {  	_ = 	snop  }
0x3c: {  	p2 =	seq.s32 s10, $0x1;
	s10 =	sld [smem:$0x3FB3]  }
0x3d: {  	_ =	shalt  }
0x3e: {  	_ =	shalt  }
0x3f: {  	_ =	shalt  }
0x40: {  	_ =	shalt  }
0x41: {  	_ =	shalt  }
0x42: {  	_ =	shalt  }
0x43: {  	_ =	shalt  }
0x44: {  	_ =	shalt  }
0x45: {  	_ =	shalt  }
0x46: {  	_ =	shalt  }
0x47: {  	_ =	shalt  }
0x48: {  	_ =	shalt  }
0x49: {  	_ =	shalt  }
0x4a: {  	_ =	shalt  }
0x4b: {  	_ =	shalt  }
0x4c: {  	_ =	shalt  }
0x4d: {  	_ =	shalt  }
0x4e: {  	_ =	shalt  }
0x4f: {  	_ =	shalt  }
0x50: {  	_ =	shalt  }
0x51: {  	_ =	shalt  }
0x52: {  	_ =	shalt  }
0x53: {  	_ =	shalt  }
0x54: {  	_ =	shalt  }
0x55: {  	_ =	shalt  }
0x56: {  	_ =	shalt  }
0x57: {  	_ =	shalt  }
0x58: {  	_ =	shalt  }
0x59: {  	_ =	shalt  }
0x5a: {  	_ =	shalt  }
0x5b: {  	_ =	shalt  }
0x5c: {  	_ =	shalt  }
0x5d: {  	_ =	shalt  }
0x5e: {  	_ =	shalt  }
0x5f: {  	_ =	shalt  }
0x60: {  	_ =	shalt  }
0x61: {  	_ =	shalt  }
0x62: {  	_ =	shalt  }
0x63: {  	_ =	shalt  }
0x64: {  	_ =	shalt  }
0x65: {  	_ =	shalt  }
0x66: {  	_ =	shalt  }
0x67: {  	_ =	shalt  }
0x68: {  	_ =	shalt  }
0x69: {  	_ =	shalt  }
0x6a: {  	_ =	shalt  }
0x6b: {  	_ =	shalt  }
0x6c: {  	_ =	shalt  }
0x6d: {  	_ =	shalt  }
0x6e: {  	_ =	shalt  }
0x6f: {  	_ =	shalt  }
0x70: {  	_ =	shalt  }
0x71: {  	_ =	shalt  }
0x72: {  	_ =	shalt  }
0x73: {  	_ =	shalt  }
0x74: {  	_ =	shalt  }
0x75: {  	_ =	shalt  }
0x76: {  	_ =	shalt  }
0x77: {  	_ =	shalt  }
0x78: {  	_ =	shalt  }
0x79: {  	_ =	shalt  }
0x7a: {  	_ =	shalt  }
0x7b: {  	_ =	shalt  }
0x7c: {  	_ =	shalt  }
0x7d: {  	_ =	shalt  }
0x7e: {  	_ =	shalt  }
0x7f: {  	_ =	shalt  }
0x80: {  	_ =	shalt  }
0x81: {  	_ =	shalt  }
0x82: {  	_ =	shalt  }
0x83: {  	_ =	shalt  }
0x84: {  	_ =	shalt  }
0x85: {  	_ =	shalt  }
0x86: {  	_ =	shalt  }
0x87: {  	_ =	shalt  }
.Lfunc_end0:
.L_simem_size_0:
called_computation.1_lowered:
.L_overlay_start_0:
0x88: {  	s2 =	sld [smem:$0x3FD9]  }
0x89: {  	s3 =	sld [smem:$0x3FFE];
	_ =	sdelay $0x1  }
0x8a: {  	s1 =	srdreg.scid  }
0x8b: {  	s0 =	sand.u32 $0x1, s1  }
0x8c: {  	s17 =	sshll.u32 s0, $0xA;
	s2 =	sadd.s32 s3, s2  }
0x8d: {  	s2 =	sadd.s32 s2, s17  }
0x8e: {  	[smem:$0x3FBF] =	sst s2  }
0x8f: {  	_ = 	snop  }
0x90: {  	s2 =	sld [smem:$0x3FD0];
	(tm) =	ssettm $0x1  }
0x91: {  	s18 =	sld [smem:$0x3FFB];
	_ =	sdelay $0x3  }
0x92: {  	_ =	strace s18  }
0x93: {  	s3 =	sld [smem:$0x3FFC];
	_ =	sdelay $0x3  }
0x94: {  	_ =	strace s3  }
0x95: {  	s3 =	sld [smem:$0x3FFD];
	_ =	sdelay $0x3  }
0x96: {  	_ =	strace s3  }
0x97: {  	_ =	strace $0x8FFFFFFF  }
0x98: {  	s19 =	sld [smem:$0x3FDB];
	_ =	sdelay $0x1  }
0x99: {  	s4 =	simm.s32 $_scs_section_size  }
0x9a: {  	s5 =	simm.s32 $_size__tile_overlayer_lowered;
	s6 =	simm.s32 $_tile_overlayer_lowered  }
0x9b: {  	s22 =	simm.s32 $0x1BFF;
	s21 =	sshll.u32 s6, $0x1;
	s3 =	sadd.s32 s4, s19  }
0x9c: {  	s7 =	simm.s32 $0x0;
	s20 =	sshll.u32 s5, $0x1;
	s5 =	sadd.s32 s21, s3  }
0x9d: {  	[timem:s7], [sflag:s22] =	dma.local [hbm:s5], s20  }
0x9e: {  	_ =	swait.ge [sflag:s22], s20  }
0x9f: {  	s4 =	ssub.s32 $0x0, s20;
	[sflag:s22] =	ssyncset.done $0x0  }
0xa0: {  	[sflag:s22] =	ssyncadd.s32 s4;
	_ =	sdelay $0x1  }
0xa1: {  	s23 =	simm.s32 $0x1B8B  }
0xa2: {  	_ =	swait.ge [sflag:s23], $0x1  }
0xa3: {  	[sflag:s23] =	ssyncset.done $0x0  }
0xa4: {  	s25 =	simm.s32 $0x1B8E;
	s24 =	sld [smem:$0x3FFE];
	[sflag:s23] =	ssyncadd.s32 $0xFFFFFFFF  }
0xa5: {  	s26 =	simm.s32 $execute0_lowered;
	[smem:$0x3FD2] =	sst s25  }
0xa6: {  	s5 =	sshll.u32 s26, $0x1;
	_ =	strace $0x80000049;
	[dreg:$0x1] =	wrdreg $0xFFFFFFFF  }
0xa7: {  	s28 =	simm.s32 $_size_execute0_lowered;
	s3 =	sadd.s32 s3, s5;
	[dreg:$0x0] =	wrdreg $0x0  }
0xa8: {  	s5 =	sshll.u32 s28, $0x1;
	[dreg:$0x2] =	wrdreg s3  }
0xa9: {  	[dreg:$0x3] =	wrdreg s5  }
0xaa: {  	[dreg:$0x4] =	wrdreg $0xC0  }
0xab: {  	_ =	task [dreg:s7], $0x5FFFF  }
0xac: {  	[dreg:$0x1] =	wrdreg $0xFFFFFFFF  }
0xad: {  	[dreg:$0x0] =	wrdreg $0x60  }
0xae: {  	[dreg:$0x2] =	wrdreg s24  }
0xaf: {  	[dreg:$0x3] =	wrdreg s2  }
0xb0: {  	[dreg:$0x4] =	wrdreg $0x9  }
0xb1: {  	_ =	task.clear_ibuf [dreg:s7], $0x5FFFF;
	_ =	strace $0x90000049  }
0xb2: {  	s29 =	simm.s32 $0x9;
	_ =	strace $0x8000004B  }
0xb3: {  	_ =	swait.ge [sflag:s29], $0x1  }
0xb4: {  	[sflag:s29] =	ssyncadd.s32 $0xFFFFFFFF  }
0xb5: {  	_ =	strace $0x9000004B  }
0xb6: {  	_ =	sfence  }
0xb7: {  	s30 =	sld [smem:$0x0];
	_ =	sdelay $0x2  }
0xb8: {  	s31 =	sshll.u32 s1, $0xD;
	s1 =	sshrl.u32 s1, $0x2  }
0xb9: {  	s3 =	sand.u32 $0x4000, s31;
	s1 =	sadd.s32 s1, s30  }
0xba: {  	s0 =	sor.u32 s3, s0;
	s1 =	sshll.u32 s1, $0x11  }
0xbb: {  	s0 =	sor.u32 s1, s0  }
0xbc: {  	s0 =	sadd.s32 $0x8F2B, s0  }
0xbd: {  	[sflag:s0] =	ssyncadd.remote.s32 $0x1  }
0xbe: {  	_ =	sfence.sel $0xFFFF  }
0xbf: {  	[dreg:$0x0] =	wrdreg $0xFFFFFFFF;
	(pc) =	sbr.abs _section_cstart, $3  }
0xc0: {  	[dreg:$0x1] =	wrdreg $0xFFFFFFFF  }
0xc1: {  	_ =	task.clear_ibuf [dreg:s7], $0x2FFFF;
	_ =	strace $0x9FFFFFFF  }
0xc2: {  	(tm) =	ssettm $0x7FFFFFFF  }
0xc3: {  	_ =	shalt  }
tec
execute0_lowered:
.L_overlay_start_1:
0x0: {  	(tag) =	ssettag $0x1  }
0x1: {  	s0 =	rddreg [dreg:$0x0]  }
0x2: {  	s1 =	rddreg [dreg:$0x1];
	s3 =	srdreg.scid  }
0x3: {  	s2 =	simm.s32 $0x0;
	s5 =	stileid.u32;
	s13 =	simm.s32 $0x3  }
0x4: {  	s12 =	simm.s32 $0x13800;
	s14 =	simm.s32 $0x14000;
	s15 =	simm.s32 $0x14800  }
0x5: {  	s16 =	simm.s32 $0x15000;
	s17 =	simm.s32 $0x15800;
	s18 =	simm.s32 $0x16000  }
0x6: {  	s19 =	simm.s32 $0x16800;
	s20 =	simm.s32 $0x17000;
	s21 =	simm.s32 $0x17800  }
0x7: {  	s22 =	simm.s32 $0x1;
	s23 =	simm.s32 $0x2;
	s24 =	simm.s32 $0x0  }
0x8: {  	s4 =	sand.u32 $0x1, s3;
	[smem:$0x7FF] =	sst s2;
	s5 =	sshll.u32 s5, $0x7  }
0x9: {  	s3 =	sadd.s32 $0x10E00, s0;
	s6 =	sshll.u32 s4, $0x6;
	s4 =	ssub.s32 $0x2, s4  }
0xa: {  	_ =	strace $0x8000004A;
	s5 =	sor.u32 s6, s5;
	s31 =	sshrl.u32 s4, $0x1  }
0xb: {  	s6 =	sshrl.u32 s5, $0x3;
	s5 =	sshll.u32 s5, $0x4;
	s11 =	ssub.s32 s4, s31  }
0xc: {  	s7 =	sadd.s32 s6, s0;
	s9 =	sadd.s32 s5, s0;
	s10 =	smul.u32 $0x300, s6  }
0xd: {  	v2 =	vlaneseq.u32;
	s6 =	sadd.s32 $0x10F00, s0;
	s11 =	smax.u32 s11, $0x1;
	s4 =	sadd.s32 $0x10A00, s7  }
0xe: {  	vm0 =	vmmov $0xffff;
	v1 =	vshrl.u32 v2, $0x3;
	s5 =	sadd.s32 $0x10C00, s7;
	s7 =	sadd.s32 $0x11000, s0;
	s8 =	sadd.s32 $0xA00, s9  }
0xf: {  	v0 =	vand.u32 $0x7, v2;
	v2 =	vor.u32 $0x8, v2;
	v1 =	vmul.u32 $0x8, v1;
	s9 =	sadd.s32 $0x8A00, s9;
	s10 =	sadd.s32 s1, s10;
	s1 =	simm.s32 $0x13000  }
.LBB2_1:
0x10: {  	s0 =	simm.s32 $0x18000  }
0x11: {  	[tilespmem:s0], [sflag:$0x3] =	stream.linear.gather [hbm4b:s4+s2], $0x40, $0x38;
	[tilespmem:$0x1C100] =	vst v63  }
0x12: {  	_ =	swait.ge [sflag:s13], $0x40  }
0x13: {  	[sflag:s13] =	ssyncset.done $0x0  }
0x14: {  	s26 =	simm.s32 $0x18080;
	[sflag:s13] =	ssyncadd.s32 $0xFFFFFFC0  }
0x15: {  	[tilespmem:s26], [sflag:$0x3] =	stream.linear.gather [hbm4b:s5+s2], $0x40, $0x38;
	[tilespmem:$0x1C100] =	vst v63  }
0x16: {  	_ =	swait.ge [sflag:s13], $0x40  }
0x17: {  	[sflag:s13] =	ssyncset.done $0x0  }
0x18: {  	[sflag:s13] =	ssyncadd.s32 $0xFFFFFFC0  }
0x19: {  	v3 =	vld [tilespmem:$0x18000];
	_ =	sdelay $0x4  }
0x1a: {  	v4 =	vshrl.u32 v3, $0x3  }
0x1b: {  	v4 =	vmul.u32 $0x30, v4  }
0x1c: {  	v3 =	vand.u32 $0x7, v3  }
0x1d: {  	v3 =	vor.u32 v3, v4  }
0x1e: {  	v4 =	vperm.xlane v3, v0;
	_ =	sdelay $0x1  }
0x1f: {  	v4 =	vadd.s32 v1, v4;
	_ =	sdelay $0x3  }
0x20: {  	v3 =	vperm.xlane v3, v2  }
0x21: {  	[tilespmem:s2], [sflag:$0x1] =	stream.indirect_vreg.gather [hbm4b:s3+s2], $0x80, v4, vm0, $0xb8;
	[tilespmem:$0x1C100] =	vst v63  }
0x22: {  	s31 =	simm.s32 $0x800;
	v3 =	vadd.s32 v1, v3  }
0x23: {  	[tilespmem:s31], [sflag:$0x1] =	stream.indirect_vreg.gather [hbm4b:s6+s2], $0x80, v4, vm0, $0xb8;
	[tilespmem:$0x1C100] =	vst v63  }
0x24: {  	s25 =	simm.s32 $0x1000  }
0x25: {  	[tilespmem:s25], [sflag:$0x1] =	stream.indirect_vreg.gather [hbm4b:s7+s2], $0x80, v4, vm0, $0xb8;
	[tilespmem:$0x1C100] =	vst v63  }
0x26: {  	s26 =	simm.s32 $0x1800  }
0x27: {  	[tilespmem:s26], [sflag:$0x1] =	stream.indirect_vreg.gather [hbm4b:s3+s2], $0x80, v3, vm0, $0xb8;
	[tilespmem:$0x1C100] =	vst v63  }
0x28: {  	s31 =	simm.s32 $0x2000  }
0x29: {  	[tilespmem:s31], [sflag:$0x1] =	stream.indirect_vreg.gather [hbm4b:s6+s2], $0x80, v3, vm0, $0xb8;
	[tilespmem:$0x1C100] =	vst v63  }
0x2a: {  	s25 =	simm.s32 $0x2800  }
0x2b: {  	[tilespmem:s25], [sflag:$0x1] =	stream.indirect_vreg.gather [hbm4b:s7+s2], $0x80, v3, vm0, $0xb8;
	[tilespmem:$0x1C100] =	vst v63  }
0x2c: {  	v3 =	vld [tilespmem:$0x18010];
	_ =	sdelay $0x4  }
0x2d: {  	v4 =	vshrl.u32 v3, $0x3  }
0x2e: {  	v4 =	vmul.u32 $0x30, v4  }
0x2f: {  	v3 =	vand.u32 $0x7, v3  }
0x30: {  	v3 =	vor.u32 v3, v4  }
0x31: {  	v4 =	vperm.xlane v3, v0;
	_ =	sdelay $0x1  }
0x32: {  	v4 =	vadd.s32 v1, v4;
	_ =	sdelay $0x3  }
0x33: {  	s26 =	simm.s32 $0x3000;
	v3 =	vperm.xlane v3, v2  }
0x34: {  	[tilespmem:s26], [sflag:$0x1] =	stream.indirect_vreg.gather [hbm4b:s3+s2], $0x80, v4, vm0, $0xb8;
	[tilespmem:$0x1C100] =	vst v63  }
0x35: {  	s31 =	simm.s32 $0x3800;
	v3 =	vadd.s32 v1, v3  }
0x36: {  	[tilespmem:s31], [sflag:$0x1] =	stream.indirect_vreg.gather [hbm4b:s6+s2], $0x80, v4, vm0, $0xb8;
	[tilespmem:$0x1C100] =	vst v63  }
0x37: {  	s25 =	simm.s32 $0x4000  }
0x38: {  	[tilespmem:s25], [sflag:$0x1] =	stream.indirect_vreg.gather [hbm4b:s7+s2], $0x80, v4, vm0, $0xb8;
	[tilespmem:$0x1C100] =	vst v63  }
0x39: {  	s26 =	simm.s32 $0x4800  }
0x3a: {  	[tilespmem:s26], [sflag:$0x1] =	stream.indirect_vreg.gather [hbm4b:s3+s2], $0x80, v3, vm0, $0xb8;
	[tilespmem:$0x1C100] =	vst v63  }
0x3b: {  	s31 =	simm.s32 $0x5000  }
0x3c: {  	[tilespmem:s31], [sflag:$0x1] =	stream.indirect_vreg.gather [hbm4b:s6+s2], $0x80, v3, vm0, $0xb8;
	[tilespmem:$0x1C100] =	vst v63  }
0x3d: {  	s25 =	simm.s32 $0x5800  }
0x3e: {  	[tilespmem:s25], [sflag:$0x1] =	stream.indirect_vreg.gather [hbm4b:s7+s2], $0x80, v3, vm0, $0xb8;
	[tilespmem:$0x1C100] =	vst v63  }
0x3f: {  	v3 =	vld [tilespmem:$0x18020];
	_ =	sdelay $0x4  }
0x40: {  	v4 =	vshrl.u32 v3, $0x3  }
0x41: {  	v4 =	vmul.u32 $0x30, v4  }
0x42: {  	v3 =	vand.u32 $0x7, v3  }
0x43: {  	v3 =	vor.u32 v3, v4  }
0x44: {  	v4 =	vperm.xlane v3, v0;
	_ =	sdelay $0x1  }
0x45: {  	v4 =	vadd.s32 v1, v4;
	_ =	sdelay $0x3  }
0x46: {  	s26 =	simm.s32 $0x6000;
	v3 =	vperm.xlane v3, v2  }
0x47: {  	[tilespmem:s26], [sflag:$0x1] =	stream.indirect_vreg.gather [hbm4b:s3+s2], $0x80, v4, vm0, $0xb8;
	[tilespmem:$0x1C100] =	vst v63  }
0x48: {  	s31 =	simm.s32 $0x6800;
	v3 =	vadd.s32 v1, v3  }
0x49: {  	[tilespmem:s31], [sflag:$0x1] =	stream.indirect_vreg.gather [hbm4b:s6+s2], $0x80, v4, vm0, $0xb8;
	[tilespmem:$0x1C100] =	vst v63  }
0x4a: {  	s25 =	simm.s32 $0x7000  }
0x4b: {  	[tilespmem:s25], [sflag:$0x1] =	stream.indirect_vreg.gather [hbm4b:s7+s2], $0x80, v4, vm0, $0xb8;
	[tilespmem:$0x1C100] =	vst v63  }
0x4c: {  	s26 =	simm.s32 $0x7800  }
0x4d: {  	[tilespmem:s26], [sflag:$0x1] =	stream.indirect_vreg.gather [hbm4b:s3+s2], $0x80, v3, vm0, $0xb8;
	[tilespmem:$0x1C100] =	vst v63  }
0x4e: {  	s31 =	simm.s32 $0x8000  }
0x4f: {  	[tilespmem:s31], [sflag:$0x1] =	stream.indirect_vreg.gather [hbm4b:s6+s2], $0x80, v3, vm0, $0xb8;
	[tilespmem:$0x1C100] =	vst v63  }
0x50: {  	s25 =	simm.s32 $0x8800  }
0x51: {  	[tilespmem:s25], [sflag:$0x1] =	stream.indirect_vreg.gather [hbm4b:s7+s2], $0x80, v3, vm0, $0xb8;
	[tilespmem:$0x1C100] =	vst v63  }
0x52: {  	v3 =	vld [tilespmem:$0x18030];
	_ =	sdelay $0x4  }
0x53: {  	v4 =	vshrl.u32 v3, $0x3  }
0x54: {  	v4 =	vmul.u32 $0x30, v4  }
0x55: {  	v3 =	vand.u32 $0x7, v3  }
0x56: {  	v3 =	vor.u32 v3, v4  }
0x57: {  	v4 =	vperm.xlane v3, v0;
	_ =	sdelay $0x1  }
0x58: {  	v4 =	vadd.s32 v1, v4;
	_ =	sdelay $0x3  }
0x59: {  	s26 =	simm.s32 $0x9000;
	v3 =	vperm.xlane v3, v2  }
0x5a: {  	[tilespmem:s26], [sflag:$0x1] =	stream.indirect_vreg.gather [hbm4b:s3+s2], $0x80, v4, vm0, $0xb8;
	[tilespmem:$0x1C100] =	vst v63  }
0x5b: {  	s31 =	simm.s32 $0x9800;
	v3 =	vadd.s32 v1, v3  }
0x5c: {  	[tilespmem:s31], [sflag:$0x1] =	stream.indirect_vreg.gather [hbm4b:s6+s2], $0x80, v4, vm0, $0xb8;
	[tilespmem:$0x1C100] =	vst v63  }
0x5d: {  	s25 =	simm.s32 $0xA000  }
0x5e: {  	[tilespmem:s25], [sflag:$0x1] =	stream.indirect_vreg.gather [hbm4b:s7+s2], $0x80, v4, vm0, $0xb8;
	[tilespmem:$0x1C100] =	vst v63  }
0x5f: {  	s26 =	simm.s32 $0xA800  }
0x60: {  	[tilespmem:s26], [sflag:$0x1] =	stream.indirect_vreg.gather [hbm4b:s3+s2], $0x80, v3, vm0, $0xb8;
	[tilespmem:$0x1C100] =	vst v63  }
0x61: {  	s31 =	simm.s32 $0xB000  }
0x62: {  	[tilespmem:s31], [sflag:$0x1] =	stream.indirect_vreg.gather [hbm4b:s6+s2], $0x80, v3, vm0, $0xb8;
	[tilespmem:$0x1C100] =	vst v63  }
0x63: {  	s25 =	simm.s32 $0xB800  }
0x64: {  	[tilespmem:s25], [sflag:$0x1] =	stream.indirect_vreg.gather [hbm4b:s7+s2], $0x80, v3, vm0, $0xb8;
	[tilespmem:$0x1C100] =	vst v63  }
0x65: {  	v3 =	vld [tilespmem:$0x18080];
	_ =	sdelay $0x4  }
0x66: {  	v4 =	vshrl.u32 v3, $0x3  }
0x67: {  	v4 =	vmul.u32 $0x30, v4  }
0x68: {  	v3 =	vand.u32 $0x7, v3  }
0x69: {  	v3 =	vor.u32 v3, v4  }
0x6a: {  	v4 =	vperm.xlane v3, v0;
	_ =	sdelay $0x1  }
0x6b: {  	v4 =	vadd.s32 v1, v4;
	_ =	sdelay $0x3  }
0x6c: {  	s26 =	simm.s32 $0xC000;
	v3 =	vperm.xlane v3, v2  }
0x6d: {  	[tilespmem:s26], [sflag:$0x1] =	stream.indirect_vreg.gather [hbm4b:s3+s2], $0x80, v4, vm0, $0xb8;
	[tilespmem:$0x1C100] =	vst v63  }
0x6e: {  	s31 =	simm.s32 $0xC800;
	v3 =	vadd.s32 v1, v3  }
0x6f: {  	[tilespmem:s31], [sflag:$0x1] =	stream.indirect_vreg.gather [hbm4b:s6+s2], $0x80, v4, vm0, $0xb8;
	[tilespmem:$0x1C100] =	vst v63  }
0x70: {  	s25 =	simm.s32 $0xD000  }
0x71: {  	[tilespmem:s25], [sflag:$0x1] =	stream.indirect_vreg.gather [hbm4b:s7+s2], $0x80, v4, vm0, $0xb8;
	[tilespmem:$0x1C100] =	vst v63  }
0x72: {  	s26 =	simm.s32 $0xD800  }
0x73: {  	[tilespmem:s26], [sflag:$0x1] =	stream.indirect_vreg.gather [hbm4b:s3+s2], $0x80, v3, vm0, $0xb8;
	[tilespmem:$0x1C100] =	vst v63  }
0x74: {  	s31 =	simm.s32 $0xE000  }
0x75: {  	[tilespmem:s31], [sflag:$0x1] =	stream.indirect_vreg.gather [hbm4b:s6+s2], $0x80, v3, vm0, $0xb8;
	[tilespmem:$0x1C100] =	vst v63  }
0x76: {  	s25 =	simm.s32 $0xE800  }
0x77: {  	[tilespmem:s25], [sflag:$0x1] =	stream.indirect_vreg.gather [hbm4b:s7+s2], $0x80, v3, vm0, $0xb8;
	[tilespmem:$0x1C100] =	vst v63  }
0x78: {  	v3 =	vld [tilespmem:$0x18090];
	_ =	sdelay $0x4  }
0x79: {  	v4 =	vshrl.u32 v3, $0x3  }
0x7a: {  	v4 =	vmul.u32 $0x30, v4  }
0x7b: {  	v3 =	vand.u32 $0x7, v3  }
0x7c: {  	v3 =	vor.u32 v3, v4  }
0x7d: {  	v4 =	vperm.xlane v3, v0;
	_ =	sdelay $0x1  }
0x7e: {  	v4 =	vadd.s32 v1, v4;
	_ =	sdelay $0x3  }
0x7f: {  	s26 =	simm.s32 $0xF000;
	v3 =	vperm.xlane v3, v2  }
0x80: {  	[tilespmem:s26], [sflag:$0x1] =	stream.indirect_vreg.gather [hbm4b:s3+s2], $0x80, v4, vm0, $0xb8;
	[tilespmem:$0x1C100] =	vst v63  }
0x81: {  	s31 =	simm.s32 $0xF800;
	v3 =	vadd.s32 v1, v3  }
0x82: {  	[tilespmem:s31], [sflag:$0x1] =	stream.indirect_vreg.gather [hbm4b:s6+s2], $0x80, v4, vm0, $0xb8;
	[tilespmem:$0x1C100] =	vst v63  }
0x83: {  	s25 =	simm.s32 $0x10000  }
0x84: {  	[tilespmem:s25], [sflag:$0x1] =	stream.indirect_vreg.gather [hbm4b:s7+s2], $0x80, v4, vm0, $0xb8;
	[tilespmem:$0x1C100] =	vst v63  }
0x85: {  	s26 =	simm.s32 $0x10800  }
0x86: {  	[tilespmem:s26], [sflag:$0x1] =	stream.indirect_vreg.gather [hbm4b:s3+s2], $0x80, v3, vm0, $0xb8;
	[tilespmem:$0x1C100] =	vst v63  }
0x87: {  	s31 =	simm.s32 $0x11000  }
0x88: {  	[tilespmem:s31], [sflag:$0x1] =	stream.indirect_vreg.gather [hbm4b:s6+s2], $0x80, v3, vm0, $0xb8;
	[tilespmem:$0x1C100] =	vst v63  }
0x89: {  	s25 =	simm.s32 $0x11800  }
0x8a: {  	[tilespmem:s25], [sflag:$0x1] =	stream.indirect_vreg.gather [hbm4b:s7+s2], $0x80, v3, vm0, $0xb8;
	[tilespmem:$0x1C100] =	vst v63  }
0x8b: {  	v3 =	vld [tilespmem:$0x180A0];
	_ =	sdelay $0x4  }
0x8c: {  	v4 =	vshrl.u32 v3, $0x3  }
0x8d: {  	v4 =	vmul.u32 $0x30, v4  }
0x8e: {  	v3 =	vand.u32 $0x7, v3  }
0x8f: {  	v3 =	vor.u32 v3, v4  }
0x90: {  	v4 =	vperm.xlane v3, v0;
	_ =	sdelay $0x1  }
0x91: {  	v4 =	vadd.s32 v1, v4;
	_ =	sdelay $0x3  }
0x92: {  	s26 =	simm.s32 $0x12000;
	v3 =	vperm.xlane v3, v2  }
0x93: {  	[tilespmem:s26], [sflag:$0x1] =	stream.indirect_vreg.gather [hbm4b:s3+s2], $0x80, v4, vm0, $0xb8;
	[tilespmem:$0x1C100] =	vst v63  }
0x94: {  	s31 =	simm.s32 $0x12800;
	v3 =	vadd.s32 v1, v3  }
0x95: {  	[tilespmem:s31], [sflag:$0x1] =	stream.indirect_vreg.gather [hbm4b:s6+s2], $0x80, v4, vm0, $0xb8;
	[tilespmem:$0x1C100] =	vst v63  }
0x96: {  	_ = 	snop  }
0x97: {  	[tilespmem:s1], [sflag:$0x1] =	stream.indirect_vreg.gather [hbm4b:s7+s2], $0x80, v4, vm0, $0xb8;
	[tilespmem:$0x1C100] =	vst v63  }
0x98: {  	_ = 	snop  }
0x99: {  	[tilespmem:s12], [sflag:$0x1] =	stream.indirect_vreg.gather [hbm4b:s3+s2], $0x80, v3, vm0, $0xb8;
	[tilespmem:$0x1C100] =	vst v63  }
0x9a: {  	_ = 	snop  }
0x9b: {  	[tilespmem:s14], [sflag:$0x1] =	stream.indirect_vreg.gather [hbm4b:s6+s2], $0x80, v3, vm0, $0xb8;
	[tilespmem:$0x1C100] =	vst v63  }
0x9c: {  	_ = 	snop  }
0x9d: {  	[tilespmem:s15], [sflag:$0x1] =	stream.indirect_vreg.gather [hbm4b:s7+s2], $0x80, v3, vm0, $0xb8;
	[tilespmem:$0x1C100] =	vst v63  }
0x9e: {  	v3 =	vld [tilespmem:$0x180B0];
	_ =	sdelay $0x4  }
0x9f: {  	v4 =	vshrl.u32 v3, $0x3  }
0xa0: {  	v4 =	vmul.u32 $0x30, v4  }
0xa1: {  	v3 =	vand.u32 $0x7, v3  }
0xa2: {  	v3 =	vor.u32 v3, v4  }
0xa3: {  	v4 =	vperm.xlane v3, v0;
	_ =	sdelay $0x1  }
0xa4: {  	v4 =	vadd.s32 v1, v4;
	_ =	sdelay $0x3  }
0xa5: {  	v3 =	vperm.xlane v3, v2  }
0xa6: {  	[tilespmem:s16], [sflag:$0x1] =	stream.indirect_vreg.gather [hbm4b:s3+s2], $0x80, v4, vm0, $0xb8;
	[tilespmem:$0x1C100] =	vst v63  }
0xa7: {  	v3 =	vadd.s32 v1, v3  }
0xa8: {  	[tilespmem:s17], [sflag:$0x1] =	stream.indirect_vreg.gather [hbm4b:s6+s2], $0x80, v4, vm0, $0xb8;
	[tilespmem:$0x1C100] =	vst v63  }
0xa9: {  	_ = 	snop  }
0xaa: {  	[tilespmem:s18], [sflag:$0x1] =	stream.indirect_vreg.gather [hbm4b:s7+s2], $0x80, v4, vm0, $0xb8;
	[tilespmem:$0x1C100] =	vst v63  }
0xab: {  	_ = 	snop  }
0xac: {  	[tilespmem:s19], [sflag:$0x1] =	stream.indirect_vreg.gather [hbm4b:s3+s2], $0x80, v3, vm0, $0xb8;
	[tilespmem:$0x1C100] =	vst v63  }
0xad: {  	_ = 	snop  }
0xae: {  	[tilespmem:s20], [sflag:$0x1] =	stream.indirect_vreg.gather [hbm4b:s6+s2], $0x80, v3, vm0, $0xb8;
	[tilespmem:$0x1C100] =	vst v63  }
0xaf: {  	_ = 	snop  }
0xb0: {  	[tilespmem:s21], [sflag:$0x1] =	stream.indirect_vreg.gather [hbm4b:s7+s2], $0x80, v3, vm0, $0xb8;
	[tilespmem:$0x1C100] =	vst v63  }
0xb1: {  	s25 =	simm.s32 $0x18100  }
0xb2: {  	[tilespmem:s25], [sflag:$0x2] =	stream.linear.gather [hbm4b:s8+s2], $0x2000, $0x38;
	[tilespmem:$0x1C100] =	vst v63  }
0xb3: {  	s26 =	simm.s32 $0x1A100  }
0xb4: {  	[tilespmem:s26], [sflag:$0x2] =	stream.linear.gather [hbm4b:s9+s2], $0x2000, $0x38;
	[tilespmem:$0x1C100] =	vst v63  }
0xb5: {  	_ =	swait.ge [sflag:s22], $0xC000  }
0xb6: {  	[sflag:s22] =	ssyncset.done $0x0  }
0xb7: {  	[sflag:s22] =	ssyncadd.s32 $0xFFFF4000  }
0xb8: {  	_ =	swait.ge [sflag:s22], $0xC000  }
0xb9: {  	[sflag:s22] =	ssyncset.done $0x0  }
0xba: {  	[sflag:s22] =	ssyncadd.s32 $0xFFFF4000  }
0xbb: {  	_ =	swait.ge [sflag:s23], $0x2000  }
0xbc: {  	[sflag:s23] =	ssyncset.done $0x0  }
0xbd: {  	s28 =	simm.s32 $0x0;
	[sflag:s23] =	ssyncadd.s32 $0xFFFFE000  }
0xbe: {  	s28 =	smul.u32 $0x1800, s28;
	_ =	swait.ge [sflag:s23], $0x2000  }
0xbf: {  	s29 =	sand.u32 $0x380, s2;
	[sflag:s23] =	ssyncset.done $0x0  }
0xc0: {  	s30 =	sor.u32 s29, s28;
	[sflag:s23] =	ssyncadd.s32 $0xFFFFE000  }
0xc1: {  	v4 =	vld [tilespmem:s30+$0x10]  }
0xc2: {  	v3 =	vld [tilespmem:s30+$0xC010]  }
0xc3: {  	v6 =	vld [tilespmem:s30+$0x20]  }
0xc4: {  	v5 =	vld [tilespmem:s30+$0xC020]  }
0xc5: {  	v10 =	vld [tilespmem:s30+$0x30]  }
0xc6: {  	v9 =	vld [tilespmem:s30+$0xC030]  }
0xc7: {  	v12 =	vld [tilespmem:s30+$0x40]  }
0xc8: {  	v11 =	vld [tilespmem:s30+$0xC040]  }
0xc9: {  	v13 =	vld [tilespmem:s30+$0x60]  }
0xca: {  	v14 =	vld [tilespmem:s30+$0x70]  }
0xcb: {  	v15 =	vld [tilespmem:s30+$0x400]  }
0xcc: {  	v16 =	vld [tilespmem:s30+$0x410]  }
0xcd: {  	v17 =	vld [tilespmem:s30+$0x420]  }
0xce: {  	v18 =	vld [tilespmem:s30+$0x430]  }
0xcf: {  	v19 =	vld [tilespmem:s30+$0x440]  }
0xd0: {  	v20 =	vld [tilespmem:s30+$0x450]  }
0xd1: {  	v21 =	vld [tilespmem:s30+$0x460]  }
0xd2: {  	v22 =	vld [tilespmem:s30+$0x470]  }
0xd3: {  	v23 =	vld [tilespmem:s30+$0x800]  }
0xd4: {  	v24 =	vld [tilespmem:s30+$0x810]  }
0xd5: {  	v25 =	vld [tilespmem:s30+$0x820]  }
0xd6: {  	v26 =	vld [tilespmem:s30+$0x830]  }
0xd7: {  	v27 =	vld [tilespmem:s30+$0x840]  }
0xd8: {  	v28 =	vld [tilespmem:s30+$0x850]  }
0xd9: {  	v29 =	vld [tilespmem:s30+$0x860]  }
0xda: {  	v30 =	vld [tilespmem:s30+$0x870]  }
0xdb: {  	v31 =	vld [tilespmem:s30+$0xC00]  }
0xdc: {  	v32 =	vld [tilespmem:s30+$0xC10]  }
0xdd: {  	v33 =	vld [tilespmem:s30+$0xC20]  }
0xde: {  	v34 =	vld [tilespmem:s30+$0xC30]  }
0xdf: {  	v35 =	vld [tilespmem:s30+$0xC40]  }
0xe0: {  	v36 =	vld [tilespmem:s30+$0xC50]  }
0xe1: {  	v37 =	vld [tilespmem:s30+$0xC60]  }
0xe2: {  	v38 =	vld [tilespmem:s30+$0xC70]  }
0xe3: {  	v39 =	vld [tilespmem:s30+$0x1000]  }
0xe4: {  	v40 =	vld [tilespmem:s30+$0x1010]  }
0xe5: {  	v41 =	vld [tilespmem:s30+$0x1020]  }
0xe6: {  	v42 =	vld [tilespmem:s30+$0x1030]  }
0xe7: {  	v43 =	vld [tilespmem:s30+$0x1040]  }
0xe8: {  	v44 =	vld [tilespmem:s30+$0x1050]  }
0xe9: {  	v45 =	vld [tilespmem:s30+$0x1060]  }
0xea: {  	v46 =	vld [tilespmem:s30+$0x1400]  }
0xeb: {  	v47 =	vld [tilespmem:s30+$0x1410]  }
0xec: {  	v48 =	vld [tilespmem:s30+$0xD410]  }
0xed: {  	v49 =	vld [tilespmem:s30+$0xD430]  }
0xee: {  	v50 =	vld [tilespmem:s30+$0x1430]  }
0xef: {  	v51 =	vld [tilespmem:s30+$0x1420]  }
0xf0: {  	v7 =	vld [tilespmem:s25+$0x0]  }
0xf1: {  	v8 =	vld [tilespmem:s26+$0x0]  }
0xf2: {  	v52 =	vld [tilespmem:s30+$0xD420]  }
0xf3: {  	v53 =	vld [tilespmem:s30+$0xD400]  }
0xf4: {  	v54 =	vld [tilespmem:s30+$0x1070]  }
0xf5: {  	v55 =	vld [tilespmem:s30+$0xD070];
	v50 =	vmul.f32 v50, v7  }
0xf6: {  	v56 =	vld [tilespmem:s30+$0xD060];
	v49 =	vmul.f32 v49, v8;
	v51 =	vmul.f32 v51, v7  }
0xf7: {  	v57 =	vld [tilespmem:s30+$0xD050];
	v52 =	vmul.f32 v52, v8;
	v47 =	vmul.f32 v47, v7  }
0xf8: {  	v61 =	vld [tilespmem:s30+$0xD000];
	v48 =	vmul.f32 v48, v8;
	v46 =	vmul.f32 v46, v7  }
0xf9: {  	v58 =	vld [tilespmem:s30+$0xD040];
	v62 =	vmul.f32 v53, v8;
	v63 =	vmul.f32 v54, v7;
	v49 =	vadd.f32 v49, v50  }
0xfa: {  	v53 =	vld [tilespmem:s30+$0xD030];
	v59 =	vmul.f32 v55, v8;
	v45 =	vmul.f32 v45, v7;
	v51 =	vadd.f32 v52, v51  }
0xfb: {  	v60 =	vmul.f32 v56, v8;
	v44 =	vmul.f32 v44, v7;
	v56 =	vld [tilespmem:s30+$0xCC60];
	v47 =	vadd.f32 v48, v47;
	[tilespmem:s30+$0x1430] =	vst v49  }
0xfc: {  	v43 =	vmul.f32 v43, v7;
	v39 =	vmul.f32 v39, v7;
	v55 =	vld [tilespmem:s30+$0xC870];
	v46 =	vadd.f32 v62, v46;
	[tilespmem:s30+$0x1420] =	vst v51  }
0xfd: {  	v61 =	vmul.f32 v61, v8;
	v12 =	vmul.f32 v12, v7;
	v48 =	vld [tilespmem:s30+$0xD020];
	v52 =	vadd.f32 v59, v63;
	[tilespmem:s30+$0x1410] =	vst v47  }
0xfe: {  	v11 =	vmul.f32 v11, v8;
	v63 =	vmul.f32 v58, v8;
	v45 =	vadd.f32 v60, v45;
	v58 =	vld [tilespmem:s30+$0xCC50];
	[tilespmem:s30+$0x1400] =	vst v46  }
0xff: {  	v42 =	vmul.f32 v42, v7;
	v62 =	vmul.f32 v57, v8;
	v59 =	vld [tilespmem:s30+$0xCC40];
	v39 =	vadd.f32 v61, v39;
	[tilespmem:s30+$0x1070] =	vst v52  }
0x100: {  	v41 =	vmul.f32 v41, v7;
	v40 =	vmul.f32 v40, v7;
	v60 =	vld [tilespmem:s30+$0xCC30];
	v11 =	vadd.f32 v11, v12;
	[tilespmem:s30+$0x1060] =	vst v45  }
0x101: {  	v38 =	vmul.f32 v38, v7;
	v61 =	vld [tilespmem:s30+$0xC810];
	v44 =	vadd.f32 v62, v44;
	[tilespmem:s30+$0x1000] =	vst v39;
	v57 =	vmul.f32 v53, v8  }
0x102: {  	v37 =	vmul.f32 v37, v7;
	v49 =	vld [tilespmem:s30+$0xD010];
	v43 =	vadd.f32 v63, v43;
	[tilespmem:s30+$0x40] =	vst v11;
	v46 =	vmul.f32 v56, v8  }
0x103: {  	v36 =	vmul.f32 v36, v7;
	v47 =	vld [tilespmem:s30+$0xCC70];
	[tilespmem:s30+$0x1050] =	vst v44;
	v48 =	vmul.f32 v48, v8;
	v42 =	vadd.f32 v57, v42  }
0x104: {  	v35 =	vmul.f32 v35, v7;
	v62 =	vld [tilespmem:s30+$0xCC20];
	[tilespmem:s30+$0x1040] =	vst v43;
	v54 =	vmul.f32 v58, v8;
	v37 =	vadd.f32 v46, v37  }
0x105: {  	v34 =	vmul.f32 v34, v7;
	v63 =	vld [tilespmem:s30+$0xCC10];
	v45 =	vmul.f32 v59, v8;
	v41 =	vadd.f32 v48, v41;
	[tilespmem:s30+$0x1030] =	vst v42  }
0x106: {  	v33 =	vmul.f32 v33, v7;
	v56 =	vld [tilespmem:s30+$0xC860];
	v44 =	vmul.f32 v60, v8;
	v36 =	vadd.f32 v54, v36;
	[tilespmem:s30+$0xC60] =	vst v37  }
0x107: {  	v32 =	vmul.f32 v32, v7;
	v53 =	vld [tilespmem:s30+$0xCC00];
	v49 =	vmul.f32 v49, v8;
	v35 =	vadd.f32 v45, v35;
	[tilespmem:s30+$0x1020] =	vst v41  }
0x108: {  	v6 =	vmul.f32 v6, v7;
	v12 =	vld [tilespmem:s30+$0x1460];
	v47 =	vmul.f32 v47, v8;
	v34 =	vadd.f32 v44, v34;
	[tilespmem:s30+$0xC50] =	vst v36  }
0x109: {  	v5 =	vmul.f32 v5, v8;
	v58 =	vld [tilespmem:s30+$0xC840];
	v43 =	vmul.f32 v62, v8;
	v40 =	vadd.f32 v49, v40;
	[tilespmem:s30+$0xC40] =	vst v35  }
0x10a: {  	v29 =	vmul.f32 v29, v7;
	v59 =	vld [tilespmem:s30+$0xC830];
	v42 =	vmul.f32 v63, v8;
	v38 =	vadd.f32 v47, v38;
	[tilespmem:s30+$0xC30] =	vst v34  }
0x10b: {  	v5 =	vadd.f32 v5, v6;
	v6 =	vld [tilespmem:s30+$0x0];
	v39 =	vmul.f32 v56, v8;
	v33 =	vadd.f32 v43, v33;
	[tilespmem:s30+$0x1010] =	vst v40  }
0x10c: {  	v31 =	vmul.f32 v31, v7;
	v60 =	vld [tilespmem:s30+$0xC820];
	v41 =	vmul.f32 v53, v8;
	v32 =	vadd.f32 v42, v32;
	[tilespmem:s30+$0xC70] =	vst v38  }
0x10d: {  	v24 =	vmul.f32 v24, v7;
	v57 =	vld [tilespmem:s30+$0xC850];
	v34 =	vmul.f32 v61, v8;
	v29 =	vadd.f32 v39, v29;
	[tilespmem:s30+$0xC20] =	vst v33  }
0x10e: {  	v27 =	vmul.f32 v27, v7;
	v62 =	vld [tilespmem:s30+$0xC800];
	v37 =	vmul.f32 v58, v8;
	v31 =	vadd.f32 v41, v31;
	[tilespmem:s30+$0xC10] =	vst v32  }
0x10f: {  	v26 =	vmul.f32 v26, v7;
	v63 =	vld [tilespmem:s30+$0xC470];
	v36 =	vmul.f32 v59, v8;
	v24 =	vadd.f32 v34, v24;
	[tilespmem:s30+$0x860] =	vst v29  }
0x110: {  	v30 =	vmul.f32 v30, v7;
	v40 =	vmul.f32 v55, v8;
	v27 =	vadd.f32 v37, v27;
	v29 =	vld [tilespmem:s30+$0xC440];
	[tilespmem:s30+$0xC00] =	vst v31  }
0x111: {  	v25 =	vmul.f32 v25, v7;
	v35 =	vmul.f32 v60, v8;
	v26 =	vadd.f32 v36, v26;
	v31 =	vld [tilespmem:s30+$0xC460];
	[tilespmem:s30+$0x810] =	vst v24  }
0x112: {  	v28 =	vmul.f32 v28, v7;
	v38 =	vmul.f32 v57, v8;
	v30 =	vadd.f32 v40, v30;
	v24 =	vld [tilespmem:s30+$0xC070];
	[tilespmem:s30+$0x840] =	vst v27  }
0x113: {  	v23 =	vmul.f32 v23, v7;
	v33 =	vmul.f32 v62, v8;
	v25 =	vadd.f32 v35, v25;
	v27 =	vld [tilespmem:s30+$0xC420];
	[tilespmem:s30+$0x830] =	vst v26  }
0x114: {  	v22 =	vmul.f32 v22, v7;
	v32 =	vmul.f32 v63, v8;
	v28 =	vadd.f32 v38, v28;
	[tilespmem:s30+$0x870] =	vst v30;
	v30 =	vld [tilespmem:s30+$0xC450]  }
0x115: {  	v19 =	vmul.f32 v19, v7;
	v23 =	vadd.f32 v33, v23;
	[tilespmem:s30+$0x820] =	vst v25;
	v25 =	vld [tilespmem:s30+$0xC400];
	v29 =	vmul.f32 v29, v8  }
0x116: {  	v21 =	vmul.f32 v21, v7;
	v22 =	vadd.f32 v32, v22;
	[tilespmem:s30+$0x850] =	vst v28;
	v28 =	vld [tilespmem:s30+$0xC430];
	v31 =	vmul.f32 v31, v8  }
0x117: {  	v14 =	vmul.f32 v14, v7;
	[tilespmem:s30+$0x800] =	vst v23;
	v23 =	vld [tilespmem:s30+$0xC060];
	v24 =	vmul.f32 v24, v8;
	v19 =	vadd.f32 v29, v19  }
0x118: {  	v17 =	vmul.f32 v17, v7;
	v26 =	vld [tilespmem:s30+$0xC410];
	[tilespmem:s30+$0x470] =	vst v22;
	v27 =	vmul.f32 v27, v8;
	v21 =	vadd.f32 v31, v21  }
0x119: {  	v20 =	vmul.f32 v20, v7;
	v22 =	vld [tilespmem:s30+$0x50];
	v30 =	vmul.f32 v30, v8;
	v14 =	vadd.f32 v24, v14;
	[tilespmem:s30+$0x440] =	vst v19  }
0x11a: {  	v15 =	vmul.f32 v15, v7;
	v25 =	vmul.f32 v25, v8;
	v17 =	vadd.f32 v27, v17;
	v19 =	vld [tilespmem:s30+$0xD450];
	[tilespmem:s30+$0x460] =	vst v21  }
0x11b: {  	v18 =	vmul.f32 v18, v7;
	v28 =	vmul.f32 v28, v8;
	v20 =	vadd.f32 v30, v20;
	v21 =	vld [tilespmem:s30+$0xC050];
	[tilespmem:s30+$0x70] =	vst v14  }
0x11c: {  	v13 =	vmul.f32 v13, v7;
	v23 =	vmul.f32 v23, v8;
	v15 =	vadd.f32 v25, v15;
	[tilespmem:s30+$0x420] =	vst v17;
	v17 =	vld [tilespmem:s30+$0x1440]  }
0x11d: {  	v16 =	vmul.f32 v16, v7;
	v26 =	vmul.f32 v26, v8;
	v18 =	vadd.f32 v28, v18;
	[tilespmem:s30+$0x450] =	vst v20;
	v20 =	vld [tilespmem:s30+$0xD440]  }
0x11e: {  	v10 =	vmul.f32 v10, v7;
	v9 =	vmul.f32 v9, v8;
	v13 =	vadd.f32 v23, v13;
	[tilespmem:s30+$0x400] =	vst v15;
	v15 =	vld [tilespmem:s30+$0x1450]  }
0x11f: {  	v4 =	vmul.f32 v4, v7;
	v3 =	vmul.f32 v3, v8;
	v16 =	vadd.f32 v26, v16;
	[tilespmem:s30+$0x430] =	vst v18;
	v18 =	vld [tilespmem:s30+$0xD460]  }
0x120: {  	v9 =	vadd.f32 v9, v10;
	v10 =	vmul.f32 v22, v7;
	v14 =	vld [tilespmem:s30+$0x1470];
	[tilespmem:s30+$0x60] =	vst v13;
	v13 =	vmul.f32 v21, v8  }
0x121: {  	v3 =	vadd.f32 v3, v4;
	[tilespmem:s30+$0x410] =	vst v16;
	v16 =	vld [tilespmem:s30+$0xD470]  }
0x122: {  	s28 =	simm.s32 $0x0;
	[tilespmem:s30+$0x30] =	vst v9;
	v9 =	vld [tilespmem:s30+$0xC000];
	v11 =	vmul.f32 v17, v7;
	v17 =	vmul.f32 v20, v8;
	v4 =	vadd.f32 v13, v10  }
0x123: {  	s29 =	simm.s32 $0x80;
	s28 =	smul.u32 $0x1800, s28;
	[tilespmem:s30+$0x20] =	vst v5;
	v5 =	vmul.f32 v15, v7;
	v10 =	vmul.f32 v19, v8  }
0x124: {  	s31 =	sand.u32 $0x380, s29;
	v11 =	vadd.f32 v17, v11;
	[tilespmem:s30+$0x50] =	vst v4;
	v4 =	vmul.f32 v12, v7;
	v12 =	vmul.f32 v18, v8  }
0x125: {  	s28 =	sor.u32 s31, s28;
	[tilespmem:s30+$0x10] =	vst v3;
	v5 =	vadd.f32 v10, v5  }
0x126: {  	v3 =	vld [tilespmem:s28+$0x10];
	v10 =	vmul.f32 v14, v7;
	[tilespmem:s30+$0x1440] =	vst v11;
	v11 =	vmul.f32 v16, v8;
	v12 =	vadd.f32 v12, v4  }
0x127: {  	v7 =	vmul.f32 v6, v7;
	v8 =	vmul.f32 v9, v8;
	v4 =	vld [tilespmem:s28+$0xC010];
	[tilespmem:s30+$0x1450] =	vst v5  }
0x128: {  	v9 =	vadd.f32 v11, v10;
	v6 =	vld [tilespmem:s28+$0x20];
	[tilespmem:s30+$0x1460] =	vst v12  }
0x129: {  	v7 =	vadd.f32 v8, v7;
	v5 =	vld [tilespmem:s28+$0xC020]  }
0x12a: {  	v8 =	vld [tilespmem:s28+$0x30];
	[tilespmem:s30+$0x1470] =	vst v9  }
0x12b: {  	v18 =	vld [tilespmem:s28+$0x430];
	[tilespmem:s30+$0x0] =	vst v7  }
0x12c: {  	v7 =	vld [tilespmem:s28+$0xC030]  }
0x12d: {  	v10 =	vld [tilespmem:s28+$0x40]  }
0x12e: {  	v9 =	vld [tilespmem:s28+$0xC040]  }
0x12f: {  	v12 =	vld [tilespmem:s28+$0x50]  }
0x130: {  	v11 =	vld [tilespmem:s28+$0xC050]  }
0x131: {  	v13 =	vld [tilespmem:s28+$0x60]  }
0x132: {  	v14 =	vld [tilespmem:s28+$0x70]  }
0x133: {  	v15 =	vld [tilespmem:s28+$0x400]  }
0x134: {  	v16 =	vld [tilespmem:s28+$0x410]  }
0x135: {  	v17 =	vld [tilespmem:s28+$0x420]  }
0x136: {  	v19 =	vld [tilespmem:s28+$0x440]  }
0x137: {  	v20 =	vld [tilespmem:s28+$0x450]  }
0x138: {  	v21 =	vld [tilespmem:s28+$0x460]  }
0x139: {  	v22 =	vld [tilespmem:s28+$0x470]  }
0x13a: {  	v23 =	vld [tilespmem:s28+$0x800]  }
0x13b: {  	v24 =	vld [tilespmem:s28+$0x810]  }
0x13c: {  	v25 =	vld [tilespmem:s28+$0x820]  }
0x13d: {  	v26 =	vld [tilespmem:s28+$0x830]  }
0x13e: {  	v27 =	vld [tilespmem:s28+$0x840]  }
0x13f: {  	v28 =	vld [tilespmem:s28+$0x850]  }
0x140: {  	v29 =	vld [tilespmem:s28+$0x860]  }
0x141: {  	v30 =	vld [tilespmem:s28+$0x870]  }
0x142: {  	v31 =	vld [tilespmem:s28+$0xC00]  }
0x143: {  	v34 =	vld [tilespmem:s28+$0xC10]  }
0x144: {  	v35 =	vld [tilespmem:s28+$0xC20]  }
0x145: {  	v36 =	vld [tilespmem:s28+$0xC30]  }
0x146: {  	v37 =	vld [tilespmem:s28+$0xC40]  }
0x147: {  	v38 =	vld [tilespmem:s28+$0xC50]  }
0x148: {  	v39 =	vld [tilespmem:s28+$0xC60]  }
0x149: {  	v40 =	vld [tilespmem:s28+$0xC70]  }
0x14a: {  	v41 =	vld [tilespmem:s28+$0x1000]  }
0x14b: {  	v42 =	vld [tilespmem:s28+$0x1010]  }
0x14c: {  	v43 =	vld [tilespmem:s28+$0x1020]  }
0x14d: {  	v44 =	vld [tilespmem:s28+$0x1030]  }
0x14e: {  	v45 =	vld [tilespmem:s28+$0x1040]  }
0x14f: {  	v46 =	vld [tilespmem:s28+$0x1050]  }
0x150: {  	v47 =	vld [tilespmem:s28+$0x1060]  }
0x151: {  	v48 =	vld [tilespmem:s28+$0x1400]  }
0x152: {  	v50 =	vld [tilespmem:s28+$0x1410]  }
0x153: {  	v49 =	vld [tilespmem:s28+$0xD410]  }
0x154: {  	s30 =	simm.s32 $0x2;
	v51 =	vld [tilespmem:s28+$0xD430]  }
.LBB2_2:
0x155: {  	p0 =	sne.s32 s30, $0x3F;
	v52 =	vld [tilespmem:s28+$0x1430]  }
0x156: {  	s25 =	sadd.s32 $0x80, s25;
	v53 =	vld [tilespmem:s28+$0x1420]  }
0x157: {  	s26 =	sadd.s32 $0x80, s26;
	v33 =	vld [tilespmem:s25+$0x0]  }
0x158: {  	v32 =	vld [tilespmem:s26+$0x0]  }
0x159: {  	v54 =	vld [tilespmem:s28+$0xD420]  }
0x15a: {  	v55 =	vld [tilespmem:s28+$0xD400]  }
0x15b: {  	v56 =	vld [tilespmem:s28+$0x1070]  }
0x15c: {  	v57 =	vld [tilespmem:s28+$0xD070];
	v50 =	vmul.f32 v50, v33;
	v53 =	vmul.f32 v53, v33  }
0x15d: {  	v52 =	vmul.f32 v52, v33;
	v58 =	vld [tilespmem:s28+$0xD060];
	v51 =	vmul.f32 v51, v32  }
0x15e: {  	v49 =	vmul.f32 v49, v32;
	v59 =	vld [tilespmem:s28+$0xD050];
	v54 =	vmul.f32 v54, v32  }
0x15f: {  	v48 =	vmul.f32 v48, v33;
	v60 =	vld [tilespmem:s28+$0xD040];
	v55 =	vmul.f32 v55, v32;
	v51 =	vadd.f32 v51, v52  }
0x160: {  	v49 =	vadd.f32 v49, v50;
	v52 =	vld [tilespmem:s28+$0xD030];
	v56 =	vmul.f32 v56, v33;
	v50 =	vadd.f32 v54, v53  }
0x161: {  	v47 =	vmul.f32 v47, v33;
	v53 =	vld [tilespmem:s28+$0xD020];
	v54 =	vmul.f32 v57, v32;
	v48 =	vadd.f32 v55, v48;
	[tilespmem:s28+$0x1430] =	vst v51  }
0x162: {  	v46 =	vmul.f32 v46, v33;
	v51 =	vld [tilespmem:s28+$0xD010];
	v55 =	vmul.f32 v58, v32;
	[tilespmem:s28+$0x1420] =	vst v50  }
0x163: {  	v45 =	vmul.f32 v45, v33;
	v50 =	vld [tilespmem:s28+$0xD000];
	v57 =	vmul.f32 v59, v32;
	v54 =	vadd.f32 v54, v56;
	[tilespmem:s28+$0x1410] =	vst v49  }
0x164: {  	v44 =	vmul.f32 v44, v33;
	v49 =	vld [tilespmem:s28+$0xCC70];
	v56 =	vmul.f32 v60, v32;
	v47 =	vadd.f32 v55, v47;
	[tilespmem:s28+$0x1400] =	vst v48  }
0x165: {  	v43 =	vmul.f32 v43, v33;
	v48 =	vld [tilespmem:s28+$0xCC60];
	v52 =	vmul.f32 v52, v32;
	v46 =	vadd.f32 v57, v46;
	[tilespmem:s28+$0x1070] =	vst v54  }
0x166: {  	v42 =	vmul.f32 v42, v33;
	v54 =	vld [tilespmem:s28+$0xCC50];
	v53 =	vmul.f32 v53, v32;
	v45 =	vadd.f32 v56, v45;
	[tilespmem:s28+$0x1060] =	vst v47  }
0x167: {  	v41 =	vmul.f32 v41, v33;
	v47 =	vld [tilespmem:s28+$0xCC40];
	v51 =	vmul.f32 v51, v32;
	v44 =	vadd.f32 v52, v44;
	[tilespmem:s28+$0x1050] =	vst v46  }
0x168: {  	v40 =	vmul.f32 v40, v33;
	v46 =	vld [tilespmem:s28+$0xCC30];
	v50 =	vmul.f32 v50, v32;
	v43 =	vadd.f32 v53, v43;
	[tilespmem:s28+$0x1040] =	vst v45  }
0x169: {  	v39 =	vmul.f32 v39, v33;
	v45 =	vld [tilespmem:s28+$0xCC20];
	v49 =	vmul.f32 v49, v32;
	v42 =	vadd.f32 v51, v42;
	[tilespmem:s28+$0x1030] =	vst v44  }
0x16a: {  	v38 =	vmul.f32 v38, v33;
	v44 =	vld [tilespmem:s28+$0xCC10];
	v48 =	vmul.f32 v48, v32;
	v41 =	vadd.f32 v50, v41;
	[tilespmem:s28+$0x1020] =	vst v43  }
0x16b: {  	v37 =	vmul.f32 v37, v33;
	v43 =	vld [tilespmem:s28+$0xCC00];
	v50 =	vmul.f32 v54, v32;
	v40 =	vadd.f32 v49, v40;
	[tilespmem:s28+$0x1010] =	vst v42  }
0x16c: {  	v36 =	vmul.f32 v36, v33;
	v42 =	vld [tilespmem:s28+$0xC870];
	v47 =	vmul.f32 v47, v32;
	v39 =	vadd.f32 v48, v39;
	[tilespmem:s28+$0x1000] =	vst v41  }
0x16d: {  	v35 =	vmul.f32 v35, v33;
	v41 =	vld [tilespmem:s28+$0xC860];
	v46 =	vmul.f32 v46, v32;
	v38 =	vadd.f32 v50, v38;
	[tilespmem:s28+$0xC70] =	vst v40  }
0x16e: {  	v34 =	vmul.f32 v34, v33;
	v40 =	vld [tilespmem:s28+$0xC850];
	v45 =	vmul.f32 v45, v32;
	v37 =	vadd.f32 v47, v37;
	[tilespmem:s28+$0xC60] =	vst v39  }
0x16f: {  	v31 =	vmul.f32 v31, v33;
	v39 =	vld [tilespmem:s28+$0xC840];
	v44 =	vmul.f32 v44, v32;
	v36 =	vadd.f32 v46, v36;
	[tilespmem:s28+$0xC50] =	vst v38  }
0x170: {  	v30 =	vmul.f32 v30, v33;
	v38 =	vld [tilespmem:s28+$0xC830];
	v43 =	vmul.f32 v43, v32;
	v35 =	vadd.f32 v45, v35;
	[tilespmem:s28+$0xC40] =	vst v37  }
0x171: {  	v29 =	vmul.f32 v29, v33;
	v37 =	vld [tilespmem:s28+$0xC820];
	v42 =	vmul.f32 v42, v32;
	v34 =	vadd.f32 v44, v34;
	[tilespmem:s28+$0xC30] =	vst v36  }
0x172: {  	v28 =	vmul.f32 v28, v33;
	v36 =	vld [tilespmem:s28+$0xC810];
	v41 =	vmul.f32 v41, v32;
	v31 =	vadd.f32 v43, v31;
	[tilespmem:s28+$0xC20] =	vst v35  }
0x173: {  	v27 =	vmul.f32 v27, v33;
	v35 =	vld [tilespmem:s28+$0xC800];
	v40 =	vmul.f32 v40, v32;
	v30 =	vadd.f32 v42, v30;
	[tilespmem:s28+$0xC10] =	vst v34  }
0x174: {  	v26 =	vmul.f32 v26, v33;
	v34 =	vld [tilespmem:s28+$0xC470];
	v39 =	vmul.f32 v39, v32;
	v29 =	vadd.f32 v41, v29;
	[tilespmem:s28+$0xC00] =	vst v31  }
0x175: {  	v25 =	vmul.f32 v25, v33;
	v31 =	vld [tilespmem:s28+$0xC460];
	v38 =	vmul.f32 v38, v32;
	v28 =	vadd.f32 v40, v28;
	[tilespmem:s28+$0x870] =	vst v30  }
0x176: {  	v24 =	vmul.f32 v24, v33;
	v30 =	vld [tilespmem:s28+$0xC450];
	v37 =	vmul.f32 v37, v32;
	v27 =	vadd.f32 v39, v27;
	[tilespmem:s28+$0x860] =	vst v29  }
0x177: {  	v23 =	vmul.f32 v23, v33;
	v29 =	vld [tilespmem:s28+$0xC440];
	v36 =	vmul.f32 v36, v32;
	v26 =	vadd.f32 v38, v26;
	[tilespmem:s28+$0x850] =	vst v28  }
0x178: {  	v22 =	vmul.f32 v22, v33;
	v28 =	vld [tilespmem:s28+$0xC430];
	v35 =	vmul.f32 v35, v32;
	v25 =	vadd.f32 v37, v25;
	[tilespmem:s28+$0x840] =	vst v27  }
0x179: {  	v21 =	vmul.f32 v21, v33;
	v27 =	vld [tilespmem:s28+$0xC420];
	v34 =	vmul.f32 v34, v32;
	v24 =	vadd.f32 v36, v24;
	[tilespmem:s28+$0x830] =	vst v26  }
0x17a: {  	v20 =	vmul.f32 v20, v33;
	v26 =	vld [tilespmem:s28+$0xC410];
	v31 =	vmul.f32 v31, v32;
	v23 =	vadd.f32 v35, v23;
	[tilespmem:s28+$0x820] =	vst v25  }
0x17b: {  	v19 =	vmul.f32 v19, v33;
	v25 =	vld [tilespmem:s28+$0xC400];
	v30 =	vmul.f32 v30, v32;
	v22 =	vadd.f32 v34, v22;
	[tilespmem:s28+$0x810] =	vst v24  }
0x17c: {  	v18 =	vmul.f32 v18, v33;
	v24 =	vld [tilespmem:s28+$0xC070];
	v29 =	vmul.f32 v29, v32;
	v21 =	vadd.f32 v31, v21;
	[tilespmem:s28+$0x800] =	vst v23  }
0x17d: {  	v17 =	vmul.f32 v17, v33;
	v23 =	vld [tilespmem:s28+$0xC060];
	v28 =	vmul.f32 v28, v32;
	v20 =	vadd.f32 v30, v20;
	[tilespmem:s28+$0x470] =	vst v22  }
0x17e: {  	v16 =	vmul.f32 v16, v33;
	v22 =	vmul.f32 v27, v32;
	v19 =	vadd.f32 v29, v19;
	[tilespmem:s28+$0x460] =	vst v21;
	v21 =	vld [tilespmem:s28+$0xD440]  }
0x17f: {  	v15 =	vmul.f32 v15, v33;
	v26 =	vmul.f32 v26, v32;
	v18 =	vadd.f32 v28, v18;
	[tilespmem:s28+$0x450] =	vst v20;
	v20 =	vld [tilespmem:s28+$0xD450]  }
0x180: {  	v14 =	vmul.f32 v14, v33;
	v25 =	vmul.f32 v25, v32;
	v17 =	vadd.f32 v22, v17;
	[tilespmem:s28+$0x440] =	vst v19;
	v19 =	vld [tilespmem:s28+$0xD460]  }
0x181: {  	v13 =	vmul.f32 v13, v33;
	v22 =	vmul.f32 v24, v32;
	v16 =	vadd.f32 v26, v16;
	[tilespmem:s28+$0x430] =	vst v18;
	v18 =	vld [tilespmem:s28+$0xD470]  }
0x182: {  	v12 =	vmul.f32 v12, v33;
	v23 =	vmul.f32 v23, v32;
	v15 =	vadd.f32 v25, v15;
	[tilespmem:s28+$0x420] =	vst v17;
	v17 =	vld [tilespmem:s28+$0x1440]  }
0x183: {  	v10 =	vmul.f32 v10, v33;
	v11 =	vmul.f32 v11, v32;
	v14 =	vadd.f32 v22, v14;
	[tilespmem:s28+$0x410] =	vst v16;
	v16 =	vld [tilespmem:s28+$0x1450]  }
0x184: {  	v8 =	vmul.f32 v8, v33;
	v9 =	vmul.f32 v9, v32;
	v13 =	vadd.f32 v23, v13;
	[tilespmem:s28+$0x400] =	vst v15;
	v15 =	vld [tilespmem:s28+$0x1460]  }
0x185: {  	v6 =	vmul.f32 v6, v33;
	v7 =	vmul.f32 v7, v32;
	v11 =	vadd.f32 v11, v12;
	[tilespmem:s28+$0x70] =	vst v14;
	v12 =	vld [tilespmem:s28+$0x1470]  }
0x186: {  	v3 =	vmul.f32 v3, v33;
	v5 =	vmul.f32 v5, v32;
	v9 =	vadd.f32 v9, v10;
	v14 =	vld [tilespmem:s28+$0x0];
	[tilespmem:s28+$0x60] =	vst v13  }
0x187: {  	v4 =	vmul.f32 v4, v32;
	v7 =	vadd.f32 v7, v8;
	v10 =	vld [tilespmem:s28+$0xC000];
	[tilespmem:s28+$0x50] =	vst v11;
	v8 =	vmul.f32 v17, v33  }
0x188: {  	s31 =	sshrl.u32 s30, $0x3;
	v5 =	vadd.f32 v5, v6;
	v6 =	vmul.f32 v21, v32;
	[tilespmem:s28+$0x40] =	vst v9;
	v9 =	vmul.f32 v16, v33  }
0x189: {  	s29 =	sadd.s32 $0x80, s29;
	s31 =	smul.u32 $0x1800, s31;
	v3 =	vadd.f32 v4, v3;
	v4 =	vmul.f32 v20, v32;
	[tilespmem:s28+$0x30] =	vst v7;
	v7 =	vmul.f32 v15, v33  }
0x18a: {  	s0 =	sand.u32 $0x380, s29;
	[tilespmem:s28+$0x20] =	vst v5;
	v5 =	vadd.f32 v6, v8;
	v6 =	vmul.f32 v19, v32;
	v8 =	vmul.f32 v12, v33  }
0x18b: {  	s0 =	sor.u32 s0, s31;
	v9 =	vadd.f32 v4, v9;
	v12 =	vmul.f32 v18, v32;
	v11 =	vmul.f32 v14, v33;
	[tilespmem:s28+$0x10] =	vst v3  }
0x18c: {  	v3 =	vld [tilespmem:s0+$0x10];
	v10 =	vmul.f32 v10, v32;
	[tilespmem:s28+$0x1440] =	vst v5;
	v5 =	vadd.f32 v6, v7  }
0x18d: {  	v7 =	vadd.f32 v12, v8;
	v4 =	vld [tilespmem:s0+$0xC010];
	[tilespmem:s28+$0x1450] =	vst v9  }
0x18e: {  	v6 =	vld [tilespmem:s0+$0x20];
	v9 =	vadd.f32 v10, v11;
	[tilespmem:s28+$0x1460] =	vst v5  }
0x18f: {  	v5 =	vld [tilespmem:s0+$0xC020];
	[tilespmem:s28+$0x1470] =	vst v7  }
0x190: {  	v8 =	vld [tilespmem:s0+$0x30];
	[tilespmem:s28+$0x0] =	vst v9;
	s28 =	smov.u32 s0  }
0x191: {  	v7 =	vld [tilespmem:s28+$0xC030]  }
0x192: {  	v10 =	vld [tilespmem:s28+$0x40]  }
0x193: {  	v9 =	vld [tilespmem:s28+$0xC040]  }
0x194: {  	v12 =	vld [tilespmem:s28+$0x50]  }
0x195: {  	v11 =	vld [tilespmem:s28+$0xC050]  }
0x196: {  	v13 =	vld [tilespmem:s28+$0x60]  }
0x197: {  	v14 =	vld [tilespmem:s28+$0x70]  }
0x198: {  	v15 =	vld [tilespmem:s28+$0x400]  }
0x199: {  	v16 =	vld [tilespmem:s28+$0x410]  }
0x19a: {  	v17 =	vld [tilespmem:s28+$0x420]  }
0x19b: {  	v18 =	vld [tilespmem:s28+$0x430]  }
0x19c: {  	v19 =	vld [tilespmem:s28+$0x440]  }
0x19d: {  	v20 =	vld [tilespmem:s28+$0x450]  }
0x19e: {  	v21 =	vld [tilespmem:s28+$0x460]  }
0x19f: {  	v22 =	vld [tilespmem:s28+$0x470]  }
0x1a0: {  	v23 =	vld [tilespmem:s28+$0x800]  }
0x1a1: {  	v24 =	vld [tilespmem:s28+$0x810]  }
0x1a2: {  	v25 =	vld [tilespmem:s28+$0x820]  }
0x1a3: {  	v26 =	vld [tilespmem:s28+$0x830]  }
0x1a4: {  	v27 =	vld [tilespmem:s28+$0x840]  }
0x1a5: {  	v28 =	vld [tilespmem:s28+$0x850]  }
0x1a6: {  	v29 =	vld [tilespmem:s28+$0x860]  }
0x1a7: {  	v30 =	vld [tilespmem:s28+$0x870]  }
0x1a8: {  	v31 =	vld [tilespmem:s28+$0xC00]  }
0x1a9: {  	v34 =	vld [tilespmem:s28+$0xC10]  }
0x1aa: {  	v35 =	vld [tilespmem:s28+$0xC20]  }
0x1ab: {  	v36 =	vld [tilespmem:s28+$0xC30]  }
0x1ac: {  	v37 =	vld [tilespmem:s28+$0xC40]  }
0x1ad: {  	v38 =	vld [tilespmem:s28+$0xC50]  }
0x1ae: {  	v39 =	vld [tilespmem:s28+$0xC60]  }
0x1af: {  	v40 =	vld [tilespmem:s28+$0xC70]  }
0x1b0: {  	v41 =	vld [tilespmem:s28+$0x1000]  }
0x1b1: {  	v42 =	vld [tilespmem:s28+$0x1010]  }
0x1b2: {  	v43 =	vld [tilespmem:s28+$0x1020]  }
0x1b3: {  	v44 =	vld [tilespmem:s28+$0x1030]  }
0x1b4: {  	v45 =	vld [tilespmem:s28+$0x1040]  }
0x1b5: {  	v46 =	vld [tilespmem:s28+$0x1050]  }
.Ltmp0:
0x1b6: {  	v47 =	vld [tilespmem:s28+$0x1060];
	(pc) =	sbr.rel @p0 .LBB2_2-.Ltmp0, $4  }
0x1b7: {  	v48 =	vld [tilespmem:s28+$0x1400]  }
0x1b8: {  	v50 =	vld [tilespmem:s28+$0x1410]  }
0x1b9: {  	v49 =	vld [tilespmem:s28+$0xD410]  }
0x1ba: {  	s30 =	sadd.s32 $0x1, s30;
	v51 =	vld [tilespmem:s28+$0xD430]  }
0x1bb: {  	v52 =	vld [tilespmem:s28+$0x1430]  }
0x1bc: {  	v53 =	vld [tilespmem:s28+$0x1420];
	s0 =	sadd.s32 $0x80, s25  }
0x1bd: {  	s31 =	sadd.s32 $0x80, s26;
	v32 =	vld [tilespmem:s0+$0x0]  }
0x1be: {  	v33 =	vld [tilespmem:s31+$0x0]  }
0x1bf: {  	v54 =	vld [tilespmem:s28+$0xD420];
	_ =	sdelay $0x1  }
0x1c0: {  	v55 =	vld [tilespmem:s28+$0xD400]  }
0x1c1: {  	v56 =	vld [tilespmem:s28+$0x1070]  }
0x1c2: {  	v58 =	vld [tilespmem:s28+$0xD060];
	v52 =	vmul.f32 v52, v32;
	v51 =	vmul.f32 v51, v33  }
0x1c3: {  	v57 =	vld [tilespmem:s28+$0xD070];
	v53 =	vmul.f32 v53, v32;
	v54 =	vmul.f32 v54, v33  }
0x1c4: {  	v59 =	vld [tilespmem:s28+$0xD050];
	v50 =	vmul.f32 v50, v32;
	v49 =	vmul.f32 v49, v33  }
0x1c5: {  	v60 =	vld [tilespmem:s28+$0xD040];
	v48 =	vmul.f32 v48, v32;
	v62 =	vmul.f32 v55, v33;
	v51 =	vadd.f32 v51, v52  }
0x1c6: {  	v61 =	vld [tilespmem:s28+$0xD020];
	v63 =	vmul.f32 v56, v32;
	v47 =	vmul.f32 v47, v32;
	v53 =	vadd.f32 v54, v53  }
0x1c7: {  	v58 =	vmul.f32 v58, v33;
	v55 =	vld [tilespmem:s28+$0xC460];
	v12 =	vmul.f32 v12, v32;
	v49 =	vadd.f32 v49, v50;
	[tilespmem:s28+$0x1430] =	vst v51  }
0x1c8: {  	v56 =	vld [tilespmem:s28+$0xC450];
	v11 =	vmul.f32 v11, v33;
	v10 =	vmul.f32 v10, v32;
	v48 =	vadd.f32 v62, v48;
	[tilespmem:s28+$0x1420] =	vst v53  }
0x1c9: {  	v9 =	vmul.f32 v9, v33;
	v8 =	vmul.f32 v8, v32;
	v52 =	vld [tilespmem:s28+$0xD030];
	v47 =	vadd.f32 v58, v47;
	[tilespmem:s28+$0x1410] =	vst v49  }
0x1ca: {  	v7 =	vmul.f32 v7, v33;
	v6 =	vmul.f32 v6, v32;
	v50 =	vld [tilespmem:s28+$0xD000];
	v11 =	vadd.f32 v11, v12;
	[tilespmem:s28+$0x1400] =	vst v48  }
0x1cb: {  	v5 =	vmul.f32 v5, v33;
	v3 =	vmul.f32 v3, v32;
	v58 =	vld [tilespmem:s28+$0xCC20];
	v9 =	vadd.f32 v9, v10;
	[tilespmem:s28+$0x1060] =	vst v47  }
0x1cc: {  	v4 =	vmul.f32 v4, v33;
	v62 =	vmul.f32 v59, v33;
	v59 =	vld [tilespmem:s28+$0xCC10];
	v7 =	vadd.f32 v7, v8;
	[tilespmem:s28+$0x50] =	vst v11  }
0x1cd: {  	v57 =	vmul.f32 v57, v33;
	v54 =	vld [tilespmem:s28+$0xC470];
	v5 =	vadd.f32 v5, v6;
	[tilespmem:s28+$0x40] =	vst v9  }
0x1ce: {  	v46 =	vmul.f32 v46, v32;
	v3 =	vadd.f32 v4, v3;
	v51 =	vld [tilespmem:s28+$0xD010];
	[tilespmem:s28+$0x30] =	vst v7  }
0x1cf: {  	v45 =	vmul.f32 v45, v32;
	v49 =	vld [tilespmem:s28+$0xCC70];
	v53 =	vadd.f32 v57, v63;
	v63 =	vmul.f32 v60, v33;
	[tilespmem:s28+$0x20] =	vst v5  }
0x1d0: {  	v43 =	vmul.f32 v43, v32;
	v48 =	vld [tilespmem:s28+$0xCC60];
	v46 =	vadd.f32 v62, v46;
	v57 =	vmul.f32 v61, v33;
	[tilespmem:s28+$0x10] =	vst v3  }
0x1d1: {  	v44 =	vmul.f32 v44, v32;
	v47 =	vld [tilespmem:s28+$0xCC40];
	[tilespmem:s28+$0x1070] =	vst v53;
	v45 =	vadd.f32 v63, v45;
	v52 =	vmul.f32 v52, v33  }
0x1d2: {  	v41 =	vmul.f32 v41, v32;
	v60 =	vld [tilespmem:s28+$0xCC00];
	[tilespmem:s28+$0x1050] =	vst v46;
	v43 =	vadd.f32 v57, v43;
	v50 =	vmul.f32 v50, v33  }
0x1d3: {  	v35 =	vmul.f32 v35, v32;
	v61 =	vld [tilespmem:s28+$0xC870];
	[tilespmem:s28+$0x1040] =	vst v45;
	v45 =	vmul.f32 v58, v33;
	v44 =	vadd.f32 v52, v44  }
0x1d4: {  	v42 =	vmul.f32 v42, v32;
	v53 =	vld [tilespmem:s28+$0xCC50];
	[tilespmem:s28+$0x1020] =	vst v43;
	v51 =	vmul.f32 v51, v33;
	v41 =	vadd.f32 v50, v41  }
0x1d5: {  	v40 =	vmul.f32 v40, v32;
	v46 =	vld [tilespmem:s28+$0xCC30];
	v49 =	vmul.f32 v49, v33;
	v35 =	vadd.f32 v45, v35;
	[tilespmem:s28+$0x1030] =	vst v44  }
0x1d6: {  	v39 =	vmul.f32 v39, v32;
	v62 =	vld [tilespmem:s28+$0xC860];
	v48 =	vmul.f32 v48, v33;
	v42 =	vadd.f32 v51, v42;
	[tilespmem:s28+$0x1000] =	vst v41  }
0x1d7: {  	v37 =	vmul.f32 v37, v32;
	v57 =	vld [tilespmem:s28+$0xC440];
	v47 =	vmul.f32 v47, v33;
	v40 =	vadd.f32 v49, v40;
	[tilespmem:s28+$0xC20] =	vst v35  }
0x1d8: {  	v31 =	vmul.f32 v31, v32;
	v58 =	vld [tilespmem:s28+$0xC430];
	v43 =	vmul.f32 v60, v33;
	v39 =	vadd.f32 v48, v39;
	[tilespmem:s28+$0x1010] =	vst v42  }
0x1d9: {  	v38 =	vmul.f32 v38, v32;
	v50 =	vld [tilespmem:s28+$0xC830];
	v63 =	vmul.f32 v53, v33;
	v37 =	vadd.f32 v47, v37;
	[tilespmem:s28+$0xC70] =	vst v40  }
0x1da: {  	v36 =	vmul.f32 v36, v32;
	v60 =	vld [tilespmem:s28+$0xC410];
	v46 =	vmul.f32 v46, v33;
	v31 =	vadd.f32 v43, v31;
	[tilespmem:s28+$0xC60] =	vst v39  }
0x1db: {  	v34 =	vmul.f32 v34, v32;
	v52 =	vld [tilespmem:s28+$0xC810];
	v44 =	vmul.f32 v59, v33;
	v38 =	vadd.f32 v63, v38;
	[tilespmem:s28+$0xC40] =	vst v37  }
0x1dc: {  	v29 =	vmul.f32 v29, v32;
	v45 =	vld [tilespmem:s28+$0x1440];
	v41 =	vmul.f32 v62, v33;
	v36 =	vadd.f32 v46, v36;
	[tilespmem:s28+$0xC00] =	vst v31  }
0x1dd: {  	v21 =	vmul.f32 v21, v32;
	v48 =	vld [tilespmem:s28+$0xC850];
	v62 =	vmul.f32 v55, v33;
	v34 =	vadd.f32 v44, v34;
	[tilespmem:s28+$0xC50] =	vst v38  }
0x1de: {  	v30 =	vmul.f32 v30, v32;
	v49 =	vld [tilespmem:s28+$0xC840];
	v42 =	vmul.f32 v61, v33;
	v29 =	vadd.f32 v41, v29;
	[tilespmem:s28+$0xC30] =	vst v36  }
0x1df: {  	v16 =	vmul.f32 v16, v32;
	v51 =	vld [tilespmem:s28+$0xC820];
	v21 =	vadd.f32 v62, v21;
	v41 =	vmul.f32 v60, v33;
	[tilespmem:s28+$0xC10] =	vst v34  }
0x1e0: {  	v26 =	vmul.f32 v26, v32;
	v53 =	vld [tilespmem:s28+$0xC800];
	v30 =	vadd.f32 v42, v30;
	[tilespmem:s28+$0x860] =	vst v29;
	v38 =	vmul.f32 v50, v33  }
0x1e1: {  	v24 =	vmul.f32 v24, v32;
	v59 =	vld [tilespmem:s28+$0xC420];
	v36 =	vmul.f32 v52, v33;
	[tilespmem:s28+$0x460] =	vst v21;
	v16 =	vadd.f32 v41, v16  }
0x1e2: {  	v22 =	vmul.f32 v22, v32;
	v43 =	vld [tilespmem:s28+$0xD470];
	v34 =	vmul.f32 v54, v33;
	[tilespmem:s28+$0x870] =	vst v30;
	v26 =	vadd.f32 v38, v26  }
0x1e3: {  	v28 =	vmul.f32 v28, v32;
	v61 =	vld [tilespmem:s28+$0xC400];
	v40 =	vmul.f32 v48, v33;
	v24 =	vadd.f32 v36, v24;
	[tilespmem:s28+$0x410] =	vst v16  }
0x1e4: {  	v27 =	vmul.f32 v27, v32;
	v63 =	vld [tilespmem:s28+$0xC070];
	v39 =	vmul.f32 v49, v33;
	v22 =	vadd.f32 v34, v22;
	[tilespmem:s28+$0x830] =	vst v26  }
0x1e5: {  	v25 =	vmul.f32 v25, v32;
	v46 =	vld [tilespmem:s28+$0x1450];
	v37 =	vmul.f32 v51, v33;
	v28 =	vadd.f32 v40, v28;
	[tilespmem:s28+$0x810] =	vst v24  }
0x1e6: {  	v23 =	vmul.f32 v23, v32;
	v50 =	vld [tilespmem:s28+$0xC000];
	v35 =	vmul.f32 v53, v33;
	v27 =	vadd.f32 v39, v27;
	[tilespmem:s28+$0x470] =	vst v22  }
0x1e7: {  	v20 =	vmul.f32 v20, v32;
	v48 =	vld [tilespmem:s28+$0x1460];
	v30 =	vmul.f32 v56, v33;
	v25 =	vadd.f32 v37, v25;
	[tilespmem:s28+$0x850] =	vst v28  }
0x1e8: {  	v19 =	vmul.f32 v19, v32;
	v51 =	vld [tilespmem:s28+$0x0];
	v23 =	vadd.f32 v35, v23;
	v35 =	vmul.f32 v57, v33;
	[tilespmem:s28+$0x840] =	vst v27  }
0x1e9: {  	v18 =	vmul.f32 v18, v32;
	v34 =	vld [tilespmem:s28+$0xC060];
	v37 =	vmul.f32 v58, v33;
	v20 =	vadd.f32 v30, v20;
	[tilespmem:s28+$0x820] =	vst v25  }
0x1ea: {  	v17 =	vmul.f32 v17, v32;
	v36 =	vld [tilespmem:s28+$0xD440];
	v39 =	vmul.f32 v59, v33;
	[tilespmem:s28+$0x800] =	vst v23;
	v19 =	vadd.f32 v35, v19  }
0x1eb: {  	v15 =	vmul.f32 v15, v32;
	v38 =	vld [tilespmem:s28+$0xD450];
	v42 =	vmul.f32 v61, v33;
	v18 =	vadd.f32 v37, v18;
	[tilespmem:s28+$0x450] =	vst v20  }
0x1ec: {  	v14 =	vmul.f32 v14, v32;
	v40 =	vld [tilespmem:s28+$0xD460];
	v44 =	vmul.f32 v63, v33;
	v17 =	vadd.f32 v39, v17;
	[tilespmem:s28+$0x440] =	vst v19  }
0x1ed: {  	v49 =	vld [tilespmem:s28+$0x1470];
	v15 =	vadd.f32 v42, v15;
	v10 =	vmul.f32 v50, v33;
	v61 =	vmul.f32 v51, v32;
	[tilespmem:s28+$0x430] =	vst v18  }
0x1ee: {  	v13 =	vmul.f32 v13, v32;
	v14 =	vadd.f32 v44, v14;
	[tilespmem:s28+$0x420] =	vst v17;
	v47 =	vmul.f32 v34, v33  }
0x1ef: {  	v52 =	vmul.f32 v45, v32;
	[tilespmem:s28+$0x400] =	vst v15;
	v53 =	vmul.f32 v36, v33;
	v63 =	vadd.f32 v10, v61  }
0x1f0: {  	v54 =	vmul.f32 v46, v32;
	[tilespmem:s28+$0x70] =	vst v14;
	v55 =	vmul.f32 v38, v33;
	v13 =	vadd.f32 v47, v13  }
0x1f1: {  	v56 =	vmul.f32 v48, v32;
	v58 =	vmul.f32 v40, v33;
	v57 =	vadd.f32 v53, v52;
	[tilespmem:s28+$0x0] =	vst v63  }
0x1f2: {  	v60 =	vmul.f32 v43, v33;
	v59 =	vmul.f32 v49, v32;
	v3 =	vadd.f32 v55, v54;
	[tilespmem:s28+$0x60] =	vst v13  }
0x1f3: {  	v62 =	vadd.f32 v58, v56;
	[tilespmem:s28+$0x1440] =	vst v57  }
0x1f4: {  	s24 =	sadd.s32 $0x1, s24;
	[tilespmem:s28+$0x1450] =	vst v3;
	v3 =	vadd.f32 v60, v59  }
0x1f5: {  	p0 =	sne.s32 s24, s11;
	[tilespmem:s28+$0x1460] =	vst v62  }
.Ltmp1:
0x1f6: {  	[tilespmem:s28+$0x1470] =	vst v3;
	(pc) =	sbr.rel @p0 .LBB2_1-.Ltmp1, $4  }
0x1f7: {  	[hbm4b:s10+s2] =	stream.linear.scatter [tilespmem:s2], [sflag:$0x3], $0xC000, $0x38;
	[tilespmem:$0x1C100] =	vst v63  }
0x1f8: {  	_ =	swait.ge [sflag:s13], $0xC000  }
0x1f9: {  	[sflag:s13] =	ssyncset.done $0x0  }
0x1fa: {  	[sflag:s13] =	ssyncadd.s32 $0xFFFF4000  }
0x1fb: {  	_ =	sfence.sel $0x180000  }
0x1fc: {  	[bflag:$0x0] =	sbarrier.arrive $0xFFFF  }
0x1fd: {  	_ =	strace $0x9000004A  }
0x1fe: {  	s0 =	stileid.u32;
	[bflag:$0x2] =	sbarrier.arrive $0xFFFF  }
0x1ff: {  	p0 =	sne.s32 s0, $0x0;
	s0 =	rddreg [dreg:$0x2]  }
0x200: {  	s0 =	sadd.s32 @!p0 $0x100000, s0  }
0x201: {  	[sflag:s0] =	ssyncadd.tile.s32 @!p0 $0x1;
	_ =	shalt  }
.Lfunc_end2:
_tile_overlayer_lowered:
.L_overlay_start_2:
0x202: {  	(tag) =	ssettag $0x2  }
0x203: {  	s0 =	rddreg [dreg:$0x0];
	s2 =	stileid.u32  }
0x204: {  	s1 =	rddreg [dreg:$0x1];
	p0 =	sne.s32 s2, $0x0  }
0x205: {  	s3 =	rddreg [dreg:$0x2];
	[bflag:$0x3] =	sbarrier.arrive $0xFFFF;
	s2 =	simm.s32 @!p0 $0x1C03  }
0x206: {  	[timem:s3], [sflag:s2] =	dma.local @!p0 [hbm:s0], s1  }
0x207: {  	s0 =	simm.s32 @!p0 $0x3  }
0x208: {  	_ =	swait.ge @!p0 [sflag:s0], s1  }
0x209: {  	s1 =	ssub.s32 @!p0 $0x0, s1;
	[sflag:s0] =	ssyncset.done @!p0 $0x0  }
0x20a: {  	[sflag:s0] =	ssyncadd.s32 @!p0 s1  }
0x20b: {  	[bflag:$0x3] =	sbarrier.arrive $0xFFFF  }
0x20c: {  	_ =	shalt  }

</sc_bundles>
